<compile_context>
chip_gen: v7x
topology: tpu7x:2x2x1
jax: 0.10.2.dev20260603
libtpu: 0.0.44.dev20260713+nightly
codegen_flags: <defaults>
</compile_context>

<pallas_src>
import functools

import jax
import jax.numpy as jnp
from jax import lax
from jax.experimental import pallas as pl
from jax.experimental.pallas import tpu as pltpu
from jax.experimental.pallas import tpu_sc as plsc

N = 10000
E = 320000
DF = 128
DE = 16
H = 64
L = 32

H2 = 128
HS = 80
NC = 2
NS = 16
NW = NC * NS
EPW = E // NW
CB = 400
NCH = EPW // CB
NPAIR = (NCH - 1) // 2
ZR = 624
ZREM = N - ZR * NS

_SC_MESH = plsc.VectorSubcoreMesh(core_axis_name="c", subcore_axis_name="s")
_SC_PARAMS = pltpu.CompilerParams(use_tc_tiling_on_sc=False)


def _sliced_copy(src, dst, sid):
    pltpu.sync_copy(src.at[pl.ds(sid * ZR, ZR)], dst.at[pl.ds(sid * ZR, ZR)])

    @pl.when(sid == NS - 1)
    def _():
        pltpu.sync_copy(src.at[pl.ds(ZR * NS, ZREM)], dst.at[pl.ds(ZR * NS, ZREM)])


def _sc_edge_static(eh, dst3, zeros_hs):
    @functools.partial(
        pl.kernel,
        out_type=jax.ShapeDtypeStruct((NC, N, HS), jnp.float32),
        mesh=_SC_MESH,
        compiler_params=_SC_PARAMS,
        scratch_types=[
            pltpu.VMEM((EPW,), jnp.int32),
            pltpu.VMEM((CB, HS), jnp.float32),
            pltpu.VMEM((CB, HS), jnp.float32),
            pltpu.VMEM_SHARED((N, HS), jnp.float32),
            pltpu.SemaphoreType.DMA,
            pltpu.SemaphoreType.DMA,
        ],
    )
    def k(eh_h, dst_h, z_h, seh_o, idx_v, rows_a, rows_b, seh_sh,
          sem_a, sem_b):
        cid = lax.axis_index("c")
        sid = lax.axis_index("s")
        wid = cid * NS + sid
        _sliced_copy(z_h, seh_sh, sid)
        base_w = wid * EPW
        pltpu.sync_copy(dst_h.at[pl.ds(base_w, EPW)], idx_v)
        plsc.subcore_barrier()

        def load(j, buf, sem):
            return pltpu.async_copy(
                eh_h.at[pl.ds(base_w + j * CB, CB), pl.ds(0, HS)], buf, sem)

        def flush(j, buf):
            pltpu.sync_copy(buf, seh_sh.at[idx_v.at[pl.ds(j * CB, CB)]],
                            add=True)

        load(0, rows_a, sem_a).wait()

        def pair(i, carry):
            ja = 2 * i
            db = load(ja + 1, rows_b, sem_b)
            flush(ja, rows_a)
            da = load(ja + 2, rows_a, sem_a)
            db.wait()
            flush(ja + 1, rows_b)
            da.wait()
            return carry

        lax.fori_loop(0, NPAIR, pair, 0)
        flush(NCH - 1, rows_a)
        plsc.subcore_barrier()
        _sliced_copy(seh_sh, seh_o.at[cid], sid)

    return k(eh, dst3, zeros_hs)


def _sc_gather_segsum(h, src3, dst3, zeros_h):
    @functools.partial(
        pl.kernel,
        out_type=jax.ShapeDtypeStruct((NC, N, H), jnp.float32),
        mesh=_SC_MESH,
        compiler_params=_SC_PARAMS,
        scratch_types=[
            pltpu.VMEM((EPW,), jnp.int32),
            pltpu.VMEM((EPW,), jnp.int32),
            pltpu.VMEM((CB, H), jnp.float32),
            pltpu.VMEM((CB, H), jnp.float32),
            pltpu.VMEM_SHARED((N, H), jnp.float32),
            pltpu.SemaphoreType.DMA,
            pltpu.SemaphoreType.DMA,
        ],
    )
    def k(h_h, src_h, dst_h, z_h, s_o, idxs_v, idxd_v, rows_a, rows_b,
          acc_sh, sem_a, sem_b):
        cid = lax.axis_index("c")
        sid = lax.axis_index("s")
        wid = cid * NS + sid
        _sliced_copy(z_h, acc_sh, sid)
        base_w = wid * EPW
        pltpu.sync_copy(src_h.at[pl.ds(base_w, EPW)], idxs_v)
        pltpu.sync_copy(dst_h.at[pl.ds(base_w, EPW)], idxd_v)
        plsc.subcore_barrier()

        def gather(j, buf, sem):
            return pltpu.async_copy(h_h.at[idxs_v.at[pl.ds(j * CB, CB)]],
                                    buf, sem)

        def flush(j, buf):
            pltpu.sync_copy(buf, acc_sh.at[idxd_v.at[pl.ds(j * CB, CB)]],
                            add=True)

        gather(0, rows_a, sem_a).wait()

        def pair(i, carry):
            ja = 2 * i
            db = gather(ja + 1, rows_b, sem_b)
            flush(ja, rows_a)
            da = gather(ja + 2, rows_a, sem_a)
            db.wait()
            flush(ja + 1, rows_b)
            da.wait()
            return carry

        lax.fori_loop(0, NPAIR, pair, 0)
        flush(NCH - 1, rows_a)
        plsc.subcore_barrier()
        _sliced_copy(acc_sh, s_o.at[cid], sid)

    return k(h, src3, dst3, zeros_h)


def _sc_gather_z(z, src3, dst3):
    @functools.partial(
        pl.kernel,
        out_type=(
            jax.ShapeDtypeStruct((NW * NCH, CB, L), jnp.float32),
            jax.ShapeDtypeStruct((NW * NCH, CB, L), jnp.float32),
        ),
        mesh=_SC_MESH,
        compiler_params=_SC_PARAMS,
        scratch_types=[
            pltpu.VMEM((EPW,), jnp.int32),
            pltpu.VMEM((EPW,), jnp.int32),
            pltpu.VMEM((CB, L), jnp.float32),
            pltpu.VMEM((CB, L), jnp.float32),
            pltpu.VMEM((CB, L), jnp.float32),
            pltpu.VMEM((CB, L), jnp.float32),
            pltpu.SemaphoreType.DMA,
            pltpu.SemaphoreType.DMA,
        ],
    )
    def k(z_h, src_h, dst_h, gzs_o, gzd_o, idxs_v, idxd_v,
          rs_a, rd_a, rs_b, rd_b, sem_a, sem_b):
        cid = lax.axis_index("c")
        sid = lax.axis_index("s")
        wid = cid * NS + sid
        base_w = wid * EPW
        pltpu.sync_copy(src_h.at[pl.ds(base_w, EPW)], idxs_v)
        pltpu.sync_copy(dst_h.at[pl.ds(base_w, EPW)], idxd_v)

        def gathers(j, rs, rd, sem):
            sl = pl.ds(j * CB, CB)
            cs = pltpu.async_copy(z_h.at[idxs_v.at[sl]], rs, sem)
            cd = pltpu.async_copy(z_h.at[idxd_v.at[sl]], rd, sem)
            return cs, cd

        def flush(j, rs, rd):
            pltpu.sync_copy(rs, gzs_o.at[wid * NCH + j])
            pltpu.sync_copy(rd, gzd_o.at[wid * NCH + j])

        ca, cb2 = gathers(0, rs_a, rd_a, sem_a)
        ca.wait()
        cb2.wait()

        def pair(i, carry):
            ja = 2 * i
            b1, b2 = gathers(ja + 1, rs_b, rd_b, sem_b)
            flush(ja, rs_a, rd_a)
            a1, a2 = gathers(ja + 2, rs_a, rd_a, sem_a)
            b1.wait()
            b2.wait()
            flush(ja + 1, rs_b, rd_b)
            a1.wait()
            a2.wait()
            return carry

        lax.fori_loop(0, NPAIR, pair, 0)
        flush(NCH - 1, rs_a, rd_a)

    return k(z, src3, dst3)


def _tc_in_proj(x, w, b):
    BM = 2000

    def body(x_r, w_r, b_r, o_r):
        o_r[...] = jax.nn.relu(
            jnp.dot(x_r[...], w_r[...], preferred_element_type=jnp.float32)
            + b_r[...]
        )

    return pl.pallas_call(
        body,
        grid=(N // BM,),
        in_specs=[
            pl.BlockSpec((BM, DF), lambda i: (i, 0)),
            pl.BlockSpec((DF, H), lambda i: (0, 0)),
            pl.BlockSpec((1, H), lambda i: (0, 0)),
        ],
        out_specs=pl.BlockSpec((BM, H), lambda i: (i, 0)),
        out_shape=jax.ShapeDtypeStruct((N, H), jnp.float32),
    )(x, w, b)


def _tc_edge_proj(ea_t, w_pad, b_pad):
    BM = 6400

    def body(a_r, w_r, b_r, o_r):
        o_r[...] = jax.nn.relu(
            lax.dot_general(a_r[...], w_r[...], (((0,), (0,)), ((), ())),
                            preferred_element_type=jnp.float32)
            + b_r[...]
        )

    return pl.pallas_call(
        body,
        grid=(E // BM,),
        in_specs=[
            pl.BlockSpec((DE, BM), lambda i: (0, i)),
            pl.BlockSpec((DE, H2), lambda i: (0, 0)),
            pl.BlockSpec((1, H2), lambda i: (0, 0)),
        ],
        out_specs=pl.BlockSpec((BM, H2), lambda i: (i, 0)),
        out_shape=jax.ShapeDtypeStruct((E, H2), jnp.float32),
    )(ea_t, w_pad, b_pad)


def _tc_layer_combine(h, s, seh, ws, wn, b):

    def body(h_r, s_r, seh_r, ws_r, wn_r, b_r, o_r):
        deg = seh_r[0, :, H:H + 1] + seh_r[1, :, H:H + 1]
        deg = jnp.maximum(deg, 1.0)
        agg = (s_r[0] + s_r[1] + seh_r[0, :, :H] + seh_r[1, :, :H]) / deg
        o_r[...] = jax.nn.relu(
            jnp.dot(h_r[...], ws_r[...], preferred_element_type=jnp.float32)
            + jnp.dot(agg, wn_r[...], preferred_element_type=jnp.float32)
            + b_r[...]
        )

    return pl.pallas_call(
        body,
        out_shape=jax.ShapeDtypeStruct((N, H), jnp.float32),
    )(h, s, seh, ws, wn, b)


def _tc_latent_node(h, w_lat, b_lat, nd_w1, nd_b1, nd_w2, nd_b2):

    def body(h_r, wl_r, bl_r, w1_r, b1_r, w2_r, b2_r, z_o, g_o, rn_o):
        z = jnp.dot(h_r[...], wl_r[...], preferred_element_type=jnp.float32) + bl_r[...]
        z_o[...] = z
        g_o[...] = jnp.mean(z, axis=0, keepdims=True)
        hid = jax.nn.relu(
            jnp.dot(z, w1_r[...], preferred_element_type=jnp.float32) + b1_r[...]
        )
        rn_o[...] = (
            jnp.dot(hid, w2_r[...], preferred_element_type=jnp.float32) + b2_r[...]
        )

    return pl.pallas_call(
        body,
        out_shape=(
            jax.ShapeDtypeStruct((N, L), jnp.float32),
            jax.ShapeDtypeStruct((1, L), jnp.float32),
            jax.ShapeDtypeStruct((N, DF), jnp.float32),
        ),
    )(h, w_lat, b_lat, nd_w1, nd_b1, nd_w2, nd_b2)


def _tc_edge_decode(gzs4, gzd4, w1a4, w1b4, b1_4, w2_4, b2_4):
    BM4 = 4000

    def body(s_r, d_r, w1a_r, w1b_r, b1_r, w2_r, b2_r, o_r):
        hid = jax.nn.relu(
            jnp.dot(s_r[...], w1a_r[...], preferred_element_type=jnp.float32)
            + jnp.dot(d_r[...], w1b_r[...], preferred_element_type=jnp.float32)
            + b1_r[...]
        )
        o_r[...] = (
            jnp.dot(hid, w2_r[...], preferred_element_type=jnp.float32) + b2_r[...]
        )

    return pl.pallas_call(
        body,
        grid=(E // 4 // BM4,),
        in_specs=[
            pl.BlockSpec((BM4, 4 * L), lambda i: (i, 0)),
            pl.BlockSpec((BM4, 4 * L), lambda i: (i, 0)),
            pl.BlockSpec((4 * L, 4 * H), lambda i: (0, 0)),
            pl.BlockSpec((4 * L, 4 * H), lambda i: (0, 0)),
            pl.BlockSpec((1, 4 * H), lambda i: (0, 0)),
            pl.BlockSpec((4 * H, 4 * DE), lambda i: (0, 0)),
            pl.BlockSpec((1, 4 * DE), lambda i: (0, 0)),
        ],
        out_specs=pl.BlockSpec((BM4, 4 * DE), lambda i: (i, 0)),
        out_shape=jax.ShapeDtypeStruct((E // 4, 4 * DE), jnp.float32),
    )(gzs4, gzd4, w1a4, w1b4, b1_4, w2_4, b2_4)


def kernel(x, edge_index, edge_attr, W_in, b_in, W_edge, b_edge, W_self0,
           W_nbr0, b0, W_self1, W_nbr1, b1, W_lat, b_lat, nd_W1, nd_b1,
           nd_W2, nd_b2, ed_W1, ed_b1, ed_W2, ed_b2):
    src = edge_index[0].astype(jnp.int32)
    dst = edge_index[1].astype(jnp.int32)

    zeros_h = jnp.zeros((N, H), jnp.float32)
    zeros_hs = jnp.zeros((N, HS), jnp.float32)

    w_edge_pad = jnp.zeros((DE, H2), jnp.float32).at[:, :H].set(W_edge)
    b_edge_pad = jnp.zeros((1, H2), jnp.float32).at[:, :H].set(b_edge)
    b_edge_pad = b_edge_pad.at[:, H].set(1.0)
    bd = jax.scipy.linalg.block_diag
    w1a4 = bd(*([ed_W1[:L]] * 4))
    w1b4 = bd(*([ed_W1[L:]] * 4))
    w2_4 = bd(*([ed_W2] * 4))
    b1_4 = jnp.tile(ed_b1, 4).reshape(1, 4 * H)
    b2_4 = jnp.tile(ed_b2, 4).reshape(1, 4 * DE)

    h = _tc_in_proj(x, W_in, b_in.reshape(1, H))
    eh = _tc_edge_proj(edge_attr.T, w_edge_pad, b_edge_pad)

    seh = _sc_edge_static(eh, dst, zeros_hs)

    for ws, wn, b in ((W_self0, W_nbr0, b0), (W_self1, W_nbr1, b1)):
        s = _sc_gather_segsum(h, src, dst, zeros_h)
        h = _tc_layer_combine(h, s, seh, ws, wn, b.reshape(1, H))

    z, g, recon_node = _tc_latent_node(
        h, W_lat, b_lat.reshape(1, L), nd_W1, nd_b1.reshape(1, H),
        nd_W2, nd_b2.reshape(1, DF))

    gzs, gzd = _sc_gather_z(z, src, dst)
    recon_edge4 = _tc_edge_decode(
        gzs.reshape(E // 4, 4 * L), gzd.reshape(E // 4, 4 * L),
        w1a4, w1b4, b1_4, w2_4, b2_4)

    recon_edge = recon_edge4.reshape(E // 4, 4, DE).transpose(2, 0, 1).reshape(DE, E).T

    return (z, g, recon_node, recon_edge)

# --- scband reference (transcript-rebuilt; emitter-appended) ---
"""Pipeline reference for scband-graph-auto-encoder-3693671874957 (READ-ONLY COPY).

The authoritative reference and input builder live on the scoring server;
editing this copy changes nothing except your own understanding.
"""

import jax, jax.numpy as jnp
import numpy as np

N = 10000
E = 320000
DF = 128
DE = 16
H = 64
L = 32


def setup_inputs(seed: int = 0):
    key = jax.random.key(seed)
    ks = jax.random.split(key, 16)
    def nrm(k, shape, fan_in):
        return jax.random.normal(k, shape, jnp.float32) / np.sqrt(fan_in)
    inp = {}
    inp["x"] = jax.random.normal(ks[0], (N, DF), jnp.float32)
    inp["edge_index"] = jax.random.randint(ks[1], (2, E), 0, N)
    inp["edge_attr"] = jax.random.normal(ks[2], (E, DE), jnp.float32)
    inp["W_in"] = nrm(ks[3], (DF, H), DF)
    inp["b_in"] = jnp.zeros((H,), jnp.float32)
    inp["W_edge"] = nrm(ks[4], (DE, H), DE)
    inp["b_edge"] = jnp.zeros((H,), jnp.float32)
    inp["W_self0"] = nrm(ks[5], (H, H), H)
    inp["W_nbr0"] = nrm(ks[6], (H, H), H)
    inp["b0"] = jnp.zeros((H,), jnp.float32)
    inp["W_self1"] = nrm(ks[7], (H, H), H)
    inp["W_nbr1"] = nrm(ks[8], (H, H), H)
    inp["b1"] = jnp.zeros((H,), jnp.float32)
    inp["W_lat"] = nrm(ks[9], (H, L), H)
    inp["b_lat"] = jnp.zeros((L,), jnp.float32)
    inp["nd_W1"] = nrm(ks[10], (L, H), L)
    inp["nd_b1"] = jnp.zeros((H,), jnp.float32)
    inp["nd_W2"] = nrm(ks[11], (H, DF), H)
    inp["nd_b2"] = jnp.zeros((DF,), jnp.float32)
    inp["ed_W1"] = nrm(ks[12], (2 * L, H), 2 * L)
    inp["ed_b1"] = jnp.zeros((H,), jnp.float32)
    inp["ed_W2"] = nrm(ks[13], (H, DE), H)
    inp["ed_b2"] = jnp.zeros((DE,), jnp.float32)
    return inp


def reference(x, edge_index, edge_attr, W_in, b_in, W_edge, b_edge, W_self0, W_nbr0, b0, W_self1, W_nbr1, b1, W_lat, b_lat, nd_W1, nd_b1, nd_W2, nd_b2, ed_W1, ed_b1, ed_W2, ed_b2):
    src = edge_index[0]
    dst = edge_index[1]
    # encoder: input projections
    h = jax.nn.relu(x @ W_in + b_in)
    eh = jax.nn.relu(edge_attr @ W_edge + b_edge)
    deg = jax.ops.segment_sum(jnp.ones((E,), jnp.float32), dst, num_segments=N)
    deg = jnp.clip(deg, 1.0, None)[:, None]
    # num_layers=2 message-passing layers (gather -> scatter-add mean -> dense)
    for Ws, Wn, b in ((W_self0, W_nbr0, b0), (W_self1, W_nbr1, b1)):
        msg = h[src] + eh
        agg = jax.ops.segment_sum(msg, dst, num_segments=N) / deg
        h = jax.nn.relu(h @ Ws + agg @ Wn + b)
    # latent node embeddings + mean-pooled graph embedding
    z = h @ W_lat + b_lat
    g = jnp.mean(z, axis=0, keepdims=True)
    # node decoder MLP (dropout=0.0)
    recon_node = jax.nn.relu(z @ nd_W1 + nd_b1) @ nd_W2 + nd_b2
    # edge decoder on concatenated endpoint embeddings
    ez = jnp.concatenate([z[src], z[dst]], axis=-1)
    recon_edge = jax.nn.relu(ez @ ed_W1 + ed_b1) @ ed_W2 + ed_b2
    return (z, g, recon_node, recon_edge)

if __name__ == "__main__":
    import jax
    _d = setup_inputs()
    print(jax.jit(kernel)(*tuple(_d.values())))

</pallas_src>

<mosaic_0001>
#map = affine_map<(d0, d1) -> (0, 0)>
#map1 = affine_map<(d0, d1) -> (0)>
#map2 = affine_map<(d0, d1) -> (0, 0, 0)>
module attributes {stable_mosaic.version = 14 : i64} {
  func.func @k(%arg0: i32, %arg1: i32, %arg2: memref<320000x128xf32, #tpu.memory_space<hbm>>, %arg3: memref<320000xi32, #tpu.memory_space<hbm>>, %arg4: memref<10000x80xf32, #tpu.memory_space<hbm>>, %arg5: memref<2x10000x80xf32, #tpu.memory_space<hbm>>, %arg6: memref<10000xi32, #tpu.memory_space<vmem>>, %arg7: memref<400x80xf32, #tpu.memory_space<vmem>>, %arg8: memref<400x80xf32, #tpu.memory_space<vmem>>, %arg9: memref<10000x80xf32, #tpu.memory_space<vmem_shared>>, %arg10: memref<!tpu.dma_semaphore, #tpu.memory_space<semaphore_mem>>, %arg11: memref<!tpu.dma_semaphore, #tpu.memory_space<semaphore_mem>>) attributes {dimension_semantics = [#tpu.dimension_semantics<core_parallel>, #tpu.dimension_semantics<subcore_parallel>], iteration_bounds = array<i64: 2, 16>, scalar_prefetch = 0 : i64, scratch_operands = 6 : i64, tpu.core_type = #tpu.core_type<sc_vector_subcore>, window_params = [{transform_indices = #map}, {transform_indices = #map1}, {transform_indices = #map}, {transform_indices = #map2}]} {
    %mul3A = arith.constant 16 : i32
    %mul3A_0 = arith.muli %arg0, %mul3A : i32
    %add3A = arith.addi %mul3A_0, %arg1 : i32
    %mul3A_1 = arith.constant 624 : i32
    %mul3A_2 = arith.muli %arg1, %mul3A_1 : i32
    %mul3A_3 = arith.constant 624 : i32
    %mul3A_4 = arith.muli %arg1, %mul3A_3 : i32
    "tpu.region"() ({
      %run_scoped3A = tpu.sem_alloc : memref<!tpu.dma_semaphore, #tpu.memory_space<semaphore_mem>>
      %dma_start3A_32 = arith.constant 0 : i32
      %dma_start3A_33 = tpu.memref_slice %arg9[%mul3A_4, %dma_start3A_32] : memref<10000x80xf32, #tpu.memory_space<vmem_shared>> -> memref<624x80xf32, #tpu.memory_space<vmem_shared>>
      %dma_start3A_34 = arith.constant 0 : i32
      %dma_start3A_35 = tpu.memref_slice %arg4[%mul3A_2, %dma_start3A_34] : memref<10000x80xf32, #tpu.memory_space<hbm>> -> memref<624x80xf32, #tpu.memory_space<hbm>>
      tpu.enqueue_dma source(%dma_start3A_35 : memref<624x80xf32, #tpu.memory_space<hbm>>) target(%dma_start3A_33 : memref<624x80xf32, #tpu.memory_space<vmem_shared>>) target_semaphore(%run_scoped3A : memref<!tpu.dma_semaphore, #tpu.memory_space<semaphore_mem>>)
      %dma_wait3A_36 = arith.constant 0 : i32
      %dma_wait3A_37 = tpu.memref_slice %arg9[%mul3A_4, %dma_wait3A_36] : memref<10000x80xf32, #tpu.memory_space<vmem_shared>> -> memref<624x80xf32, #tpu.memory_space<vmem_shared>>
      %dma_wait3A_38 = arith.constant 0 : i32
      %dma_wait3A_39 = tpu.memref_slice %arg4[%mul3A_2, %dma_wait3A_38] : memref<10000x80xf32, #tpu.memory_space<hbm>> -> memref<624x80xf32, #tpu.memory_space<hbm>>
      tpu.wait_dma2 semaphore(%run_scoped3A : memref<!tpu.dma_semaphore, #tpu.memory_space<semaphore_mem>>) src(%dma_wait3A_39 : memref<624x80xf32, #tpu.memory_space<hbm>>) dst(%dma_wait3A_37 : memref<624x80xf32, #tpu.memory_space<vmem_shared>>)
      tpu.yield
    }) : () -> ()
    %eq3A = arith.constant 15 : i32
    %eq3A_5 = arith.cmpi eq, %arg1, %eq3A : i32
    %convert_element_type3A = arith.extui %eq3A_5 : i1 to i32
    %cond3A = arith.constant 0 : i32
    %cond3A_6 = arith.cmpi ne, %convert_element_type3A, %cond3A : i32
    scf.if %cond3A_6 {
      "tpu.region"() ({
        %run_scoped3A = tpu.sem_alloc : memref<!tpu.dma_semaphore, #tpu.memory_space<semaphore_mem>>
        %dma_start3A_32 = arith.constant 9984 : i32
        %dma_start3A_33 = arith.constant 0 : i32
        %dma_start3A_34 = tpu.memref_slice %arg9[%dma_start3A_32, %dma_start3A_33] : memref<10000x80xf32, #tpu.memory_space<vmem_shared>> -> memref<16x80xf32, #tpu.memory_space<vmem_shared>>
        %dma_start3A_35 = arith.constant 9984 : i32
        %dma_start3A_36 = arith.constant 0 : i32
        %dma_start3A_37 = tpu.memref_slice %arg4[%dma_start3A_35, %dma_start3A_36] : memref<10000x80xf32, #tpu.memory_space<hbm>> -> memref<16x80xf32, #tpu.memory_space<hbm>>
        tpu.enqueue_dma source(%dma_start3A_37 : memref<16x80xf32, #tpu.memory_space<hbm>>) target(%dma_start3A_34 : memref<16x80xf32, #tpu.memory_space<vmem_shared>>) target_semaphore(%run_scoped3A : memref<!tpu.dma_semaphore, #tpu.memory_space<semaphore_mem>>)
        %dma_wait3A_38 = arith.constant 9984 : i32
        %dma_wait3A_39 = arith.constant 0 : i32
        %dma_wait3A_40 = tpu.memref_slice %arg9[%dma_wait3A_38, %dma_wait3A_39] : memref<10000x80xf32, #tpu.memory_space<vmem_shared>> -> memref<16x80xf32, #tpu.memory_space<vmem_shared>>
        %dma_wait3A_41 = arith.constant 9984 : i32
        %dma_wait3A_42 = arith.constant 0 : i32
        %dma_wait3A_43 = tpu.memref_slice %arg4[%dma_wait3A_41, %dma_wait3A_42] : memref<10000x80xf32, #tpu.memory_space<hbm>> -> memref<16x80xf32, #tpu.memory_space<hbm>>
        tpu.wait_dma2 semaphore(%run_scoped3A : memref<!tpu.dma_semaphore, #tpu.memory_space<semaphore_mem>>) src(%dma_wait3A_43 : memref<16x80xf32, #tpu.memory_space<hbm>>) dst(%dma_wait3A_40 : memref<16x80xf32, #tpu.memory_space<vmem_shared>>)
        tpu.yield
      }) : () -> ()
    } else {
    }
    %mul3A_7 = arith.constant 10000 : i32
    %mul3A_8 = arith.muli %add3A, %mul3A_7 : i32
    "tpu.region"() ({
      %run_scoped3A = tpu.sem_alloc : memref<!tpu.dma_semaphore, #tpu.memory_space<semaphore_mem>>
      %dma_start3A_32 = tpu.memref_slice %arg3[%mul3A_8] : memref<320000xi32, #tpu.memory_space<hbm>> -> memref<10000xi32, #tpu.memory_space<hbm>>
      %dma_start3A_33 = tpu.memref_slice %arg3[%mul3A_8] : memref<320000xi32, #tpu.memory_space<hbm>> -> memref<10000xi32, #tpu.memory_space<hbm>>
      tpu.enqueue_dma source(%dma_start3A_33 : memref<10000xi32, #tpu.memory_space<hbm>>) target(%arg6 : memref<10000xi32, #tpu.memory_space<vmem>>) target_semaphore(%run_scoped3A : memref<!tpu.dma_semaphore, #tpu.memory_space<semaphore_mem>>)
      %dma_wait3A_34 = tpu.memref_slice %arg3[%mul3A_8] : memref<320000xi32, #tpu.memory_space<hbm>> -> memref<10000xi32, #tpu.memory_space<hbm>>
      %dma_wait3A_35 = tpu.memref_slice %arg3[%mul3A_8] : memref<320000xi32, #tpu.memory_space<hbm>> -> memref<10000xi32, #tpu.memory_space<hbm>>
      tpu.wait_dma2 semaphore(%run_scoped3A : memref<!tpu.dma_semaphore, #tpu.memory_space<semaphore_mem>>) src(%dma_wait3A_35 : memref<10000xi32, #tpu.memory_space<hbm>>) dst(%arg6 : memref<10000xi32, #tpu.memory_space<vmem>>)
      tpu.yield
    }) : () -> ()
    %barrier3A = arith.constant 0 : index
    tpu.barrier barrier_id(%barrier3A)
    %add3A_9 = arith.constant 0 : i32
    %add3A_10 = arith.addi %mul3A_8, %add3A_9 : i32
    %dma_start3A = arith.constant 0 : i32
    %dma_start3A_11 = tpu.memref_slice %arg2[%add3A_10, %dma_start3A] : memref<320000x128xf32, #tpu.memory_space<hbm>> -> memref<400x80xf32, #tpu.memory_space<hbm>>
    %dma_start3A_12 = arith.constant 0 : i32
    %dma_start3A_13 = tpu.memref_slice %arg2[%add3A_10, %dma_start3A_12] : memref<320000x128xf32, #tpu.memory_space<hbm>> -> memref<400x80xf32, #tpu.memory_space<hbm>>
    tpu.enqueue_dma source(%dma_start3A_13 : memref<400x80xf32, #tpu.memory_space<hbm>>) target(%arg7 : memref<400x80xf32, #tpu.memory_space<vmem>>) target_semaphore(%arg10 : memref<!tpu.dma_semaphore, #tpu.memory_space<semaphore_mem>>)
    %dma_wait3A = arith.constant 0 : i32
    %dma_wait3A_14 = tpu.memref_slice %arg2[%add3A_10, %dma_wait3A] : memref<320000x128xf32, #tpu.memory_space<hbm>> -> memref<400x80xf32, #tpu.memory_space<hbm>>
    %dma_wait3A_15 = arith.constant 0 : i32
    %dma_wait3A_16 = tpu.memref_slice %arg2[%add3A_10, %dma_wait3A_15] : memref<320000x128xf32, #tpu.memory_space<hbm>> -> memref<400x80xf32, #tpu.memory_space<hbm>>
    tpu.wait_dma2 semaphore(%arg10 : memref<!tpu.dma_semaphore, #tpu.memory_space<semaphore_mem>>) src(%dma_wait3A_16 : memref<400x80xf32, #tpu.memory_space<hbm>>) dst(%arg7 : memref<400x80xf32, #tpu.memory_space<vmem>>)
    %scan3A = arith.constant 0 : i32
    %scan3A_17 = arith.constant 0 : i32
    %scan3A_18 = arith.constant 12 : i32
    %scan3A_19 = arith.addi %scan3A_17, %scan3A_18 : i32
    %scan3A_20 = arith.constant 1 : i32
    scf.for %scan3A_32 = %scan3A_17 to %scan3A_19 step %scan3A_20  : i32 {
      %mul3A_33 = arith.constant 2 : i32
      %mul3A_34 = arith.muli %mul3A_33, %scan3A_32 : i32
      %add3A_35 = arith.constant 1 : i32
      %add3A_36 = arith.addi %mul3A_34, %add3A_35 : i32
      %mul3A_37 = arith.constant 400 : i32
      %mul3A_38 = arith.muli %add3A_36, %mul3A_37 : i32
      %add3A_39 = arith.addi %mul3A_8, %mul3A_38 : i32
      %dma_start3A_40 = arith.constant 0 : i32
      %dma_start3A_41 = tpu.memref_slice %arg2[%add3A_39, %dma_start3A_40] : memref<320000x128xf32, #tpu.memory_space<hbm>> -> memref<400x80xf32, #tpu.memory_space<hbm>>
      %dma_start3A_42 = arith.constant 0 : i32
      %dma_start3A_43 = tpu.memref_slice %arg2[%add3A_39, %dma_start3A_42] : memref<320000x128xf32, #tpu.memory_space<hbm>> -> memref<400x80xf32, #tpu.memory_space<hbm>>
      tpu.enqueue_dma source(%dma_start3A_43 : memref<400x80xf32, #tpu.memory_space<hbm>>) target(%arg8 : memref<400x80xf32, #tpu.memory_space<vmem>>) target_semaphore(%arg11 : memref<!tpu.dma_semaphore, #tpu.memory_space<semaphore_mem>>)
      %mul3A_44 = arith.constant 400 : i32
      %mul3A_45 = arith.muli %mul3A_34, %mul3A_44 : i32
      "tpu.region"() ({
        %run_scoped3A = tpu.sem_alloc : memref<!tpu.dma_semaphore, #tpu.memory_space<semaphore_mem>>
        %dma_start3A_67 = tpu.memref_slice %arg6[%mul3A_45] : memref<10000xi32, #tpu.memory_space<vmem>> -> memref<400xi32, #tpu.memory_space<vmem>>
        %dma_start3A_68 = arith.constant 0 : i32
        %dma_start3A_69 = arith.constant 0 : i32
        %dma_start3A_70 = tpu.memref_slice %arg9[%dma_start3A_68, %dma_start3A_69] : memref<10000x80xf32, #tpu.memory_space<vmem_shared>> -> memref<10000x80xf32, #tpu.memory_space<vmem_shared>>
        tpu.enqueue_indirect_dma source(%arg7 : memref<400x80xf32, #tpu.memory_space<vmem>>) target(%dma_start3A_70 : memref<10000x80xf32, #tpu.memory_space<vmem_shared>>) offsets(%dma_start3A_67 : memref<400xi32, #tpu.memory_space<vmem>>) semaphore(%run_scoped3A : memref<!tpu.dma_semaphore, #tpu.memory_space<semaphore_mem>>) {add = true}
        %dma_wait3A_71 = tpu.memref_slice %arg6[%mul3A_45] : memref<10000xi32, #tpu.memory_space<vmem>> -> memref<400xi32, #tpu.memory_space<vmem>>
        %dma_wait3A_72 = arith.constant 0 : i32
        %dma_wait3A_73 = arith.constant 0 : i32
        %dma_wait3A_74 = tpu.memref_slice %arg9[%dma_wait3A_72, %dma_wait3A_73] : memref<10000x80xf32, #tpu.memory_space<vmem_shared>> -> memref<10000x80xf32, #tpu.memory_space<vmem_shared>>
        tpu.wait_indirect_dma semaphore(%run_scoped3A : memref<!tpu.dma_semaphore, #tpu.memory_space<semaphore_mem>>) src(%arg7 : memref<400x80xf32, #tpu.memory_space<vmem>>) dst(%dma_wait3A_74 : memref<10000x80xf32, #tpu.memory_space<vmem_shared>>)
        tpu.yield
      }) : () -> ()
      %add3A_46 = arith.constant 2 : i32
      %add3A_47 = arith.addi %mul3A_34, %add3A_46 : i32
      %mul3A_48 = arith.constant 400 : i32
      %mul3A_49 = arith.muli %add3A_47, %mul3A_48 : i32
      %add3A_50 = arith.addi %mul3A_8, %mul3A_49 : i32
      %dma_start3A_51 = arith.constant 0 : i32
      %dma_start3A_52 = tpu.memref_slice %arg2[%add3A_50, %dma_start3A_51] : memref<320000x128xf32, #tpu.memory_space<hbm>> -> memref<400x80xf32, #tpu.memory_space<hbm>>
      %dma_start3A_53 = arith.constant 0 : i32
      %dma_start3A_54 = tpu.memref_slice %arg2[%add3A_50, %dma_start3A_53] : memref<320000x128xf32, #tpu.memory_space<hbm>> -> memref<400x80xf32, #tpu.memory_space<hbm>>
      tpu.enqueue_dma source(%dma_start3A_54 : memref<400x80xf32, #tpu.memory_space<hbm>>) target(%arg7 : memref<400x80xf32, #tpu.memory_space<vmem>>) target_semaphore(%arg10 : memref<!tpu.dma_semaphore, #tpu.memory_space<semaphore_mem>>)
      %dma_wait3A_55 = arith.constant 0 : i32
      %dma_wait3A_56 = tpu.memref_slice %arg2[%add3A_39, %dma_wait3A_55] : memref<320000x128xf32, #tpu.memory_space<hbm>> -> memref<400x80xf32, #tpu.memory_space<hbm>>
      %dma_wait3A_57 = arith.constant 0 : i32
      %dma_wait3A_58 = tpu.memref_slice %arg2[%add3A_39, %dma_wait3A_57] : memref<320000x128xf32, #tpu.memory_space<hbm>> -> memref<400x80xf32, #tpu.memory_space<hbm>>
      tpu.wait_dma2 semaphore(%arg11 : memref<!tpu.dma_semaphore, #tpu.memory_space<semaphore_mem>>) src(%dma_wait3A_58 : memref<400x80xf32, #tpu.memory_space<hbm>>) dst(%arg8 : memref<400x80xf32, #tpu.memory_space<vmem>>)
      %add3A_59 = arith.constant 1 : i32
      %add3A_60 = arith.addi %mul3A_34, %add3A_59 : i32
      %mul3A_61 = arith.constant 400 : i32
      %mul3A_62 = arith.muli %add3A_60, %mul3A_61 : i32
      "tpu.region"() ({
        %run_scoped3A = tpu.sem_alloc : memref<!tpu.dma_semaphore, #tpu.memory_space<semaphore_mem>>
        %dma_start3A_67 = tpu.memref_slice %arg6[%mul3A_62] : memref<10000xi32, #tpu.memory_space<vmem>> -> memref<400xi32, #tpu.memory_space<vmem>>
        %dma_start3A_68 = arith.constant 0 : i32
        %dma_start3A_69 = arith.constant 0 : i32
        %dma_start3A_70 = tpu.memref_slice %arg9[%dma_start3A_68, %dma_start3A_69] : memref<10000x80xf32, #tpu.memory_space<vmem_shared>> -> memref<10000x80xf32, #tpu.memory_space<vmem_shared>>
        tpu.enqueue_indirect_dma source(%arg8 : memref<400x80xf32, #tpu.memory_space<vmem>>) target(%dma_start3A_70 : memref<10000x80xf32, #tpu.memory_space<vmem_shared>>) offsets(%dma_start3A_67 : memref<400xi32, #tpu.memory_space<vmem>>) semaphore(%run_scoped3A : memref<!tpu.dma_semaphore, #tpu.memory_space<semaphore_mem>>) {add = true}
        %dma_wait3A_71 = tpu.memref_slice %arg6[%mul3A_62] : memref<10000xi32, #tpu.memory_space<vmem>> -> memref<400xi32, #tpu.memory_space<vmem>>
        %dma_wait3A_72 = arith.constant 0 : i32
        %dma_wait3A_73 = arith.constant 0 : i32
        %dma_wait3A_74 = tpu.memref_slice %arg9[%dma_wait3A_72, %dma_wait3A_73] : memref<10000x80xf32, #tpu.memory_space<vmem_shared>> -> memref<10000x80xf32, #tpu.memory_space<vmem_shared>>
        tpu.wait_indirect_dma semaphore(%run_scoped3A : memref<!tpu.dma_semaphore, #tpu.memory_space<semaphore_mem>>) src(%arg8 : memref<400x80xf32, #tpu.memory_space<vmem>>) dst(%dma_wait3A_74 : memref<10000x80xf32, #tpu.memory_space<vmem_shared>>)
        tpu.yield
      }) : () -> ()
      %dma_wait3A_63 = arith.constant 0 : i32
      %dma_wait3A_64 = tpu.memref_slice %arg2[%add3A_50, %dma_wait3A_63] : memref<320000x128xf32, #tpu.memory_space<hbm>> -> memref<400x80xf32, #tpu.memory_space<hbm>>
      %dma_wait3A_65 = arith.constant 0 : i32
      %dma_wait3A_66 = tpu.memref_slice %arg2[%add3A_50, %dma_wait3A_65] : memref<320000x128xf32, #tpu.memory_space<hbm>> -> memref<400x80xf32, #tpu.memory_space<hbm>>
      tpu.wait_dma2 semaphore(%arg10 : memref<!tpu.dma_semaphore, #tpu.memory_space<semaphore_mem>>) src(%dma_wait3A_66 : memref<400x80xf32, #tpu.memory_space<hbm>>) dst(%arg7 : memref<400x80xf32, #tpu.memory_space<vmem>>)
    }
    %scan3A_21 = arith.constant 12 : i32
    "tpu.region"() ({
      %run_scoped3A = tpu.sem_alloc : memref<!tpu.dma_semaphore, #tpu.memory_space<semaphore_mem>>
      %dma_start3A_32 = arith.constant 9600 : i32
      %dma_start3A_33 = tpu.memref_slice %arg6[%dma_start3A_32] : memref<10000xi32, #tpu.memory_space<vmem>> -> memref<400xi32, #tpu.memory_space<vmem>>
      %dma_start3A_34 = arith.constant 0 : i32
      %dma_start3A_35 = arith.constant 0 : i32
      %dma_start3A_36 = tpu.memref_slice %arg9[%dma_start3A_34, %dma_start3A_35] : memref<10000x80xf32, #tpu.memory_space<vmem_shared>> -> memref<10000x80xf32, #tpu.memory_space<vmem_shared>>
      tpu.enqueue_indirect_dma source(%arg7 : memref<400x80xf32, #tpu.memory_space<vmem>>) target(%dma_start3A_36 : memref<10000x80xf32, #tpu.memory_space<vmem_shared>>) offsets(%dma_start3A_33 : memref<400xi32, #tpu.memory_space<vmem>>) semaphore(%run_scoped3A : memref<!tpu.dma_semaphore, #tpu.memory_space<semaphore_mem>>) {add = true}
      %dma_wait3A_37 = arith.constant 9600 : i32
      %dma_wait3A_38 = tpu.memref_slice %arg6[%dma_wait3A_37] : memref<10000xi32, #tpu.memory_space<vmem>> -> memref<400xi32, #tpu.memory_space<vmem>>
      %dma_wait3A_39 = arith.constant 0 : i32
      %dma_wait3A_40 = arith.constant 0 : i32
      %dma_wait3A_41 = tpu.memref_slice %arg9[%dma_wait3A_39, %dma_wait3A_40] : memref<10000x80xf32, #tpu.memory_space<vmem_shared>> -> memref<10000x80xf32, #tpu.memory_space<vmem_shared>>
      tpu.wait_indirect_dma semaphore(%run_scoped3A : memref<!tpu.dma_semaphore, #tpu.memory_space<semaphore_mem>>) src(%arg7 : memref<400x80xf32, #tpu.memory_space<vmem>>) dst(%dma_wait3A_41 : memref<10000x80xf32, #tpu.memory_space<vmem_shared>>)
      tpu.yield
    }) : () -> ()
    %barrier3A_22 = arith.constant 0 : index
    tpu.barrier barrier_id(%barrier3A_22)
    %mul3A_23 = arith.constant 624 : i32
    %mul3A_24 = arith.muli %arg1, %mul3A_23 : i32
    %mul3A_25 = arith.constant 624 : i32
    %mul3A_26 = arith.muli %arg1, %mul3A_25 : i32
    "tpu.region"() ({
      %run_scoped3A = tpu.sem_alloc : memref<!tpu.dma_semaphore, #tpu.memory_space<semaphore_mem>>
      %dma_start3A_32 = arith.constant 0 : i32
      %dma_start3A_33 = arith.constant 0 : i32
      %dma_start3A_34 = tpu.memref_slice %arg5[%arg0, %dma_start3A_32, %dma_start3A_33] : memref<2x10000x80xf32, #tpu.memory_space<hbm>> -> memref<1x10000x80xf32, #tpu.memory_space<hbm>>
      %dma_start3A_35 = tpu.memref_squeeze %dma_start3A_34 : memref<1x10000x80xf32, #tpu.memory_space<hbm>> -> memref<10000x80xf32, #tpu.memory_space<hbm>>
      %dma_start3A_36 = arith.constant 0 : i32
      %dma_start3A_37 = tpu.memref_slice %dma_start3A_35[%mul3A_26, %dma_start3A_36] : memref<10000x80xf32, #tpu.memory_space<hbm>> -> memref<624x80xf32, #tpu.memory_space<hbm>>
      %dma_start3A_38 = arith.constant 0 : i32
      %dma_start3A_39 = tpu.memref_slice %arg9[%mul3A_24, %dma_start3A_38] : memref<10000x80xf32, #tpu.memory_space<vmem_shared>> -> memref<624x80xf32, #tpu.memory_space<vmem_shared>>
      tpu.enqueue_dma source(%dma_start3A_39 : memref<624x80xf32, #tpu.memory_space<vmem_shared>>) target(%dma_start3A_37 : memref<624x80xf32, #tpu.memory_space<hbm>>) target_semaphore(%run_scoped3A : memref<!tpu.dma_semaphore, #tpu.memory_space<semaphore_mem>>)
      %dma_wait3A_40 = arith.constant 0 : i32
      %dma_wait3A_41 = arith.constant 0 : i32
      %dma_wait3A_42 = tpu.memref_slice %arg5[%arg0, %dma_wait3A_40, %dma_wait3A_41] : memref<2x10000x80xf32, #tpu.memory_space<hbm>> -> memref<1x10000x80xf32, #tpu.memory_space<hbm>>
      %dma_wait3A_43 = tpu.memref_squeeze %dma_wait3A_42 : memref<1x10000x80xf32, #tpu.memory_space<hbm>> -> memref<10000x80xf32, #tpu.memory_space<hbm>>
      %dma_wait3A_44 = arith.constant 0 : i32
      %dma_wait3A_45 = tpu.memref_slice %dma_wait3A_43[%mul3A_26, %dma_wait3A_44] : memref<10000x80xf32, #tpu.memory_space<hbm>> -> memref<624x80xf32, #tpu.memory_space<hbm>>
      %dma_wait3A_46 = arith.constant 0 : i32
      %dma_wait3A_47 = tpu.memref_slice %arg9[%mul3A_24, %dma_wait3A_46] : memref<10000x80xf32, #tpu.memory_space<vmem_shared>> -> memref<624x80xf32, #tpu.memory_space<vmem_shared>>
      tpu.wait_dma2 semaphore(%run_scoped3A : memref<!tpu.dma_semaphore, #tpu.memory_space<semaphore_mem>>) src(%dma_wait3A_47 : memref<624x80xf32, #tpu.memory_space<vmem_shared>>) dst(%dma_wait3A_45 : memref<624x80xf32, #tpu.memory_space<hbm>>)
      tpu.yield
    }) : () -> ()
    %eq3A_27 = arith.constant 15 : i32
    %eq3A_28 = arith.cmpi eq, %arg1, %eq3A_27 : i32
    %convert_element_type3A_29 = arith.extui %eq3A_28 : i1 to i32
    %cond3A_30 = arith.constant 0 : i32
    %cond3A_31 = arith.cmpi ne, %convert_element_type3A_29, %cond3A_30 : i32
    scf.if %cond3A_31 {
      "tpu.region"() ({
        %run_scoped3A = tpu.sem_alloc : memref<!tpu.dma_semaphore, #tpu.memory_space<semaphore_mem>>
        %dma_start3A_32 = arith.constant 0 : i32
        %dma_start3A_33 = arith.constant 0 : i32
        %dma_start3A_34 = tpu.memref_slice %arg5[%arg0, %dma_start3A_32, %dma_start3A_33] : memref<2x10000x80xf32, #tpu.memory_space<hbm>> -> memref<1x10000x80xf32, #tpu.memory_space<hbm>>
        %dma_start3A_35 = tpu.memref_squeeze %dma_start3A_34 : memref<1x10000x80xf32, #tpu.memory_space<hbm>> -> memref<10000x80xf32, #tpu.memory_space<hbm>>
        %dma_start3A_36 = arith.constant 9984 : i32
        %dma_start3A_37 = arith.constant 0 : i32
        %dma_start3A_38 = tpu.memref_slice %dma_start3A_35[%dma_start3A_36, %dma_start3A_37] : memref<10000x80xf32, #tpu.memory_space<hbm>> -> memref<16x80xf32, #tpu.memory_space<hbm>>
        %dma_start3A_39 = arith.constant 9984 : i32
        %dma_start3A_40 = arith.constant 0 : i32
        %dma_start3A_41 = tpu.memref_slice %arg9[%dma_start3A_39, %dma_start3A_40] : memref<10000x80xf32, #tpu.memory_space<vmem_shared>> -> memref<16x80xf32, #tpu.memory_space<vmem_shared>>
        tpu.enqueue_dma source(%dma_start3A_41 : memref<16x80xf32, #tpu.memory_space<vmem_shared>>) target(%dma_start3A_38 : memref<16x80xf32, #tpu.memory_space<hbm>>) target_semaphore(%run_scoped3A : memref<!tpu.dma_semaphore, #tpu.memory_space<semaphore_mem>>)
        %dma_wait3A_42 = arith.constant 0 : i32
        %dma_wait3A_43 = arith.constant 0 : i32
        %dma_wait3A_44 = tpu.memref_slice %arg5[%arg0, %dma_wait3A_42, %dma_wait3A_43] : memref<2x10000x80xf32, #tpu.memory_space<hbm>> -> memref<1x10000x80xf32, #tpu.memory_space<hbm>>
        %dma_wait3A_45 = tpu.memref_squeeze %dma_wait3A_44 : memref<1x10000x80xf32, #tpu.memory_space<hbm>> -> memref<10000x80xf32, #tpu.memory_space<hbm>>
        %dma_wait3A_46 = arith.constant 9984 : i32
        %dma_wait3A_47 = arith.constant 0 : i32
        %dma_wait3A_48 = tpu.memref_slice %dma_wait3A_45[%dma_wait3A_46, %dma_wait3A_47] : memref<10000x80xf32, #tpu.memory_space<hbm>> -> memref<16x80xf32, #tpu.memory_space<hbm>>
        %dma_wait3A_49 = arith.constant 9984 : i32
        %dma_wait3A_50 = arith.constant 0 : i32
        %dma_wait3A_51 = tpu.memref_slice %arg9[%dma_wait3A_49, %dma_wait3A_50] : memref<10000x80xf32, #tpu.memory_space<vmem_shared>> -> memref<16x80xf32, #tpu.memory_space<vmem_shared>>
        tpu.wait_dma2 semaphore(%run_scoped3A : memref<!tpu.dma_semaphore, #tpu.memory_space<semaphore_mem>>) src(%dma_wait3A_51 : memref<16x80xf32, #tpu.memory_space<vmem_shared>>) dst(%dma_wait3A_48 : memref<16x80xf32, #tpu.memory_space<hbm>>)
        tpu.yield
      }) : () -> ()
    } else {
    }
    return
  }
}

#map = affine_map<(d0, d1) -> (0, 0)>
#map1 = affine_map<(d0, d1) -> (0)>
#map2 = affine_map<(d0, d1) -> (0, 0, 0)>
module attributes {stable_mosaic.version = 14 : i64} {
  func.func @k(%arg0: i32, %arg1: i32, %arg2: memref<10000x64xf32, #tpu.memory_space<hbm>>, %arg3: memref<320000xi32, #tpu.memory_space<hbm>>, %arg4: memref<320000xi32, #tpu.memory_space<hbm>>, %arg5: memref<10000x64xf32, #tpu.memory_space<hbm>>, %arg6: memref<2x10000x64xf32, #tpu.memory_space<hbm>>, %arg7: memref<10000xi32, #tpu.memory_space<vmem>>, %arg8: memref<10000xi32, #tpu.memory_space<vmem>>, %arg9: memref<400x64xf32, #tpu.memory_space<vmem>>, %arg10: memref<400x64xf32, #tpu.memory_space<vmem>>, %arg11: memref<10000x64xf32, #tpu.memory_space<vmem_shared>>, %arg12: memref<!tpu.dma_semaphore, #tpu.memory_space<semaphore_mem>>, %arg13: memref<!tpu.dma_semaphore, #tpu.memory_space<semaphore_mem>>) attributes {dimension_semantics = [#tpu.dimension_semantics<core_parallel>, #tpu.dimension_semantics<subcore_parallel>], iteration_bounds = array<i64: 2, 16>, scalar_prefetch = 0 : i64, scratch_operands = 7 : i64, tpu.core_type = #tpu.core_type<sc_vector_subcore>, window_params = [{transform_indices = #map}, {transform_indices = #map1}, {transform_indices = #map1}, {transform_indices = #map}, {transform_indices = #map2}]} {
    %mul3A = arith.constant 16 : i32
    %mul3A_0 = arith.muli %arg0, %mul3A : i32
    %add3A = arith.addi %mul3A_0, %arg1 : i32
    %mul3A_1 = arith.constant 624 : i32
    %mul3A_2 = arith.muli %arg1, %mul3A_1 : i32
    %mul3A_3 = arith.constant 624 : i32
    %mul3A_4 = arith.muli %arg1, %mul3A_3 : i32
    "tpu.region"() ({
      %run_scoped3A = tpu.sem_alloc : memref<!tpu.dma_semaphore, #tpu.memory_space<semaphore_mem>>
      %dma_start3A_32 = arith.constant 0 : i32
      %dma_start3A_33 = tpu.memref_slice %arg11[%mul3A_4, %dma_start3A_32] : memref<10000x64xf32, #tpu.memory_space<vmem_shared>> -> memref<624x64xf32, #tpu.memory_space<vmem_shared>>
      %dma_start3A_34 = arith.constant 0 : i32
      %dma_start3A_35 = tpu.memref_slice %arg5[%mul3A_2, %dma_start3A_34] : memref<10000x64xf32, #tpu.memory_space<hbm>> -> memref<624x64xf32, #tpu.memory_space<hbm>>
      tpu.enqueue_dma source(%dma_start3A_35 : memref<624x64xf32, #tpu.memory_space<hbm>>) target(%dma_start3A_33 : memref<624x64xf32, #tpu.memory_space<vmem_shared>>) target_semaphore(%run_scoped3A : memref<!tpu.dma_semaphore, #tpu.memory_space<semaphore_mem>>)
      %dma_wait3A_36 = arith.constant 0 : i32
      %dma_wait3A_37 = tpu.memref_slice %arg11[%mul3A_4, %dma_wait3A_36] : memref<10000x64xf32, #tpu.memory_space<vmem_shared>> -> memref<624x64xf32, #tpu.memory_space<vmem_shared>>
      %dma_wait3A_38 = arith.constant 0 : i32
      %dma_wait3A_39 = tpu.memref_slice %arg5[%mul3A_2, %dma_wait3A_38] : memref<10000x64xf32, #tpu.memory_space<hbm>> -> memref<624x64xf32, #tpu.memory_space<hbm>>
      tpu.wait_dma2 semaphore(%run_scoped3A : memref<!tpu.dma_semaphore, #tpu.memory_space<semaphore_mem>>) src(%dma_wait3A_39 : memref<624x64xf32, #tpu.memory_space<hbm>>) dst(%dma_wait3A_37 : memref<624x64xf32, #tpu.memory_space<vmem_shared>>)
      tpu.yield
    }) : () -> ()
    %eq3A = arith.constant 15 : i32
    %eq3A_5 = arith.cmpi eq, %arg1, %eq3A : i32
    %convert_element_type3A = arith.extui %eq3A_5 : i1 to i32
    %cond3A = arith.constant 0 : i32
    %cond3A_6 = arith.cmpi ne, %convert_element_type3A, %cond3A : i32
    scf.if %cond3A_6 {
      "tpu.region"() ({
        %run_scoped3A = tpu.sem_alloc : memref<!tpu.dma_semaphore, #tpu.memory_space<semaphore_mem>>
        %dma_start3A_32 = arith.constant 9984 : i32
        %dma_start3A_33 = arith.constant 0 : i32
        %dma_start3A_34 = tpu.memref_slice %arg11[%dma_start3A_32, %dma_start3A_33] : memref<10000x64xf32, #tpu.memory_space<vmem_shared>> -> memref<16x64xf32, #tpu.memory_space<vmem_shared>>
        %dma_start3A_35 = arith.constant 9984 : i32
        %dma_start3A_36 = arith.constant 0 : i32
        %dma_start3A_37 = tpu.memref_slice %arg5[%dma_start3A_35, %dma_start3A_36] : memref<10000x64xf32, #tpu.memory_space<hbm>> -> memref<16x64xf32, #tpu.memory_space<hbm>>
        tpu.enqueue_dma source(%dma_start3A_37 : memref<16x64xf32, #tpu.memory_space<hbm>>) target(%dma_start3A_34 : memref<16x64xf32, #tpu.memory_space<vmem_shared>>) target_semaphore(%run_scoped3A : memref<!tpu.dma_semaphore, #tpu.memory_space<semaphore_mem>>)
        %dma_wait3A_38 = arith.constant 9984 : i32
        %dma_wait3A_39 = arith.constant 0 : i32
        %dma_wait3A_40 = tpu.memref_slice %arg11[%dma_wait3A_38, %dma_wait3A_39] : memref<10000x64xf32, #tpu.memory_space<vmem_shared>> -> memref<16x64xf32, #tpu.memory_space<vmem_shared>>
        %dma_wait3A_41 = arith.constant 9984 : i32
        %dma_wait3A_42 = arith.constant 0 : i32
        %dma_wait3A_43 = tpu.memref_slice %arg5[%dma_wait3A_41, %dma_wait3A_42] : memref<10000x64xf32, #tpu.memory_space<hbm>> -> memref<16x64xf32, #tpu.memory_space<hbm>>
        tpu.wait_dma2 semaphore(%run_scoped3A : memref<!tpu.dma_semaphore, #tpu.memory_space<semaphore_mem>>) src(%dma_wait3A_43 : memref<16x64xf32, #tpu.memory_space<hbm>>) dst(%dma_wait3A_40 : memref<16x64xf32, #tpu.memory_space<vmem_shared>>)
        tpu.yield
      }) : () -> ()
    } else {
    }
    %mul3A_7 = arith.constant 10000 : i32
    %mul3A_8 = arith.muli %add3A, %mul3A_7 : i32
    "tpu.region"() ({
      %run_scoped3A = tpu.sem_alloc : memref<!tpu.dma_semaphore, #tpu.memory_space<semaphore_mem>>
      %dma_start3A_32 = tpu.memref_slice %arg3[%mul3A_8] : memref<320000xi32, #tpu.memory_space<hbm>> -> memref<10000xi32, #tpu.memory_space<hbm>>
      %dma_start3A_33 = tpu.memref_slice %arg3[%mul3A_8] : memref<320000xi32, #tpu.memory_space<hbm>> -> memref<10000xi32, #tpu.memory_space<hbm>>
      tpu.enqueue_dma source(%dma_start3A_33 : memref<10000xi32, #tpu.memory_space<hbm>>) target(%arg7 : memref<10000xi32, #tpu.memory_space<vmem>>) target_semaphore(%run_scoped3A : memref<!tpu.dma_semaphore, #tpu.memory_space<semaphore_mem>>)
      %dma_wait3A_34 = tpu.memref_slice %arg3[%mul3A_8] : memref<320000xi32, #tpu.memory_space<hbm>> -> memref<10000xi32, #tpu.memory_space<hbm>>
      %dma_wait3A_35 = tpu.memref_slice %arg3[%mul3A_8] : memref<320000xi32, #tpu.memory_space<hbm>> -> memref<10000xi32, #tpu.memory_space<hbm>>
      tpu.wait_dma2 semaphore(%run_scoped3A : memref<!tpu.dma_semaphore, #tpu.memory_space<semaphore_mem>>) src(%dma_wait3A_35 : memref<10000xi32, #tpu.memory_space<hbm>>) dst(%arg7 : memref<10000xi32, #tpu.memory_space<vmem>>)
      tpu.yield
    }) : () -> ()
    "tpu.region"() ({
      %run_scoped3A = tpu.sem_alloc : memref<!tpu.dma_semaphore, #tpu.memory_space<semaphore_mem>>
      %dma_start3A_32 = tpu.memref_slice %arg4[%mul3A_8] : memref<320000xi32, #tpu.memory_space<hbm>> -> memref<10000xi32, #tpu.memory_space<hbm>>
      %dma_start3A_33 = tpu.memref_slice %arg4[%mul3A_8] : memref<320000xi32, #tpu.memory_space<hbm>> -> memref<10000xi32, #tpu.memory_space<hbm>>
      tpu.enqueue_dma source(%dma_start3A_33 : memref<10000xi32, #tpu.memory_space<hbm>>) target(%arg8 : memref<10000xi32, #tpu.memory_space<vmem>>) target_semaphore(%run_scoped3A : memref<!tpu.dma_semaphore, #tpu.memory_space<semaphore_mem>>)
      %dma_wait3A_34 = tpu.memref_slice %arg4[%mul3A_8] : memref<320000xi32, #tpu.memory_space<hbm>> -> memref<10000xi32, #tpu.memory_space<hbm>>
      %dma_wait3A_35 = tpu.memref_slice %arg4[%mul3A_8] : memref<320000xi32, #tpu.memory_space<hbm>> -> memref<10000xi32, #tpu.memory_space<hbm>>
      tpu.wait_dma2 semaphore(%run_scoped3A : memref<!tpu.dma_semaphore, #tpu.memory_space<semaphore_mem>>) src(%dma_wait3A_35 : memref<10000xi32, #tpu.memory_space<hbm>>) dst(%arg8 : memref<10000xi32, #tpu.memory_space<vmem>>)
      tpu.yield
    }) : () -> ()
    %barrier3A = arith.constant 0 : index
    tpu.barrier barrier_id(%barrier3A)
    %dma_start3A = arith.constant 0 : i32
    %dma_start3A_9 = tpu.memref_slice %arg7[%dma_start3A] : memref<10000xi32, #tpu.memory_space<vmem>> -> memref<400xi32, #tpu.memory_space<vmem>>
    %dma_start3A_10 = arith.constant 0 : i32
    %dma_start3A_11 = arith.constant 0 : i32
    %dma_start3A_12 = tpu.memref_slice %arg2[%dma_start3A_10, %dma_start3A_11] : memref<10000x64xf32, #tpu.memory_space<hbm>> -> memref<10000x64xf32, #tpu.memory_space<hbm>>
    tpu.enqueue_indirect_dma source(%dma_start3A_12 : memref<10000x64xf32, #tpu.memory_space<hbm>>) target(%arg9 : memref<400x64xf32, #tpu.memory_space<vmem>>) offsets(%dma_start3A_9 : memref<400xi32, #tpu.memory_space<vmem>>) semaphore(%arg12 : memref<!tpu.dma_semaphore, #tpu.memory_space<semaphore_mem>>)
    %dma_wait3A = arith.constant 0 : i32
    %dma_wait3A_13 = tpu.memref_slice %arg7[%dma_wait3A] : memref<10000xi32, #tpu.memory_space<vmem>> -> memref<400xi32, #tpu.memory_space<vmem>>
    %dma_wait3A_14 = arith.constant 0 : i32
    %dma_wait3A_15 = arith.constant 0 : i32
    %dma_wait3A_16 = tpu.memref_slice %arg2[%dma_wait3A_14, %dma_wait3A_15] : memref<10000x64xf32, #tpu.memory_space<hbm>> -> memref<10000x64xf32, #tpu.memory_space<hbm>>
    tpu.wait_indirect_dma semaphore(%arg12 : memref<!tpu.dma_semaphore, #tpu.memory_space<semaphore_mem>>) src(%dma_wait3A_16 : memref<10000x64xf32, #tpu.memory_space<hbm>>) dst(%arg9 : memref<400x64xf32, #tpu.memory_space<vmem>>)
    %scan3A = arith.constant 0 : i32
    %scan3A_17 = arith.constant 0 : i32
    %scan3A_18 = arith.constant 12 : i32
    %scan3A_19 = arith.addi %scan3A_17, %scan3A_18 : i32
    %scan3A_20 = arith.constant 1 : i32
    scf.for %scan3A_32 = %scan3A_17 to %scan3A_19 step %scan3A_20  : i32 {
      %mul3A_33 = arith.constant 2 : i32
      %mul3A_34 = arith.muli %mul3A_33, %scan3A_32 : i32
      %add3A_35 = arith.constant 1 : i32
      %add3A_36 = arith.addi %mul3A_34, %add3A_35 : i32
      %mul3A_37 = arith.constant 400 : i32
      %mul3A_38 = arith.muli %add3A_36, %mul3A_37 : i32
      %dma_start3A_39 = tpu.memref_slice %arg7[%mul3A_38] : memref<10000xi32, #tpu.memory_space<vmem>> -> memref<400xi32, #tpu.memory_space<vmem>>
      %dma_start3A_40 = arith.constant 0 : i32
      %dma_start3A_41 = arith.constant 0 : i32
      %dma_start3A_42 = tpu.memref_slice %arg2[%dma_start3A_40, %dma_start3A_41] : memref<10000x64xf32, #tpu.memory_space<hbm>> -> memref<10000x64xf32, #tpu.memory_space<hbm>>
      tpu.enqueue_indirect_dma source(%dma_start3A_42 : memref<10000x64xf32, #tpu.memory_space<hbm>>) target(%arg10 : memref<400x64xf32, #tpu.memory_space<vmem>>) offsets(%dma_start3A_39 : memref<400xi32, #tpu.memory_space<vmem>>) semaphore(%arg13 : memref<!tpu.dma_semaphore, #tpu.memory_space<semaphore_mem>>)
      %mul3A_43 = arith.constant 400 : i32
      %mul3A_44 = arith.muli %mul3A_34, %mul3A_43 : i32
      "tpu.region"() ({
        %run_scoped3A = tpu.sem_alloc : memref<!tpu.dma_semaphore, #tpu.memory_space<semaphore_mem>>
        %dma_start3A_65 = tpu.memref_slice %arg8[%mul3A_44] : memref<10000xi32, #tpu.memory_space<vmem>> -> memref<400xi32, #tpu.memory_space<vmem>>
        %dma_start3A_66 = arith.constant 0 : i32
        %dma_start3A_67 = arith.constant 0 : i32
        %dma_start3A_68 = tpu.memref_slice %arg11[%dma_start3A_66, %dma_start3A_67] : memref<10000x64xf32, #tpu.memory_space<vmem_shared>> -> memref<10000x64xf32, #tpu.memory_space<vmem_shared>>
        tpu.enqueue_indirect_dma source(%arg9 : memref<400x64xf32, #tpu.memory_space<vmem>>) target(%dma_start3A_68 : memref<10000x64xf32, #tpu.memory_space<vmem_shared>>) offsets(%dma_start3A_65 : memref<400xi32, #tpu.memory_space<vmem>>) semaphore(%run_scoped3A : memref<!tpu.dma_semaphore, #tpu.memory_space<semaphore_mem>>) {add = true}
        %dma_wait3A_69 = tpu.memref_slice %arg8[%mul3A_44] : memref<10000xi32, #tpu.memory_space<vmem>> -> memref<400xi32, #tpu.memory_space<vmem>>
        %dma_wait3A_70 = arith.constant 0 : i32
        %dma_wait3A_71 = arith.constant 0 : i32
        %dma_wait3A_72 = tpu.memref_slice %arg11[%dma_wait3A_70, %dma_wait3A_71] : memref<10000x64xf32, #tpu.memory_space<vmem_shared>> -> memref<10000x64xf32, #tpu.memory_space<vmem_shared>>
        tpu.wait_indirect_dma semaphore(%run_scoped3A : memref<!tpu.dma_semaphore, #tpu.memory_space<semaphore_mem>>) src(%arg9 : memref<400x64xf32, #tpu.memory_space<vmem>>) dst(%dma_wait3A_72 : memref<10000x64xf32, #tpu.memory_space<vmem_shared>>)
        tpu.yield
      }) : () -> ()
      %add3A_45 = arith.constant 2 : i32
      %add3A_46 = arith.addi %mul3A_34, %add3A_45 : i32
      %mul3A_47 = arith.constant 400 : i32
      %mul3A_48 = arith.muli %add3A_46, %mul3A_47 : i32
      %dma_start3A_49 = tpu.memref_slice %arg7[%mul3A_48] : memref<10000xi32, #tpu.memory_space<vmem>> -> memref<400xi32, #tpu.memory_space<vmem>>
      %dma_start3A_50 = arith.constant 0 : i32
      %dma_start3A_51 = arith.constant 0 : i32
      %dma_start3A_52 = tpu.memref_slice %arg2[%dma_start3A_50, %dma_start3A_51] : memref<10000x64xf32, #tpu.memory_space<hbm>> -> memref<10000x64xf32, #tpu.memory_space<hbm>>
      tpu.enqueue_indirect_dma source(%dma_start3A_52 : memref<10000x64xf32, #tpu.memory_space<hbm>>) target(%arg9 : memref<400x64xf32, #tpu.memory_space<vmem>>) offsets(%dma_start3A_49 : memref<400xi32, #tpu.memory_space<vmem>>) semaphore(%arg12 : memref<!tpu.dma_semaphore, #tpu.memory_space<semaphore_mem>>)
      %dma_wait3A_53 = tpu.memref_slice %arg7[%mul3A_38] : memref<10000xi32, #tpu.memory_space<vmem>> -> memref<400xi32, #tpu.memory_space<vmem>>
      %dma_wait3A_54 = arith.constant 0 : i32
      %dma_wait3A_55 = arith.constant 0 : i32
      %dma_wait3A_56 = tpu.memref_slice %arg2[%dma_wait3A_54, %dma_wait3A_55] : memref<10000x64xf32, #tpu.memory_space<hbm>> -> memref<10000x64xf32, #tpu.memory_space<hbm>>
      tpu.wait_indirect_dma semaphore(%arg13 : memref<!tpu.dma_semaphore, #tpu.memory_space<semaphore_mem>>) src(%dma_wait3A_56 : memref<10000x64xf32, #tpu.memory_space<hbm>>) dst(%arg10 : memref<400x64xf32, #tpu.memory_space<vmem>>)
      %add3A_57 = arith.constant 1 : i32
      %add3A_58 = arith.addi %mul3A_34, %add3A_57 : i32
      %mul3A_59 = arith.constant 400 : i32
      %mul3A_60 = arith.muli %add3A_58, %mul3A_59 : i32
      "tpu.region"() ({
        %run_scoped3A = tpu.sem_alloc : memref<!tpu.dma_semaphore, #tpu.memory_space<semaphore_mem>>
        %dma_start3A_65 = tpu.memref_slice %arg8[%mul3A_60] : memref<10000xi32, #tpu.memory_space<vmem>> -> memref<400xi32, #tpu.memory_space<vmem>>
        %dma_start3A_66 = arith.constant 0 : i32
        %dma_start3A_67 = arith.constant 0 : i32
        %dma_start3A_68 = tpu.memref_slice %arg11[%dma_start3A_66, %dma_start3A_67] : memref<10000x64xf32, #tpu.memory_space<vmem_shared>> -> memref<10000x64xf32, #tpu.memory_space<vmem_shared>>
        tpu.enqueue_indirect_dma source(%arg10 : memref<400x64xf32, #tpu.memory_space<vmem>>) target(%dma_start3A_68 : memref<10000x64xf32, #tpu.memory_space<vmem_shared>>) offsets(%dma_start3A_65 : memref<400xi32, #tpu.memory_space<vmem>>) semaphore(%run_scoped3A : memref<!tpu.dma_semaphore, #tpu.memory_space<semaphore_mem>>) {add = true}
        %dma_wait3A_69 = tpu.memref_slice %arg8[%mul3A_60] : memref<10000xi32, #tpu.memory_space<vmem>> -> memref<400xi32, #tpu.memory_space<vmem>>
        %dma_wait3A_70 = arith.constant 0 : i32
        %dma_wait3A_71 = arith.constant 0 : i32
        %dma_wait3A_72 = tpu.memref_slice %arg11[%dma_wait3A_70, %dma_wait3A_71] : memref<10000x64xf32, #tpu.memory_space<vmem_shared>> -> memref<10000x64xf32, #tpu.memory_space<vmem_shared>>
        tpu.wait_indirect_dma semaphore(%run_scoped3A : memref<!tpu.dma_semaphore, #tpu.memory_space<semaphore_mem>>) src(%arg10 : memref<400x64xf32, #tpu.memory_space<vmem>>) dst(%dma_wait3A_72 : memref<10000x64xf32, #tpu.memory_space<vmem_shared>>)
        tpu.yield
      }) : () -> ()
      %dma_wait3A_61 = tpu.memref_slice %arg7[%mul3A_48] : memref<10000xi32, #tpu.memory_space<vmem>> -> memref<400xi32, #tpu.memory_space<vmem>>
      %dma_wait3A_62 = arith.constant 0 : i32
      %dma_wait3A_63 = arith.constant 0 : i32
      %dma_wait3A_64 = tpu.memref_slice %arg2[%dma_wait3A_62, %dma_wait3A_63] : memref<10000x64xf32, #tpu.memory_space<hbm>> -> memref<10000x64xf32, #tpu.memory_space<hbm>>
      tpu.wait_indirect_dma semaphore(%arg12 : memref<!tpu.dma_semaphore, #tpu.memory_space<semaphore_mem>>) src(%dma_wait3A_64 : memref<10000x64xf32, #tpu.memory_space<hbm>>) dst(%arg9 : memref<400x64xf32, #tpu.memory_space<vmem>>)
    }
    %scan3A_21 = arith.constant 12 : i32
    "tpu.region"() ({
      %run_scoped3A = tpu.sem_alloc : memref<!tpu.dma_semaphore, #tpu.memory_space<semaphore_mem>>
      %dma_start3A_32 = arith.constant 9600 : i32
      %dma_start3A_33 = tpu.memref_slice %arg8[%dma_start3A_32] : memref<10000xi32, #tpu.memory_space<vmem>> -> memref<400xi32, #tpu.memory_space<vmem>>
      %dma_start3A_34 = arith.constant 0 : i32
      %dma_start3A_35 = arith.constant 0 : i32
      %dma_start3A_36 = tpu.memref_slice %arg11[%dma_start3A_34, %dma_start3A_35] : memref<10000x64xf32, #tpu.memory_space<vmem_shared>> -> memref<10000x64xf32, #tpu.memory_space<vmem_shared>>
      tpu.enqueue_indirect_dma source(%arg9 : memref<400x64xf32, #tpu.memory_space<vmem>>) target(%dma_start3A_36 : memref<10000x64xf32, #tpu.memory_space<vmem_shared>>) offsets(%dma_start3A_33 : memref<400xi32, #tpu.memory_space<vmem>>) semaphore(%run_scoped3A : memref<!tpu.dma_semaphore, #tpu.memory_space<semaphore_mem>>) {add = true}
      %dma_wait3A_37 = arith.constant 9600 : i32
      %dma_wait3A_38 = tpu.memref_slice %arg8[%dma_wait3A_37] : memref<10000xi32, #tpu.memory_space<vmem>> -> memref<400xi32, #tpu.memory_space<vmem>>
      %dma_wait3A_39 = arith.constant 0 : i32
      %dma_wait3A_40 = arith.constant 0 : i32
      %dma_wait3A_41 = tpu.memref_slice %arg11[%dma_wait3A_39, %dma_wait3A_40] : memref<10000x64xf32, #tpu.memory_space<vmem_shared>> -> memref<10000x64xf32, #tpu.memory_space<vmem_shared>>
      tpu.wait_indirect_dma semaphore(%run_scoped3A : memref<!tpu.dma_semaphore, #tpu.memory_space<semaphore_mem>>) src(%arg9 : memref<400x64xf32, #tpu.memory_space<vmem>>) dst(%dma_wait3A_41 : memref<10000x64xf32, #tpu.memory_space<vmem_shared>>)
      tpu.yield
    }) : () -> ()
    %barrier3A_22 = arith.constant 0 : index
    tpu.barrier barrier_id(%barrier3A_22)
    %mul3A_23 = arith.constant 624 : i32
    %mul3A_24 = arith.muli %arg1, %mul3A_23 : i32
    %mul3A_25 = arith.constant 624 : i32
    %mul3A_26 = arith.muli %arg1, %mul3A_25 : i32
    "tpu.region"() ({
      %run_scoped3A = tpu.sem_alloc : memref<!tpu.dma_semaphore, #tpu.memory_space<semaphore_mem>>
      %dma_start3A_32 = arith.constant 0 : i32
      %dma_start3A_33 = arith.constant 0 : i32
      %dma_start3A_34 = tpu.memref_slice %arg6[%arg0, %dma_start3A_32, %dma_start3A_33] : memref<2x10000x64xf32, #tpu.memory_space<hbm>> -> memref<1x10000x64xf32, #tpu.memory_space<hbm>>
      %dma_start3A_35 = tpu.memref_squeeze %dma_start3A_34 : memref<1x10000x64xf32, #tpu.memory_space<hbm>> -> memref<10000x64xf32, #tpu.memory_space<hbm>>
      %dma_start3A_36 = arith.constant 0 : i32
      %dma_start3A_37 = tpu.memref_slice %dma_start3A_35[%mul3A_26, %dma_start3A_36] : memref<10000x64xf32, #tpu.memory_space<hbm>> -> memref<624x64xf32, #tpu.memory_space<hbm>>
      %dma_start3A_38 = arith.constant 0 : i32
      %dma_start3A_39 = tpu.memref_slice %arg11[%mul3A_24, %dma_start3A_38] : memref<10000x64xf32, #tpu.memory_space<vmem_shared>> -> memref<624x64xf32, #tpu.memory_space<vmem_shared>>
      tpu.enqueue_dma source(%dma_start3A_39 : memref<624x64xf32, #tpu.memory_space<vmem_shared>>) target(%dma_start3A_37 : memref<624x64xf32, #tpu.memory_space<hbm>>) target_semaphore(%run_scoped3A : memref<!tpu.dma_semaphore, #tpu.memory_space<semaphore_mem>>)
      %dma_wait3A_40 = arith.constant 0 : i32
      %dma_wait3A_41 = arith.constant 0 : i32
      %dma_wait3A_42 = tpu.memref_slice %arg6[%arg0, %dma_wait3A_40, %dma_wait3A_41] : memref<2x10000x64xf32, #tpu.memory_space<hbm>> -> memref<1x10000x64xf32, #tpu.memory_space<hbm>>
      %dma_wait3A_43 = tpu.memref_squeeze %dma_wait3A_42 : memref<1x10000x64xf32, #tpu.memory_space<hbm>> -> memref<10000x64xf32, #tpu.memory_space<hbm>>
      %dma_wait3A_44 = arith.constant 0 : i32
      %dma_wait3A_45 = tpu.memref_slice %dma_wait3A_43[%mul3A_26, %dma_wait3A_44] : memref<10000x64xf32, #tpu.memory_space<hbm>> -> memref<624x64xf32, #tpu.memory_space<hbm>>
      %dma_wait3A_46 = arith.constant 0 : i32
      %dma_wait3A_47 = tpu.memref_slice %arg11[%mul3A_24, %dma_wait3A_46] : memref<10000x64xf32, #tpu.memory_space<vmem_shared>> -> memref<624x64xf32, #tpu.memory_space<vmem_shared>>
      tpu.wait_dma2 semaphore(%run_scoped3A : memref<!tpu.dma_semaphore, #tpu.memory_space<semaphore_mem>>) src(%dma_wait3A_47 : memref<624x64xf32, #tpu.memory_space<vmem_shared>>) dst(%dma_wait3A_45 : memref<624x64xf32, #tpu.memory_space<hbm>>)
      tpu.yield
    }) : () -> ()
    %eq3A_27 = arith.constant 15 : i32
    %eq3A_28 = arith.cmpi eq, %arg1, %eq3A_27 : i32
    %convert_element_type3A_29 = arith.extui %eq3A_28 : i1 to i32
    %cond3A_30 = arith.constant 0 : i32
    %cond3A_31 = arith.cmpi ne, %convert_element_type3A_29, %cond3A_30 : i32
    scf.if %cond3A_31 {
      "tpu.region"() ({
        %run_scoped3A = tpu.sem_alloc : memref<!tpu.dma_semaphore, #tpu.memory_space<semaphore_mem>>
        %dma_start3A_32 = arith.constant 0 : i32
        %dma_start3A_33 = arith.constant 0 : i32
        %dma_start3A_34 = tpu.memref_slice %arg6[%arg0, %dma_start3A_32, %dma_start3A_33] : memref<2x10000x64xf32, #tpu.memory_space<hbm>> -> memref<1x10000x64xf32, #tpu.memory_space<hbm>>
        %dma_start3A_35 = tpu.memref_squeeze %dma_start3A_34 : memref<1x10000x64xf32, #tpu.memory_space<hbm>> -> memref<10000x64xf32, #tpu.memory_space<hbm>>
        %dma_start3A_36 = arith.constant 9984 : i32
        %dma_start3A_37 = arith.constant 0 : i32
        %dma_start3A_38 = tpu.memref_slice %dma_start3A_35[%dma_start3A_36, %dma_start3A_37] : memref<10000x64xf32, #tpu.memory_space<hbm>> -> memref<16x64xf32, #tpu.memory_space<hbm>>
        %dma_start3A_39 = arith.constant 9984 : i32
        %dma_start3A_40 = arith.constant 0 : i32
        %dma_start3A_41 = tpu.memref_slice %arg11[%dma_start3A_39, %dma_start3A_40] : memref<10000x64xf32, #tpu.memory_space<vmem_shared>> -> memref<16x64xf32, #tpu.memory_space<vmem_shared>>
        tpu.enqueue_dma source(%dma_start3A_41 : memref<16x64xf32, #tpu.memory_space<vmem_shared>>) target(%dma_start3A_38 : memref<16x64xf32, #tpu.memory_space<hbm>>) target_semaphore(%run_scoped3A : memref<!tpu.dma_semaphore, #tpu.memory_space<semaphore_mem>>)
        %dma_wait3A_42 = arith.constant 0 : i32
        %dma_wait3A_43 = arith.constant 0 : i32
        %dma_wait3A_44 = tpu.memref_slice %arg6[%arg0, %dma_wait3A_42, %dma_wait3A_43] : memref<2x10000x64xf32, #tpu.memory_space<hbm>> -> memref<1x10000x64xf32, #tpu.memory_space<hbm>>
        %dma_wait3A_45 = tpu.memref_squeeze %dma_wait3A_44 : memref<1x10000x64xf32, #tpu.memory_space<hbm>> -> memref<10000x64xf32, #tpu.memory_space<hbm>>
        %dma_wait3A_46 = arith.constant 9984 : i32
        %dma_wait3A_47 = arith.constant 0 : i32
        %dma_wait3A_48 = tpu.memref_slice %dma_wait3A_45[%dma_wait3A_46, %dma_wait3A_47] : memref<10000x64xf32, #tpu.memory_space<hbm>> -> memref<16x64xf32, #tpu.memory_space<hbm>>
        %dma_wait3A_49 = arith.constant 9984 : i32
        %dma_wait3A_50 = arith.constant 0 : i32
        %dma_wait3A_51 = tpu.memref_slice %arg11[%dma_wait3A_49, %dma_wait3A_50] : memref<10000x64xf32, #tpu.memory_space<vmem_shared>> -> memref<16x64xf32, #tpu.memory_space<vmem_shared>>
        tpu.wait_dma2 semaphore(%run_scoped3A : memref<!tpu.dma_semaphore, #tpu.memory_space<semaphore_mem>>) src(%dma_wait3A_51 : memref<16x64xf32, #tpu.memory_space<vmem_shared>>) dst(%dma_wait3A_48 : memref<16x64xf32, #tpu.memory_space<hbm>>)
        tpu.yield
      }) : () -> ()
    } else {
    }
    return
  }
}

#map = affine_map<(d0, d1) -> (0, 0)>
#map1 = affine_map<(d0, d1) -> (0)>
#map2 = affine_map<(d0, d1) -> (0, 0, 0)>
module attributes {stable_mosaic.version = 14 : i64} {
  func.func @k(%arg0: i32, %arg1: i32, %arg2: memref<10000x64xf32, #tpu.memory_space<hbm>>, %arg3: memref<320000xi32, #tpu.memory_space<hbm>>, %arg4: memref<320000xi32, #tpu.memory_space<hbm>>, %arg5: memref<10000x64xf32, #tpu.memory_space<hbm>>, %arg6: memref<2x10000x64xf32, #tpu.memory_space<hbm>>, %arg7: memref<10000xi32, #tpu.memory_space<vmem>>, %arg8: memref<10000xi32, #tpu.memory_space<vmem>>, %arg9: memref<400x64xf32, #tpu.memory_space<vmem>>, %arg10: memref<400x64xf32, #tpu.memory_space<vmem>>, %arg11: memref<10000x64xf32, #tpu.memory_space<vmem_shared>>, %arg12: memref<!tpu.dma_semaphore, #tpu.memory_space<semaphore_mem>>, %arg13: memref<!tpu.dma_semaphore, #tpu.memory_space<semaphore_mem>>) attributes {dimension_semantics = [#tpu.dimension_semantics<core_parallel>, #tpu.dimension_semantics<subcore_parallel>], iteration_bounds = array<i64: 2, 16>, scalar_prefetch = 0 : i64, scratch_operands = 7 : i64, tpu.core_type = #tpu.core_type<sc_vector_subcore>, window_params = [{transform_indices = #map}, {transform_indices = #map1}, {transform_indices = #map1}, {transform_indices = #map}, {transform_indices = #map2}]} {
    %mul3A = arith.constant 16 : i32
    %mul3A_0 = arith.muli %arg0, %mul3A : i32
    %add3A = arith.addi %mul3A_0, %arg1 : i32
    %mul3A_1 = arith.constant 624 : i32
    %mul3A_2 = arith.muli %arg1, %mul3A_1 : i32
    %mul3A_3 = arith.constant 624 : i32
    %mul3A_4 = arith.muli %arg1, %mul3A_3 : i32
    "tpu.region"() ({
      %run_scoped3A = tpu.sem_alloc : memref<!tpu.dma_semaphore, #tpu.memory_space<semaphore_mem>>
      %dma_start3A_32 = arith.constant 0 : i32
      %dma_start3A_33 = tpu.memref_slice %arg11[%mul3A_4, %dma_start3A_32] : memref<10000x64xf32, #tpu.memory_space<vmem_shared>> -> memref<624x64xf32, #tpu.memory_space<vmem_shared>>
      %dma_start3A_34 = arith.constant 0 : i32
      %dma_start3A_35 = tpu.memref_slice %arg5[%mul3A_2, %dma_start3A_34] : memref<10000x64xf32, #tpu.memory_space<hbm>> -> memref<624x64xf32, #tpu.memory_space<hbm>>
      tpu.enqueue_dma source(%dma_start3A_35 : memref<624x64xf32, #tpu.memory_space<hbm>>) target(%dma_start3A_33 : memref<624x64xf32, #tpu.memory_space<vmem_shared>>) target_semaphore(%run_scoped3A : memref<!tpu.dma_semaphore, #tpu.memory_space<semaphore_mem>>)
      %dma_wait3A_36 = arith.constant 0 : i32
      %dma_wait3A_37 = tpu.memref_slice %arg11[%mul3A_4, %dma_wait3A_36] : memref<10000x64xf32, #tpu.memory_space<vmem_shared>> -> memref<624x64xf32, #tpu.memory_space<vmem_shared>>
      %dma_wait3A_38 = arith.constant 0 : i32
      %dma_wait3A_39 = tpu.memref_slice %arg5[%mul3A_2, %dma_wait3A_38] : memref<10000x64xf32, #tpu.memory_space<hbm>> -> memref<624x64xf32, #tpu.memory_space<hbm>>
      tpu.wait_dma2 semaphore(%run_scoped3A : memref<!tpu.dma_semaphore, #tpu.memory_space<semaphore_mem>>) src(%dma_wait3A_39 : memref<624x64xf32, #tpu.memory_space<hbm>>) dst(%dma_wait3A_37 : memref<624x64xf32, #tpu.memory_space<vmem_shared>>)
      tpu.yield
    }) : () -> ()
    %eq3A = arith.constant 15 : i32
    %eq3A_5 = arith.cmpi eq, %arg1, %eq3A : i32
    %convert_element_type3A = arith.extui %eq3A_5 : i1 to i32
    %cond3A = arith.constant 0 : i32
    %cond3A_6 = arith.cmpi ne, %convert_element_type3A, %cond3A : i32
    scf.if %cond3A_6 {
      "tpu.region"() ({
        %run_scoped3A = tpu.sem_alloc : memref<!tpu.dma_semaphore, #tpu.memory_space<semaphore_mem>>
        %dma_start3A_32 = arith.constant 9984 : i32
        %dma_start3A_33 = arith.constant 0 : i32
        %dma_start3A_34 = tpu.memref_slice %arg11[%dma_start3A_32, %dma_start3A_33] : memref<10000x64xf32, #tpu.memory_space<vmem_shared>> -> memref<16x64xf32, #tpu.memory_space<vmem_shared>>
        %dma_start3A_35 = arith.constant 9984 : i32
        %dma_start3A_36 = arith.constant 0 : i32
        %dma_start3A_37 = tpu.memref_slice %arg5[%dma_start3A_35, %dma_start3A_36] : memref<10000x64xf32, #tpu.memory_space<hbm>> -> memref<16x64xf32, #tpu.memory_space<hbm>>
        tpu.enqueue_dma source(%dma_start3A_37 : memref<16x64xf32, #tpu.memory_space<hbm>>) target(%dma_start3A_34 : memref<16x64xf32, #tpu.memory_space<vmem_shared>>) target_semaphore(%run_scoped3A : memref<!tpu.dma_semaphore, #tpu.memory_space<semaphore_mem>>)
        %dma_wait3A_38 = arith.constant 9984 : i32
        %dma_wait3A_39 = arith.constant 0 : i32
        %dma_wait3A_40 = tpu.memref_slice %arg11[%dma_wait3A_38, %dma_wait3A_39] : memref<10000x64xf32, #tpu.memory_space<vmem_shared>> -> memref<16x64xf32, #tpu.memory_space<vmem_shared>>
        %dma_wait3A_41 = arith.constant 9984 : i32
        %dma_wait3A_42 = arith.constant 0 : i32
        %dma_wait3A_43 = tpu.memref_slice %arg5[%dma_wait3A_41, %dma_wait3A_42] : memref<10000x64xf32, #tpu.memory_space<hbm>> -> memref<16x64xf32, #tpu.memory_space<hbm>>
        tpu.wait_dma2 semaphore(%run_scoped3A : memref<!tpu.dma_semaphore, #tpu.memory_space<semaphore_mem>>) src(%dma_wait3A_43 : memref<16x64xf32, #tpu.memory_space<hbm>>) dst(%dma_wait3A_40 : memref<16x64xf32, #tpu.memory_space<vmem_shared>>)
        tpu.yield
      }) : () -> ()
    } else {
    }
    %mul3A_7 = arith.constant 10000 : i32
    %mul3A_8 = arith.muli %add3A, %mul3A_7 : i32
    "tpu.region"() ({
      %run_scoped3A = tpu.sem_alloc : memref<!tpu.dma_semaphore, #tpu.memory_space<semaphore_mem>>
      %dma_start3A_32 = tpu.memref_slice %arg3[%mul3A_8] : memref<320000xi32, #tpu.memory_space<hbm>> -> memref<10000xi32, #tpu.memory_space<hbm>>
      %dma_start3A_33 = tpu.memref_slice %arg3[%mul3A_8] : memref<320000xi32, #tpu.memory_space<hbm>> -> memref<10000xi32, #tpu.memory_space<hbm>>
      tpu.enqueue_dma source(%dma_start3A_33 : memref<10000xi32, #tpu.memory_space<hbm>>) target(%arg7 : memref<10000xi32, #tpu.memory_space<vmem>>) target_semaphore(%run_scoped3A : memref<!tpu.dma_semaphore, #tpu.memory_space<semaphore_mem>>)
      %dma_wait3A_34 = tpu.memref_slice %arg3[%mul3A_8] : memref<320000xi32, #tpu.memory_space<hbm>> -> memref<10000xi32, #tpu.memory_space<hbm>>
      %dma_wait3A_35 = tpu.memref_slice %arg3[%mul3A_8] : memref<320000xi32, #tpu.memory_space<hbm>> -> memref<10000xi32, #tpu.memory_space<hbm>>
      tpu.wait_dma2 semaphore(%run_scoped3A : memref<!tpu.dma_semaphore, #tpu.memory_space<semaphore_mem>>) src(%dma_wait3A_35 : memref<10000xi32, #tpu.memory_space<hbm>>) dst(%arg7 : memref<10000xi32, #tpu.memory_space<vmem>>)
      tpu.yield
    }) : () -> ()
    "tpu.region"() ({
      %run_scoped3A = tpu.sem_alloc : memref<!tpu.dma_semaphore, #tpu.memory_space<semaphore_mem>>
      %dma_start3A_32 = tpu.memref_slice %arg4[%mul3A_8] : memref<320000xi32, #tpu.memory_space<hbm>> -> memref<10000xi32, #tpu.memory_space<hbm>>
      %dma_start3A_33 = tpu.memref_slice %arg4[%mul3A_8] : memref<320000xi32, #tpu.memory_space<hbm>> -> memref<10000xi32, #tpu.memory_space<hbm>>
      tpu.enqueue_dma source(%dma_start3A_33 : memref<10000xi32, #tpu.memory_space<hbm>>) target(%arg8 : memref<10000xi32, #tpu.memory_space<vmem>>) target_semaphore(%run_scoped3A : memref<!tpu.dma_semaphore, #tpu.memory_space<semaphore_mem>>)
      %dma_wait3A_34 = tpu.memref_slice %arg4[%mul3A_8] : memref<320000xi32, #tpu.memory_space<hbm>> -> memref<10000xi32, #tpu.memory_space<hbm>>
      %dma_wait3A_35 = tpu.memref_slice %arg4[%mul3A_8] : memref<320000xi32, #tpu.memory_space<hbm>> -> memref<10000xi32, #tpu.memory_space<hbm>>
      tpu.wait_dma2 semaphore(%run_scoped3A : memref<!tpu.dma_semaphore, #tpu.memory_space<semaphore_mem>>) src(%dma_wait3A_35 : memref<10000xi32, #tpu.memory_space<hbm>>) dst(%arg8 : memref<10000xi32, #tpu.memory_space<vmem>>)
      tpu.yield
    }) : () -> ()
    %barrier3A = arith.constant 0 : index
    tpu.barrier barrier_id(%barrier3A)
    %dma_start3A = arith.constant 0 : i32
    %dma_start3A_9 = tpu.memref_slice %arg7[%dma_start3A] : memref<10000xi32, #tpu.memory_space<vmem>> -> memref<400xi32, #tpu.memory_space<vmem>>
    %dma_start3A_10 = arith.constant 0 : i32
    %dma_start3A_11 = arith.constant 0 : i32
    %dma_start3A_12 = tpu.memref_slice %arg2[%dma_start3A_10, %dma_start3A_11] : memref<10000x64xf32, #tpu.memory_space<hbm>> -> memref<10000x64xf32, #tpu.memory_space<hbm>>
    tpu.enqueue_indirect_dma source(%dma_start3A_12 : memref<10000x64xf32, #tpu.memory_space<hbm>>) target(%arg9 : memref<400x64xf32, #tpu.memory_space<vmem>>) offsets(%dma_start3A_9 : memref<400xi32, #tpu.memory_space<vmem>>) semaphore(%arg12 : memref<!tpu.dma_semaphore, #tpu.memory_space<semaphore_mem>>)
    %dma_wait3A = arith.constant 0 : i32
    %dma_wait3A_13 = tpu.memref_slice %arg7[%dma_wait3A] : memref<10000xi32, #tpu.memory_space<vmem>> -> memref<400xi32, #tpu.memory_space<vmem>>
    %dma_wait3A_14 = arith.constant 0 : i32
    %dma_wait3A_15 = arith.constant 0 : i32
    %dma_wait3A_16 = tpu.memref_slice %arg2[%dma_wait3A_14, %dma_wait3A_15] : memref<10000x64xf32, #tpu.memory_space<hbm>> -> memref<10000x64xf32, #tpu.memory_space<hbm>>
    tpu.wait_indirect_dma semaphore(%arg12 : memref<!tpu.dma_semaphore, #tpu.memory_space<semaphore_mem>>) src(%dma_wait3A_16 : memref<10000x64xf32, #tpu.memory_space<hbm>>) dst(%arg9 : memref<400x64xf32, #tpu.memory_space<vmem>>)
    %scan3A = arith.constant 0 : i32
    %scan3A_17 = arith.constant 0 : i32
    %scan3A_18 = arith.constant 12 : i32
    %scan3A_19 = arith.addi %scan3A_17, %scan3A_18 : i32
    %scan3A_20 = arith.constant 1 : i32
    scf.for %scan3A_32 = %scan3A_17 to %scan3A_19 step %scan3A_20  : i32 {
      %mul3A_33 = arith.constant 2 : i32
      %mul3A_34 = arith.muli %mul3A_33, %scan3A_32 : i32
      %add3A_35 = arith.constant 1 : i32
      %add3A_36 = arith.addi %mul3A_34, %add3A_35 : i32
      %mul3A_37 = arith.constant 400 : i32
      %mul3A_38 = arith.muli %add3A_36, %mul3A_37 : i32
      %dma_start3A_39 = tpu.memref_slice %arg7[%mul3A_38] : memref<10000xi32, #tpu.memory_space<vmem>> -> memref<400xi32, #tpu.memory_space<vmem>>
      %dma_start3A_40 = arith.constant 0 : i32
      %dma_start3A_41 = arith.constant 0 : i32
      %dma_start3A_42 = tpu.memref_slice %arg2[%dma_start3A_40, %dma_start3A_41] : memref<10000x64xf32, #tpu.memory_space<hbm>> -> memref<10000x64xf32, #tpu.memory_space<hbm>>
      tpu.enqueue_indirect_dma source(%dma_start3A_42 : memref<10000x64xf32, #tpu.memory_space<hbm>>) target(%arg10 : memref<400x64xf32, #tpu.memory_space<vmem>>) offsets(%dma_start3A_39 : memref<400xi32, #tpu.memory_space<vmem>>) semaphore(%arg13 : memref<!tpu.dma_semaphore, #tpu.memory_space<semaphore_mem>>)
      %mul3A_43 = arith.constant 400 : i32
      %mul3A_44 = arith.muli %mul3A_34, %mul3A_43 : i32
      "tpu.region"() ({
        %run_scoped3A = tpu.sem_alloc : memref<!tpu.dma_semaphore, #tpu.memory_space<semaphore_mem>>
        %dma_start3A_65 = tpu.memref_slice %arg8[%mul3A_44] : memref<10000xi32, #tpu.memory_space<vmem>> -> memref<400xi32, #tpu.memory_space<vmem>>
        %dma_start3A_66 = arith.constant 0 : i32
        %dma_start3A_67 = arith.constant 0 : i32
        %dma_start3A_68 = tpu.memref_slice %arg11[%dma_start3A_66, %dma_start3A_67] : memref<10000x64xf32, #tpu.memory_space<vmem_shared>> -> memref<10000x64xf32, #tpu.memory_space<vmem_shared>>
        tpu.enqueue_indirect_dma source(%arg9 : memref<400x64xf32, #tpu.memory_space<vmem>>) target(%dma_start3A_68 : memref<10000x64xf32, #tpu.memory_space<vmem_shared>>) offsets(%dma_start3A_65 : memref<400xi32, #tpu.memory_space<vmem>>) semaphore(%run_scoped3A : memref<!tpu.dma_semaphore, #tpu.memory_space<semaphore_mem>>) {add = true}
        %dma_wait3A_69 = tpu.memref_slice %arg8[%mul3A_44] : memref<10000xi32, #tpu.memory_space<vmem>> -> memref<400xi32, #tpu.memory_space<vmem>>
        %dma_wait3A_70 = arith.constant 0 : i32
        %dma_wait3A_71 = arith.constant 0 : i32
        %dma_wait3A_72 = tpu.memref_slice %arg11[%dma_wait3A_70, %dma_wait3A_71] : memref<10000x64xf32, #tpu.memory_space<vmem_shared>> -> memref<10000x64xf32, #tpu.memory_space<vmem_shared>>
        tpu.wait_indirect_dma semaphore(%run_scoped3A : memref<!tpu.dma_semaphore, #tpu.memory_space<semaphore_mem>>) src(%arg9 : memref<400x64xf32, #tpu.memory_space<vmem>>) dst(%dma_wait3A_72 : memref<10000x64xf32, #tpu.memory_space<vmem_shared>>)
        tpu.yield
      }) : () -> ()
      %add3A_45 = arith.constant 2 : i32
      %add3A_46 = arith.addi %mul3A_34, %add3A_45 : i32
      %mul3A_47 = arith.constant 400 : i32
      %mul3A_48 = arith.muli %add3A_46, %mul3A_47 : i32
      %dma_start3A_49 = tpu.memref_slice %arg7[%mul3A_48] : memref<10000xi32, #tpu.memory_space<vmem>> -> memref<400xi32, #tpu.memory_space<vmem>>
      %dma_start3A_50 = arith.constant 0 : i32
      %dma_start3A_51 = arith.constant 0 : i32
      %dma_start3A_52 = tpu.memref_slice %arg2[%dma_start3A_50, %dma_start3A_51] : memref<10000x64xf32, #tpu.memory_space<hbm>> -> memref<10000x64xf32, #tpu.memory_space<hbm>>
      tpu.enqueue_indirect_dma source(%dma_start3A_52 : memref<10000x64xf32, #tpu.memory_space<hbm>>) target(%arg9 : memref<400x64xf32, #tpu.memory_space<vmem>>) offsets(%dma_start3A_49 : memref<400xi32, #tpu.memory_space<vmem>>) semaphore(%arg12 : memref<!tpu.dma_semaphore, #tpu.memory_space<semaphore_mem>>)
      %dma_wait3A_53 = tpu.memref_slice %arg7[%mul3A_38] : memref<10000xi32, #tpu.memory_space<vmem>> -> memref<400xi32, #tpu.memory_space<vmem>>
      %dma_wait3A_54 = arith.constant 0 : i32
      %dma_wait3A_55 = arith.constant 0 : i32
      %dma_wait3A_56 = tpu.memref_slice %arg2[%dma_wait3A_54, %dma_wait3A_55] : memref<10000x64xf32, #tpu.memory_space<hbm>> -> memref<10000x64xf32, #tpu.memory_space<hbm>>
      tpu.wait_indirect_dma semaphore(%arg13 : memref<!tpu.dma_semaphore, #tpu.memory_space<semaphore_mem>>) src(%dma_wait3A_56 : memref<10000x64xf32, #tpu.memory_space<hbm>>) dst(%arg10 : memref<400x64xf32, #tpu.memory_space<vmem>>)
      %add3A_57 = arith.constant 1 : i32
      %add3A_58 = arith.addi %mul3A_34, %add3A_57 : i32
      %mul3A_59 = arith.constant 400 : i32
      %mul3A_60 = arith.muli %add3A_58, %mul3A_59 : i32
      "tpu.region"() ({
        %run_scoped3A = tpu.sem_alloc : memref<!tpu.dma_semaphore, #tpu.memory_space<semaphore_mem>>
        %dma_start3A_65 = tpu.memref_slice %arg8[%mul3A_60] : memref<10000xi32, #tpu.memory_space<vmem>> -> memref<400xi32, #tpu.memory_space<vmem>>
        %dma_start3A_66 = arith.constant 0 : i32
        %dma_start3A_67 = arith.constant 0 : i32
        %dma_start3A_68 = tpu.memref_slice %arg11[%dma_start3A_66, %dma_start3A_67] : memref<10000x64xf32, #tpu.memory_space<vmem_shared>> -> memref<10000x64xf32, #tpu.memory_space<vmem_shared>>
        tpu.enqueue_indirect_dma source(%arg10 : memref<400x64xf32, #tpu.memory_space<vmem>>) target(%dma_start3A_68 : memref<10000x64xf32, #tpu.memory_space<vmem_shared>>) offsets(%dma_start3A_65 : memref<400xi32, #tpu.memory_space<vmem>>) semaphore(%run_scoped3A : memref<!tpu.dma_semaphore, #tpu.memory_space<semaphore_mem>>) {add = true}
        %dma_wait3A_69 = tpu.memref_slice %arg8[%mul3A_60] : memref<10000xi32, #tpu.memory_space<vmem>> -> memref<400xi32, #tpu.memory_space<vmem>>
        %dma_wait3A_70 = arith.constant 0 : i32
        %dma_wait3A_71 = arith.constant 0 : i32
        %dma_wait3A_72 = tpu.memref_slice %arg11[%dma_wait3A_70, %dma_wait3A_71] : memref<10000x64xf32, #tpu.memory_space<vmem_shared>> -> memref<10000x64xf32, #tpu.memory_space<vmem_shared>>
        tpu.wait_indirect_dma semaphore(%run_scoped3A : memref<!tpu.dma_semaphore, #tpu.memory_space<semaphore_mem>>) src(%arg10 : memref<400x64xf32, #tpu.memory_space<vmem>>) dst(%dma_wait3A_72 : memref<10000x64xf32, #tpu.memory_space<vmem_shared>>)
        tpu.yield
      }) : () -> ()
      %dma_wait3A_61 = tpu.memref_slice %arg7[%mul3A_48] : memref<10000xi32, #tpu.memory_space<vmem>> -> memref<400xi32, #tpu.memory_space<vmem>>
      %dma_wait3A_62 = arith.constant 0 : i32
      %dma_wait3A_63 = arith.constant 0 : i32
      %dma_wait3A_64 = tpu.memref_slice %arg2[%dma_wait3A_62, %dma_wait3A_63] : memref<10000x64xf32, #tpu.memory_space<hbm>> -> memref<10000x64xf32, #tpu.memory_space<hbm>>
      tpu.wait_indirect_dma semaphore(%arg12 : memref<!tpu.dma_semaphore, #tpu.memory_space<semaphore_mem>>) src(%dma_wait3A_64 : memref<10000x64xf32, #tpu.memory_space<hbm>>) dst(%arg9 : memref<400x64xf32, #tpu.memory_space<vmem>>)
    }
    %scan3A_21 = arith.constant 12 : i32
    "tpu.region"() ({
      %run_scoped3A = tpu.sem_alloc : memref<!tpu.dma_semaphore, #tpu.memory_space<semaphore_mem>>
      %dma_start3A_32 = arith.constant 9600 : i32
      %dma_start3A_33 = tpu.memref_slice %arg8[%dma_start3A_32] : memref<10000xi32, #tpu.memory_space<vmem>> -> memref<400xi32, #tpu.memory_space<vmem>>
      %dma_start3A_34 = arith.constant 0 : i32
      %dma_start3A_35 = arith.constant 0 : i32
      %dma_start3A_36 = tpu.memref_slice %arg11[%dma_start3A_34, %dma_start3A_35] : memref<10000x64xf32, #tpu.memory_space<vmem_shared>> -> memref<10000x64xf32, #tpu.memory_space<vmem_shared>>
      tpu.enqueue_indirect_dma source(%arg9 : memref<400x64xf32, #tpu.memory_space<vmem>>) target(%dma_start3A_36 : memref<10000x64xf32, #tpu.memory_space<vmem_shared>>) offsets(%dma_start3A_33 : memref<400xi32, #tpu.memory_space<vmem>>) semaphore(%run_scoped3A : memref<!tpu.dma_semaphore, #tpu.memory_space<semaphore_mem>>) {add = true}
      %dma_wait3A_37 = arith.constant 9600 : i32
      %dma_wait3A_38 = tpu.memref_slice %arg8[%dma_wait3A_37] : memref<10000xi32, #tpu.memory_space<vmem>> -> memref<400xi32, #tpu.memory_space<vmem>>
      %dma_wait3A_39 = arith.constant 0 : i32
      %dma_wait3A_40 = arith.constant 0 : i32
      %dma_wait3A_41 = tpu.memref_slice %arg11[%dma_wait3A_39, %dma_wait3A_40] : memref<10000x64xf32, #tpu.memory_space<vmem_shared>> -> memref<10000x64xf32, #tpu.memory_space<vmem_shared>>
      tpu.wait_indirect_dma semaphore(%run_scoped3A : memref<!tpu.dma_semaphore, #tpu.memory_space<semaphore_mem>>) src(%arg9 : memref<400x64xf32, #tpu.memory_space<vmem>>) dst(%dma_wait3A_41 : memref<10000x64xf32, #tpu.memory_space<vmem_shared>>)
      tpu.yield
    }) : () -> ()
    %barrier3A_22 = arith.constant 0 : index
    tpu.barrier barrier_id(%barrier3A_22)
    %mul3A_23 = arith.constant 624 : i32
    %mul3A_24 = arith.muli %arg1, %mul3A_23 : i32
    %mul3A_25 = arith.constant 624 : i32
    %mul3A_26 = arith.muli %arg1, %mul3A_25 : i32
    "tpu.region"() ({
      %run_scoped3A = tpu.sem_alloc : memref<!tpu.dma_semaphore, #tpu.memory_space<semaphore_mem>>
      %dma_start3A_32 = arith.constant 0 : i32
      %dma_start3A_33 = arith.constant 0 : i32
      %dma_start3A_34 = tpu.memref_slice %arg6[%arg0, %dma_start3A_32, %dma_start3A_33] : memref<2x10000x64xf32, #tpu.memory_space<hbm>> -> memref<1x10000x64xf32, #tpu.memory_space<hbm>>
      %dma_start3A_35 = tpu.memref_squeeze %dma_start3A_34 : memref<1x10000x64xf32, #tpu.memory_space<hbm>> -> memref<10000x64xf32, #tpu.memory_space<hbm>>
      %dma_start3A_36 = arith.constant 0 : i32
      %dma_start3A_37 = tpu.memref_slice %dma_start3A_35[%mul3A_26, %dma_start3A_36] : memref<10000x64xf32, #tpu.memory_space<hbm>> -> memref<624x64xf32, #tpu.memory_space<hbm>>
      %dma_start3A_38 = arith.constant 0 : i32
      %dma_start3A_39 = tpu.memref_slice %arg11[%mul3A_24, %dma_start3A_38] : memref<10000x64xf32, #tpu.memory_space<vmem_shared>> -> memref<624x64xf32, #tpu.memory_space<vmem_shared>>
      tpu.enqueue_dma source(%dma_start3A_39 : memref<624x64xf32, #tpu.memory_space<vmem_shared>>) target(%dma_start3A_37 : memref<624x64xf32, #tpu.memory_space<hbm>>) target_semaphore(%run_scoped3A : memref<!tpu.dma_semaphore, #tpu.memory_space<semaphore_mem>>)
      %dma_wait3A_40 = arith.constant 0 : i32
      %dma_wait3A_41 = arith.constant 0 : i32
      %dma_wait3A_42 = tpu.memref_slice %arg6[%arg0, %dma_wait3A_40, %dma_wait3A_41] : memref<2x10000x64xf32, #tpu.memory_space<hbm>> -> memref<1x10000x64xf32, #tpu.memory_space<hbm>>
      %dma_wait3A_43 = tpu.memref_squeeze %dma_wait3A_42 : memref<1x10000x64xf32, #tpu.memory_space<hbm>> -> memref<10000x64xf32, #tpu.memory_space<hbm>>
      %dma_wait3A_44 = arith.constant 0 : i32
      %dma_wait3A_45 = tpu.memref_slice %dma_wait3A_43[%mul3A_26, %dma_wait3A_44] : memref<10000x64xf32, #tpu.memory_space<hbm>> -> memref<624x64xf32, #tpu.memory_space<hbm>>
      %dma_wait3A_46 = arith.constant 0 : i32
      %dma_wait3A_47 = tpu.memref_slice %arg11[%mul3A_24, %dma_wait3A_46] : memref<10000x64xf32, #tpu.memory_space<vmem_shared>> -> memref<624x64xf32, #tpu.memory_space<vmem_shared>>
      tpu.wait_dma2 semaphore(%run_scoped3A : memref<!tpu.dma_semaphore, #tpu.memory_space<semaphore_mem>>) src(%dma_wait3A_47 : memref<624x64xf32, #tpu.memory_space<vmem_shared>>) dst(%dma_wait3A_45 : memref<624x64xf32, #tpu.memory_space<hbm>>)
      tpu.yield
    }) : () -> ()
    %eq3A_27 = arith.constant 15 : i32
    %eq3A_28 = arith.cmpi eq, %arg1, %eq3A_27 : i32
    %convert_element_type3A_29 = arith.extui %eq3A_28 : i1 to i32
    %cond3A_30 = arith.constant 0 : i32
    %cond3A_31 = arith.cmpi ne, %convert_element_type3A_29, %cond3A_30 : i32
    scf.if %cond3A_31 {
      "tpu.region"() ({
        %run_scoped3A = tpu.sem_alloc : memref<!tpu.dma_semaphore, #tpu.memory_space<semaphore_mem>>
        %dma_start3A_32 = arith.constant 0 : i32
        %dma_start3A_33 = arith.constant 0 : i32
        %dma_start3A_34 = tpu.memref_slice %arg6[%arg0, %dma_start3A_32, %dma_start3A_33] : memref<2x10000x64xf32, #tpu.memory_space<hbm>> -> memref<1x10000x64xf32, #tpu.memory_space<hbm>>
        %dma_start3A_35 = tpu.memref_squeeze %dma_start3A_34 : memref<1x10000x64xf32, #tpu.memory_space<hbm>> -> memref<10000x64xf32, #tpu.memory_space<hbm>>
        %dma_start3A_36 = arith.constant 9984 : i32
        %dma_start3A_37 = arith.constant 0 : i32
        %dma_start3A_38 = tpu.memref_slice %dma_start3A_35[%dma_start3A_36, %dma_start3A_37] : memref<10000x64xf32, #tpu.memory_space<hbm>> -> memref<16x64xf32, #tpu.memory_space<hbm>>
        %dma_start3A_39 = arith.constant 9984 : i32
        %dma_start3A_40 = arith.constant 0 : i32
        %dma_start3A_41 = tpu.memref_slice %arg11[%dma_start3A_39, %dma_start3A_40] : memref<10000x64xf32, #tpu.memory_space<vmem_shared>> -> memref<16x64xf32, #tpu.memory_space<vmem_shared>>
        tpu.enqueue_dma source(%dma_start3A_41 : memref<16x64xf32, #tpu.memory_space<vmem_shared>>) target(%dma_start3A_38 : memref<16x64xf32, #tpu.memory_space<hbm>>) target_semaphore(%run_scoped3A : memref<!tpu.dma_semaphore, #tpu.memory_space<semaphore_mem>>)
        %dma_wait3A_42 = arith.constant 0 : i32
        %dma_wait3A_43 = arith.constant 0 : i32
        %dma_wait3A_44 = tpu.memref_slice %arg6[%arg0, %dma_wait3A_42, %dma_wait3A_43] : memref<2x10000x64xf32, #tpu.memory_space<hbm>> -> memref<1x10000x64xf32, #tpu.memory_space<hbm>>
        %dma_wait3A_45 = tpu.memref_squeeze %dma_wait3A_44 : memref<1x10000x64xf32, #tpu.memory_space<hbm>> -> memref<10000x64xf32, #tpu.memory_space<hbm>>
        %dma_wait3A_46 = arith.constant 9984 : i32
        %dma_wait3A_47 = arith.constant 0 : i32
        %dma_wait3A_48 = tpu.memref_slice %dma_wait3A_45[%dma_wait3A_46, %dma_wait3A_47] : memref<10000x64xf32, #tpu.memory_space<hbm>> -> memref<16x64xf32, #tpu.memory_space<hbm>>
        %dma_wait3A_49 = arith.constant 9984 : i32
        %dma_wait3A_50 = arith.constant 0 : i32
        %dma_wait3A_51 = tpu.memref_slice %arg11[%dma_wait3A_49, %dma_wait3A_50] : memref<10000x64xf32, #tpu.memory_space<vmem_shared>> -> memref<16x64xf32, #tpu.memory_space<vmem_shared>>
        tpu.wait_dma2 semaphore(%run_scoped3A : memref<!tpu.dma_semaphore, #tpu.memory_space<semaphore_mem>>) src(%dma_wait3A_51 : memref<16x64xf32, #tpu.memory_space<vmem_shared>>) dst(%dma_wait3A_48 : memref<16x64xf32, #tpu.memory_space<hbm>>)
        tpu.yield
      }) : () -> ()
    } else {
    }
    return
  }
}

#map = affine_map<(d0, d1) -> (0, 0)>
#map1 = affine_map<(d0, d1) -> (0)>
#map2 = affine_map<(d0, d1) -> (0, 0, 0)>
module attributes {stable_mosaic.version = 14 : i64} {
  func.func @k(%arg0: i32, %arg1: i32, %arg2: memref<10000x32xf32, #tpu.memory_space<hbm>>, %arg3: memref<320000xi32, #tpu.memory_space<hbm>>, %arg4: memref<320000xi32, #tpu.memory_space<hbm>>, %arg5: memref<800x400x32xf32, #tpu.memory_space<hbm>>, %arg6: memref<800x400x32xf32, #tpu.memory_space<hbm>>, %arg7: memref<10000xi32, #tpu.memory_space<vmem>>, %arg8: memref<10000xi32, #tpu.memory_space<vmem>>, %arg9: memref<400x32xf32, #tpu.memory_space<vmem>>, %arg10: memref<400x32xf32, #tpu.memory_space<vmem>>, %arg11: memref<400x32xf32, #tpu.memory_space<vmem>>, %arg12: memref<400x32xf32, #tpu.memory_space<vmem>>, %arg13: memref<!tpu.dma_semaphore, #tpu.memory_space<semaphore_mem>>, %arg14: memref<!tpu.dma_semaphore, #tpu.memory_space<semaphore_mem>>) attributes {dimension_semantics = [#tpu.dimension_semantics<core_parallel>, #tpu.dimension_semantics<subcore_parallel>], iteration_bounds = array<i64: 2, 16>, scalar_prefetch = 0 : i64, scratch_operands = 8 : i64, tpu.core_type = #tpu.core_type<sc_vector_subcore>, window_params = [{transform_indices = #map}, {transform_indices = #map1}, {transform_indices = #map1}, {transform_indices = #map2}, {transform_indices = #map2}]} {
    %mul3A = arith.constant 16 : i32
    %mul3A_0 = arith.muli %arg0, %mul3A : i32
    %add3A = arith.addi %mul3A_0, %arg1 : i32
    %mul3A_1 = arith.constant 10000 : i32
    %mul3A_2 = arith.muli %add3A, %mul3A_1 : i32
    "tpu.region"() ({
      %run_scoped3A = tpu.sem_alloc : memref<!tpu.dma_semaphore, #tpu.memory_space<semaphore_mem>>
      %dma_start3A_34 = tpu.memref_slice %arg3[%mul3A_2] : memref<320000xi32, #tpu.memory_space<hbm>> -> memref<10000xi32, #tpu.memory_space<hbm>>
      %dma_start3A_35 = tpu.memref_slice %arg3[%mul3A_2] : memref<320000xi32, #tpu.memory_space<hbm>> -> memref<10000xi32, #tpu.memory_space<hbm>>
      tpu.enqueue_dma source(%dma_start3A_35 : memref<10000xi32, #tpu.memory_space<hbm>>) target(%arg7 : memref<10000xi32, #tpu.memory_space<vmem>>) target_semaphore(%run_scoped3A : memref<!tpu.dma_semaphore, #tpu.memory_space<semaphore_mem>>)
      %dma_wait3A_36 = tpu.memref_slice %arg3[%mul3A_2] : memref<320000xi32, #tpu.memory_space<hbm>> -> memref<10000xi32, #tpu.memory_space<hbm>>
      %dma_wait3A_37 = tpu.memref_slice %arg3[%mul3A_2] : memref<320000xi32, #tpu.memory_space<hbm>> -> memref<10000xi32, #tpu.memory_space<hbm>>
      tpu.wait_dma2 semaphore(%run_scoped3A : memref<!tpu.dma_semaphore, #tpu.memory_space<semaphore_mem>>) src(%dma_wait3A_37 : memref<10000xi32, #tpu.memory_space<hbm>>) dst(%arg7 : memref<10000xi32, #tpu.memory_space<vmem>>)
      tpu.yield
    }) : () -> ()
    "tpu.region"() ({
      %run_scoped3A = tpu.sem_alloc : memref<!tpu.dma_semaphore, #tpu.memory_space<semaphore_mem>>
      %dma_start3A_34 = tpu.memref_slice %arg4[%mul3A_2] : memref<320000xi32, #tpu.memory_space<hbm>> -> memref<10000xi32, #tpu.memory_space<hbm>>
      %dma_start3A_35 = tpu.memref_slice %arg4[%mul3A_2] : memref<320000xi32, #tpu.memory_space<hbm>> -> memref<10000xi32, #tpu.memory_space<hbm>>
      tpu.enqueue_dma source(%dma_start3A_35 : memref<10000xi32, #tpu.memory_space<hbm>>) target(%arg8 : memref<10000xi32, #tpu.memory_space<vmem>>) target_semaphore(%run_scoped3A : memref<!tpu.dma_semaphore, #tpu.memory_space<semaphore_mem>>)
      %dma_wait3A_36 = tpu.memref_slice %arg4[%mul3A_2] : memref<320000xi32, #tpu.memory_space<hbm>> -> memref<10000xi32, #tpu.memory_space<hbm>>
      %dma_wait3A_37 = tpu.memref_slice %arg4[%mul3A_2] : memref<320000xi32, #tpu.memory_space<hbm>> -> memref<10000xi32, #tpu.memory_space<hbm>>
      tpu.wait_dma2 semaphore(%run_scoped3A : memref<!tpu.dma_semaphore, #tpu.memory_space<semaphore_mem>>) src(%dma_wait3A_37 : memref<10000xi32, #tpu.memory_space<hbm>>) dst(%arg8 : memref<10000xi32, #tpu.memory_space<vmem>>)
      tpu.yield
    }) : () -> ()
    %dma_start3A = arith.constant 0 : i32
    %dma_start3A_3 = tpu.memref_slice %arg7[%dma_start3A] : memref<10000xi32, #tpu.memory_space<vmem>> -> memref<400xi32, #tpu.memory_space<vmem>>
    %dma_start3A_4 = arith.constant 0 : i32
    %dma_start3A_5 = arith.constant 0 : i32
    %dma_start3A_6 = tpu.memref_slice %arg2[%dma_start3A_4, %dma_start3A_5] : memref<10000x32xf32, #tpu.memory_space<hbm>> -> memref<10000x32xf32, #tpu.memory_space<hbm>>
    tpu.enqueue_indirect_dma source(%dma_start3A_6 : memref<10000x32xf32, #tpu.memory_space<hbm>>) target(%arg9 : memref<400x32xf32, #tpu.memory_space<vmem>>) offsets(%dma_start3A_3 : memref<400xi32, #tpu.memory_space<vmem>>) semaphore(%arg13 : memref<!tpu.dma_semaphore, #tpu.memory_space<semaphore_mem>>)
    %dma_start3A_7 = arith.constant 0 : i32
    %dma_start3A_8 = tpu.memref_slice %arg8[%dma_start3A_7] : memref<10000xi32, #tpu.memory_space<vmem>> -> memref<400xi32, #tpu.memory_space<vmem>>
    %dma_start3A_9 = arith.constant 0 : i32
    %dma_start3A_10 = arith.constant 0 : i32
    %dma_start3A_11 = tpu.memref_slice %arg2[%dma_start3A_9, %dma_start3A_10] : memref<10000x32xf32, #tpu.memory_space<hbm>> -> memref<10000x32xf32, #tpu.memory_space<hbm>>
    tpu.enqueue_indirect_dma source(%dma_start3A_11 : memref<10000x32xf32, #tpu.memory_space<hbm>>) target(%arg10 : memref<400x32xf32, #tpu.memory_space<vmem>>) offsets(%dma_start3A_8 : memref<400xi32, #tpu.memory_space<vmem>>) semaphore(%arg13 : memref<!tpu.dma_semaphore, #tpu.memory_space<semaphore_mem>>)
    %dma_wait3A = arith.constant 0 : i32
    %dma_wait3A_12 = tpu.memref_slice %arg7[%dma_wait3A] : memref<10000xi32, #tpu.memory_space<vmem>> -> memref<400xi32, #tpu.memory_space<vmem>>
    %dma_wait3A_13 = arith.constant 0 : i32
    %dma_wait3A_14 = arith.constant 0 : i32
    %dma_wait3A_15 = tpu.memref_slice %arg2[%dma_wait3A_13, %dma_wait3A_14] : memref<10000x32xf32, #tpu.memory_space<hbm>> -> memref<10000x32xf32, #tpu.memory_space<hbm>>
    tpu.wait_indirect_dma semaphore(%arg13 : memref<!tpu.dma_semaphore, #tpu.memory_space<semaphore_mem>>) src(%dma_wait3A_15 : memref<10000x32xf32, #tpu.memory_space<hbm>>) dst(%arg9 : memref<400x32xf32, #tpu.memory_space<vmem>>)
    %dma_wait3A_16 = arith.constant 0 : i32
    %dma_wait3A_17 = tpu.memref_slice %arg8[%dma_wait3A_16] : memref<10000xi32, #tpu.memory_space<vmem>> -> memref<400xi32, #tpu.memory_space<vmem>>
    %dma_wait3A_18 = arith.constant 0 : i32
    %dma_wait3A_19 = arith.constant 0 : i32
    %dma_wait3A_20 = tpu.memref_slice %arg2[%dma_wait3A_18, %dma_wait3A_19] : memref<10000x32xf32, #tpu.memory_space<hbm>> -> memref<10000x32xf32, #tpu.memory_space<hbm>>
    tpu.wait_indirect_dma semaphore(%arg13 : memref<!tpu.dma_semaphore, #tpu.memory_space<semaphore_mem>>) src(%dma_wait3A_20 : memref<10000x32xf32, #tpu.memory_space<hbm>>) dst(%arg10 : memref<400x32xf32, #tpu.memory_space<vmem>>)
    %scan3A = arith.constant 0 : i32
    %scan3A_21 = arith.constant 0 : i32
    %scan3A_22 = arith.constant 12 : i32
    %scan3A_23 = arith.addi %scan3A_21, %scan3A_22 : i32
    %scan3A_24 = arith.constant 1 : i32
    scf.for %scan3A_34 = %scan3A_21 to %scan3A_23 step %scan3A_24  : i32 {
      %mul3A_35 = arith.constant 2 : i32
      %mul3A_36 = arith.muli %mul3A_35, %scan3A_34 : i32
      %add3A_37 = arith.constant 1 : i32
      %add3A_38 = arith.addi %mul3A_36, %add3A_37 : i32
      %mul3A_39 = arith.constant 400 : i32
      %mul3A_40 = arith.muli %add3A_38, %mul3A_39 : i32
      %dma_start3A_41 = tpu.memref_slice %arg7[%mul3A_40] : memref<10000xi32, #tpu.memory_space<vmem>> -> memref<400xi32, #tpu.memory_space<vmem>>
      %dma_start3A_42 = arith.constant 0 : i32
      %dma_start3A_43 = arith.constant 0 : i32
      %dma_start3A_44 = tpu.memref_slice %arg2[%dma_start3A_42, %dma_start3A_43] : memref<10000x32xf32, #tpu.memory_space<hbm>> -> memref<10000x32xf32, #tpu.memory_space<hbm>>
      tpu.enqueue_indirect_dma source(%dma_start3A_44 : memref<10000x32xf32, #tpu.memory_space<hbm>>) target(%arg11 : memref<400x32xf32, #tpu.memory_space<vmem>>) offsets(%dma_start3A_41 : memref<400xi32, #tpu.memory_space<vmem>>) semaphore(%arg14 : memref<!tpu.dma_semaphore, #tpu.memory_space<semaphore_mem>>)
      %dma_start3A_45 = tpu.memref_slice %arg8[%mul3A_40] : memref<10000xi32, #tpu.memory_space<vmem>> -> memref<400xi32, #tpu.memory_space<vmem>>
      %dma_start3A_46 = arith.constant 0 : i32
      %dma_start3A_47 = arith.constant 0 : i32
      %dma_start3A_48 = tpu.memref_slice %arg2[%dma_start3A_46, %dma_start3A_47] : memref<10000x32xf32, #tpu.memory_space<hbm>> -> memref<10000x32xf32, #tpu.memory_space<hbm>>
      tpu.enqueue_indirect_dma source(%dma_start3A_48 : memref<10000x32xf32, #tpu.memory_space<hbm>>) target(%arg12 : memref<400x32xf32, #tpu.memory_space<vmem>>) offsets(%dma_start3A_45 : memref<400xi32, #tpu.memory_space<vmem>>) semaphore(%arg14 : memref<!tpu.dma_semaphore, #tpu.memory_space<semaphore_mem>>)
      %mul3A_49 = arith.constant 25 : i32
      %mul3A_50 = arith.muli %add3A, %mul3A_49 : i32
      %add3A_51 = arith.addi %mul3A_50, %mul3A_36 : i32
      "tpu.region"() ({
        %run_scoped3A = tpu.sem_alloc : memref<!tpu.dma_semaphore, #tpu.memory_space<semaphore_mem>>
        %dma_start3A_91 = arith.constant 0 : i32
        %dma_start3A_92 = arith.constant 0 : i32
        %dma_start3A_93 = tpu.memref_slice %arg5[%add3A_51, %dma_start3A_91, %dma_start3A_92] : memref<800x400x32xf32, #tpu.memory_space<hbm>> -> memref<1x400x32xf32, #tpu.memory_space<hbm>>
        %dma_start3A_94 = tpu.memref_squeeze %dma_start3A_93 : memref<1x400x32xf32, #tpu.memory_space<hbm>> -> memref<400x32xf32, #tpu.memory_space<hbm>>
        %dma_start3A_95 = arith.constant 0 : i32
        %dma_start3A_96 = arith.constant 0 : i32
        %dma_start3A_97 = tpu.memref_slice %arg5[%add3A_51, %dma_start3A_95, %dma_start3A_96] : memref<800x400x32xf32, #tpu.memory_space<hbm>> -> memref<1x400x32xf32, #tpu.memory_space<hbm>>
        %dma_start3A_98 = tpu.memref_squeeze %dma_start3A_97 : memref<1x400x32xf32, #tpu.memory_space<hbm>> -> memref<400x32xf32, #tpu.memory_space<hbm>>
        tpu.enqueue_dma source(%arg9 : memref<400x32xf32, #tpu.memory_space<vmem>>) target(%dma_start3A_98 : memref<400x32xf32, #tpu.memory_space<hbm>>) target_semaphore(%run_scoped3A : memref<!tpu.dma_semaphore, #tpu.memory_space<semaphore_mem>>)
        %dma_wait3A_99 = arith.constant 0 : i32
        %dma_wait3A_100 = arith.constant 0 : i32
        %dma_wait3A_101 = tpu.memref_slice %arg5[%add3A_51, %dma_wait3A_99, %dma_wait3A_100] : memref<800x400x32xf32, #tpu.memory_space<hbm>> -> memref<1x400x32xf32, #tpu.memory_space<hbm>>
        %dma_wait3A_102 = tpu.memref_squeeze %dma_wait3A_101 : memref<1x400x32xf32, #tpu.memory_space<hbm>> -> memref<400x32xf32, #tpu.memory_space<hbm>>
        %dma_wait3A_103 = arith.constant 0 : i32
        %dma_wait3A_104 = arith.constant 0 : i32
        %dma_wait3A_105 = tpu.memref_slice %arg5[%add3A_51, %dma_wait3A_103, %dma_wait3A_104] : memref<800x400x32xf32, #tpu.memory_space<hbm>> -> memref<1x400x32xf32, #tpu.memory_space<hbm>>
        %dma_wait3A_106 = tpu.memref_squeeze %dma_wait3A_105 : memref<1x400x32xf32, #tpu.memory_space<hbm>> -> memref<400x32xf32, #tpu.memory_space<hbm>>
        tpu.wait_dma2 semaphore(%run_scoped3A : memref<!tpu.dma_semaphore, #tpu.memory_space<semaphore_mem>>) src(%arg9 : memref<400x32xf32, #tpu.memory_space<vmem>>) dst(%dma_wait3A_106 : memref<400x32xf32, #tpu.memory_space<hbm>>)
        tpu.yield
      }) : () -> ()
      %mul3A_52 = arith.constant 25 : i32
      %mul3A_53 = arith.muli %add3A, %mul3A_52 : i32
      %add3A_54 = arith.addi %mul3A_53, %mul3A_36 : i32
      "tpu.region"() ({
        %run_scoped3A = tpu.sem_alloc : memref<!tpu.dma_semaphore, #tpu.memory_space<semaphore_mem>>
        %dma_start3A_91 = arith.constant 0 : i32
        %dma_start3A_92 = arith.constant 0 : i32
        %dma_start3A_93 = tpu.memref_slice %arg6[%add3A_54, %dma_start3A_91, %dma_start3A_92] : memref<800x400x32xf32, #tpu.memory_space<hbm>> -> memref<1x400x32xf32, #tpu.memory_space<hbm>>
        %dma_start3A_94 = tpu.memref_squeeze %dma_start3A_93 : memref<1x400x32xf32, #tpu.memory_space<hbm>> -> memref<400x32xf32, #tpu.memory_space<hbm>>
        %dma_start3A_95 = arith.constant 0 : i32
        %dma_start3A_96 = arith.constant 0 : i32
        %dma_start3A_97 = tpu.memref_slice %arg6[%add3A_54, %dma_start3A_95, %dma_start3A_96] : memref<800x400x32xf32, #tpu.memory_space<hbm>> -> memref<1x400x32xf32, #tpu.memory_space<hbm>>
        %dma_start3A_98 = tpu.memref_squeeze %dma_start3A_97 : memref<1x400x32xf32, #tpu.memory_space<hbm>> -> memref<400x32xf32, #tpu.memory_space<hbm>>
        tpu.enqueue_dma source(%arg10 : memref<400x32xf32, #tpu.memory_space<vmem>>) target(%dma_start3A_98 : memref<400x32xf32, #tpu.memory_space<hbm>>) target_semaphore(%run_scoped3A : memref<!tpu.dma_semaphore, #tpu.memory_space<semaphore_mem>>)
        %dma_wait3A_99 = arith.constant 0 : i32
        %dma_wait3A_100 = arith.constant 0 : i32
        %dma_wait3A_101 = tpu.memref_slice %arg6[%add3A_54, %dma_wait3A_99, %dma_wait3A_100] : memref<800x400x32xf32, #tpu.memory_space<hbm>> -> memref<1x400x32xf32, #tpu.memory_space<hbm>>
        %dma_wait3A_102 = tpu.memref_squeeze %dma_wait3A_101 : memref<1x400x32xf32, #tpu.memory_space<hbm>> -> memref<400x32xf32, #tpu.memory_space<hbm>>
        %dma_wait3A_103 = arith.constant 0 : i32
        %dma_wait3A_104 = arith.constant 0 : i32
        %dma_wait3A_105 = tpu.memref_slice %arg6[%add3A_54, %dma_wait3A_103, %dma_wait3A_104] : memref<800x400x32xf32, #tpu.memory_space<hbm>> -> memref<1x400x32xf32, #tpu.memory_space<hbm>>
        %dma_wait3A_106 = tpu.memref_squeeze %dma_wait3A_105 : memref<1x400x32xf32, #tpu.memory_space<hbm>> -> memref<400x32xf32, #tpu.memory_space<hbm>>
        tpu.wait_dma2 semaphore(%run_scoped3A : memref<!tpu.dma_semaphore, #tpu.memory_space<semaphore_mem>>) src(%arg10 : memref<400x32xf32, #tpu.memory_space<vmem>>) dst(%dma_wait3A_106 : memref<400x32xf32, #tpu.memory_space<hbm>>)
        tpu.yield
      }) : () -> ()
      %add3A_55 = arith.constant 2 : i32
      %add3A_56 = arith.addi %mul3A_36, %add3A_55 : i32
      %mul3A_57 = arith.constant 400 : i32
      %mul3A_58 = arith.muli %add3A_56, %mul3A_57 : i32
      %dma_start3A_59 = tpu.memref_slice %arg7[%mul3A_58] : memref<10000xi32, #tpu.memory_space<vmem>> -> memref<400xi32, #tpu.memory_space<vmem>>
      %dma_start3A_60 = arith.constant 0 : i32
      %dma_start3A_61 = arith.constant 0 : i32
      %dma_start3A_62 = tpu.memref_slice %arg2[%dma_start3A_60, %dma_start3A_61] : memref<10000x32xf32, #tpu.memory_space<hbm>> -> memref<10000x32xf32, #tpu.memory_space<hbm>>
      tpu.enqueue_indirect_dma source(%dma_start3A_62 : memref<10000x32xf32, #tpu.memory_space<hbm>>) target(%arg9 : memref<400x32xf32, #tpu.memory_space<vmem>>) offsets(%dma_start3A_59 : memref<400xi32, #tpu.memory_space<vmem>>) semaphore(%arg13 : memref<!tpu.dma_semaphore, #tpu.memory_space<semaphore_mem>>)
      %dma_start3A_63 = tpu.memref_slice %arg8[%mul3A_58] : memref<10000xi32, #tpu.memory_space<vmem>> -> memref<400xi32, #tpu.memory_space<vmem>>
      %dma_start3A_64 = arith.constant 0 : i32
      %dma_start3A_65 = arith.constant 0 : i32
      %dma_start3A_66 = tpu.memref_slice %arg2[%dma_start3A_64, %dma_start3A_65] : memref<10000x32xf32, #tpu.memory_space<hbm>> -> memref<10000x32xf32, #tpu.memory_space<hbm>>
      tpu.enqueue_indirect_dma source(%dma_start3A_66 : memref<10000x32xf32, #tpu.memory_space<hbm>>) target(%arg10 : memref<400x32xf32, #tpu.memory_space<vmem>>) offsets(%dma_start3A_63 : memref<400xi32, #tpu.memory_space<vmem>>) semaphore(%arg13 : memref<!tpu.dma_semaphore, #tpu.memory_space<semaphore_mem>>)
      %dma_wait3A_67 = tpu.memref_slice %arg7[%mul3A_40] : memref<10000xi32, #tpu.memory_space<vmem>> -> memref<400xi32, #tpu.memory_space<vmem>>
      %dma_wait3A_68 = arith.constant 0 : i32
      %dma_wait3A_69 = arith.constant 0 : i32
      %dma_wait3A_70 = tpu.memref_slice %arg2[%dma_wait3A_68, %dma_wait3A_69] : memref<10000x32xf32, #tpu.memory_space<hbm>> -> memref<10000x32xf32, #tpu.memory_space<hbm>>
      tpu.wait_indirect_dma semaphore(%arg14 : memref<!tpu.dma_semaphore, #tpu.memory_space<semaphore_mem>>) src(%dma_wait3A_70 : memref<10000x32xf32, #tpu.memory_space<hbm>>) dst(%arg11 : memref<400x32xf32, #tpu.memory_space<vmem>>)
      %dma_wait3A_71 = tpu.memref_slice %arg8[%mul3A_40] : memref<10000xi32, #tpu.memory_space<vmem>> -> memref<400xi32, #tpu.memory_space<vmem>>
      %dma_wait3A_72 = arith.constant 0 : i32
      %dma_wait3A_73 = arith.constant 0 : i32
      %dma_wait3A_74 = tpu.memref_slice %arg2[%dma_wait3A_72, %dma_wait3A_73] : memref<10000x32xf32, #tpu.memory_space<hbm>> -> memref<10000x32xf32, #tpu.memory_space<hbm>>
      tpu.wait_indirect_dma semaphore(%arg14 : memref<!tpu.dma_semaphore, #tpu.memory_space<semaphore_mem>>) src(%dma_wait3A_74 : memref<10000x32xf32, #tpu.memory_space<hbm>>) dst(%arg12 : memref<400x32xf32, #tpu.memory_space<vmem>>)
      %add3A_75 = arith.constant 1 : i32
      %add3A_76 = arith.addi %mul3A_36, %add3A_75 : i32
      %mul3A_77 = arith.constant 25 : i32
      %mul3A_78 = arith.muli %add3A, %mul3A_77 : i32
      %add3A_79 = arith.addi %mul3A_78, %add3A_76 : i32
      "tpu.region"() ({
        %run_scoped3A = tpu.sem_alloc : memref<!tpu.dma_semaphore, #tpu.memory_space<semaphore_mem>>
        %dma_start3A_91 = arith.constant 0 : i32
        %dma_start3A_92 = arith.constant 0 : i32
        %dma_start3A_93 = tpu.memref_slice %arg5[%add3A_79, %dma_start3A_91, %dma_start3A_92] : memref<800x400x32xf32, #tpu.memory_space<hbm>> -> memref<1x400x32xf32, #tpu.memory_space<hbm>>
        %dma_start3A_94 = tpu.memref_squeeze %dma_start3A_93 : memref<1x400x32xf32, #tpu.memory_space<hbm>> -> memref<400x32xf32, #tpu.memory_space<hbm>>
        %dma_start3A_95 = arith.constant 0 : i32
        %dma_start3A_96 = arith.constant 0 : i32
        %dma_start3A_97 = tpu.memref_slice %arg5[%add3A_79, %dma_start3A_95, %dma_start3A_96] : memref<800x400x32xf32, #tpu.memory_space<hbm>> -> memref<1x400x32xf32, #tpu.memory_space<hbm>>
        %dma_start3A_98 = tpu.memref_squeeze %dma_start3A_97 : memref<1x400x32xf32, #tpu.memory_space<hbm>> -> memref<400x32xf32, #tpu.memory_space<hbm>>
        tpu.enqueue_dma source(%arg11 : memref<400x32xf32, #tpu.memory_space<vmem>>) target(%dma_start3A_98 : memref<400x32xf32, #tpu.memory_space<hbm>>) target_semaphore(%run_scoped3A : memref<!tpu.dma_semaphore, #tpu.memory_space<semaphore_mem>>)
        %dma_wait3A_99 = arith.constant 0 : i32
        %dma_wait3A_100 = arith.constant 0 : i32
        %dma_wait3A_101 = tpu.memref_slice %arg5[%add3A_79, %dma_wait3A_99, %dma_wait3A_100] : memref<800x400x32xf32, #tpu.memory_space<hbm>> -> memref<1x400x32xf32, #tpu.memory_space<hbm>>
        %dma_wait3A_102 = tpu.memref_squeeze %dma_wait3A_101 : memref<1x400x32xf32, #tpu.memory_space<hbm>> -> memref<400x32xf32, #tpu.memory_space<hbm>>
        %dma_wait3A_103 = arith.constant 0 : i32
        %dma_wait3A_104 = arith.constant 0 : i32
        %dma_wait3A_105 = tpu.memref_slice %arg5[%add3A_79, %dma_wait3A_103, %dma_wait3A_104] : memref<800x400x32xf32, #tpu.memory_space<hbm>> -> memref<1x400x32xf32, #tpu.memory_space<hbm>>
        %dma_wait3A_106 = tpu.memref_squeeze %dma_wait3A_105 : memref<1x400x32xf32, #tpu.memory_space<hbm>> -> memref<400x32xf32, #tpu.memory_space<hbm>>
        tpu.wait_dma2 semaphore(%run_scoped3A : memref<!tpu.dma_semaphore, #tpu.memory_space<semaphore_mem>>) src(%arg11 : memref<400x32xf32, #tpu.memory_space<vmem>>) dst(%dma_wait3A_106 : memref<400x32xf32, #tpu.memory_space<hbm>>)
        tpu.yield
      }) : () -> ()
      %mul3A_80 = arith.constant 25 : i32
      %mul3A_81 = arith.muli %add3A, %mul3A_80 : i32
      %add3A_82 = arith.addi %mul3A_81, %add3A_76 : i32
      "tpu.region"() ({
        %run_scoped3A = tpu.sem_alloc : memref<!tpu.dma_semaphore, #tpu.memory_space<semaphore_mem>>
        %dma_start3A_91 = arith.constant 0 : i32
        %dma_start3A_92 = arith.constant 0 : i32
        %dma_start3A_93 = tpu.memref_slice %arg6[%add3A_82, %dma_start3A_91, %dma_start3A_92] : memref<800x400x32xf32, #tpu.memory_space<hbm>> -> memref<1x400x32xf32, #tpu.memory_space<hbm>>
        %dma_start3A_94 = tpu.memref_squeeze %dma_start3A_93 : memref<1x400x32xf32, #tpu.memory_space<hbm>> -> memref<400x32xf32, #tpu.memory_space<hbm>>
        %dma_start3A_95 = arith.constant 0 : i32
        %dma_start3A_96 = arith.constant 0 : i32
        %dma_start3A_97 = tpu.memref_slice %arg6[%add3A_82, %dma_start3A_95, %dma_start3A_96] : memref<800x400x32xf32, #tpu.memory_space<hbm>> -> memref<1x400x32xf32, #tpu.memory_space<hbm>>
        %dma_start3A_98 = tpu.memref_squeeze %dma_start3A_97 : memref<1x400x32xf32, #tpu.memory_space<hbm>> -> memref<400x32xf32, #tpu.memory_space<hbm>>
        tpu.enqueue_dma source(%arg12 : memref<400x32xf32, #tpu.memory_space<vmem>>) target(%dma_start3A_98 : memref<400x32xf32, #tpu.memory_space<hbm>>) target_semaphore(%run_scoped3A : memref<!tpu.dma_semaphore, #tpu.memory_space<semaphore_mem>>)
        %dma_wait3A_99 = arith.constant 0 : i32
        %dma_wait3A_100 = arith.constant 0 : i32
        %dma_wait3A_101 = tpu.memref_slice %arg6[%add3A_82, %dma_wait3A_99, %dma_wait3A_100] : memref<800x400x32xf32, #tpu.memory_space<hbm>> -> memref<1x400x32xf32, #tpu.memory_space<hbm>>
        %dma_wait3A_102 = tpu.memref_squeeze %dma_wait3A_101 : memref<1x400x32xf32, #tpu.memory_space<hbm>> -> memref<400x32xf32, #tpu.memory_space<hbm>>
        %dma_wait3A_103 = arith.constant 0 : i32
        %dma_wait3A_104 = arith.constant 0 : i32
        %dma_wait3A_105 = tpu.memref_slice %arg6[%add3A_82, %dma_wait3A_103, %dma_wait3A_104] : memref<800x400x32xf32, #tpu.memory_space<hbm>> -> memref<1x400x32xf32, #tpu.memory_space<hbm>>
        %dma_wait3A_106 = tpu.memref_squeeze %dma_wait3A_105 : memref<1x400x32xf32, #tpu.memory_space<hbm>> -> memref<400x32xf32, #tpu.memory_space<hbm>>
        tpu.wait_dma2 semaphore(%run_scoped3A : memref<!tpu.dma_semaphore, #tpu.memory_space<semaphore_mem>>) src(%arg12 : memref<400x32xf32, #tpu.memory_space<vmem>>) dst(%dma_wait3A_106 : memref<400x32xf32, #tpu.memory_space<hbm>>)
        tpu.yield
      }) : () -> ()
      %dma_wait3A_83 = tpu.memref_slice %arg7[%mul3A_58] : memref<10000xi32, #tpu.memory_space<vmem>> -> memref<400xi32, #tpu.memory_space<vmem>>
      %dma_wait3A_84 = arith.constant 0 : i32
      %dma_wait3A_85 = arith.constant 0 : i32
      %dma_wait3A_86 = tpu.memref_slice %arg2[%dma_wait3A_84, %dma_wait3A_85] : memref<10000x32xf32, #tpu.memory_space<hbm>> -> memref<10000x32xf32, #tpu.memory_space<hbm>>
      tpu.wait_indirect_dma semaphore(%arg13 : memref<!tpu.dma_semaphore, #tpu.memory_space<semaphore_mem>>) src(%dma_wait3A_86 : memref<10000x32xf32, #tpu.memory_space<hbm>>) dst(%arg9 : memref<400x32xf32, #tpu.memory_space<vmem>>)
      %dma_wait3A_87 = tpu.memref_slice %arg8[%mul3A_58] : memref<10000xi32, #tpu.memory_space<vmem>> -> memref<400xi32, #tpu.memory_space<vmem>>
      %dma_wait3A_88 = arith.constant 0 : i32
      %dma_wait3A_89 = arith.constant 0 : i32
      %dma_wait3A_90 = tpu.memref_slice %arg2[%dma_wait3A_88, %dma_wait3A_89] : memref<10000x32xf32, #tpu.memory_space<hbm>> -> memref<10000x32xf32, #tpu.memory_space<hbm>>
      tpu.wait_indirect_dma semaphore(%arg13 : memref<!tpu.dma_semaphore, #tpu.memory_space<semaphore_mem>>) src(%dma_wait3A_90 : memref<10000x32xf32, #tpu.memory_space<hbm>>) dst(%arg10 : memref<400x32xf32, #tpu.memory_space<vmem>>)
    }
    %scan3A_25 = arith.constant 12 : i32
    %mul3A_26 = arith.constant 25 : i32
    %mul3A_27 = arith.muli %add3A, %mul3A_26 : i32
    %add3A_28 = arith.constant 24 : i32
    %add3A_29 = arith.addi %mul3A_27, %add3A_28 : i32
    "tpu.region"() ({
      %run_scoped3A = tpu.sem_alloc : memref<!tpu.dma_semaphore, #tpu.memory_space<semaphore_mem>>
      %dma_start3A_34 = arith.constant 0 : i32
      %dma_start3A_35 = arith.constant 0 : i32
      %dma_start3A_36 = tpu.memref_slice %arg5[%add3A_29, %dma_start3A_34, %dma_start3A_35] : memref<800x400x32xf32, #tpu.memory_space<hbm>> -> memref<1x400x32xf32, #tpu.memory_space<hbm>>
      %dma_start3A_37 = tpu.memref_squeeze %dma_start3A_36 : memref<1x400x32xf32, #tpu.memory_space<hbm>> -> memref<400x32xf32, #tpu.memory_space<hbm>>
      %dma_start3A_38 = arith.constant 0 : i32
      %dma_start3A_39 = arith.constant 0 : i32
      %dma_start3A_40 = tpu.memref_slice %arg5[%add3A_29, %dma_start3A_38, %dma_start3A_39] : memref<800x400x32xf32, #tpu.memory_space<hbm>> -> memref<1x400x32xf32, #tpu.memory_space<hbm>>
      %dma_start3A_41 = tpu.memref_squeeze %dma_start3A_40 : memref<1x400x32xf32, #tpu.memory_space<hbm>> -> memref<400x32xf32, #tpu.memory_space<hbm>>
      tpu.enqueue_dma source(%arg9 : memref<400x32xf32, #tpu.memory_space<vmem>>) target(%dma_start3A_41 : memref<400x32xf32, #tpu.memory_space<hbm>>) target_semaphore(%run_scoped3A : memref<!tpu.dma_semaphore, #tpu.memory_space<semaphore_mem>>)
      %dma_wait3A_42 = arith.constant 0 : i32
      %dma_wait3A_43 = arith.constant 0 : i32
      %dma_wait3A_44 = tpu.memref_slice %arg5[%add3A_29, %dma_wait3A_42, %dma_wait3A_43] : memref<800x400x32xf32, #tpu.memory_space<hbm>> -> memref<1x400x32xf32, #tpu.memory_space<hbm>>
      %dma_wait3A_45 = tpu.memref_squeeze %dma_wait3A_44 : memref<1x400x32xf32, #tpu.memory_space<hbm>> -> memref<400x32xf32, #tpu.memory_space<hbm>>
      %dma_wait3A_46 = arith.constant 0 : i32
      %dma_wait3A_47 = arith.constant 0 : i32
      %dma_wait3A_48 = tpu.memref_slice %arg5[%add3A_29, %dma_wait3A_46, %dma_wait3A_47] : memref<800x400x32xf32, #tpu.memory_space<hbm>> -> memref<1x400x32xf32, #tpu.memory_space<hbm>>
      %dma_wait3A_49 = tpu.memref_squeeze %dma_wait3A_48 : memref<1x400x32xf32, #tpu.memory_space<hbm>> -> memref<400x32xf32, #tpu.memory_space<hbm>>
      tpu.wait_dma2 semaphore(%run_scoped3A : memref<!tpu.dma_semaphore, #tpu.memory_space<semaphore_mem>>) src(%arg9 : memref<400x32xf32, #tpu.memory_space<vmem>>) dst(%dma_wait3A_49 : memref<400x32xf32, #tpu.memory_space<hbm>>)
      tpu.yield
    }) : () -> ()
    %mul3A_30 = arith.constant 25 : i32
    %mul3A_31 = arith.muli %add3A, %mul3A_30 : i32
    %add3A_32 = arith.constant 24 : i32
    %add3A_33 = arith.addi %mul3A_31, %add3A_32 : i32
    "tpu.region"() ({
      %run_scoped3A = tpu.sem_alloc : memref<!tpu.dma_semaphore, #tpu.memory_space<semaphore_mem>>
      %dma_start3A_34 = arith.constant 0 : i32
      %dma_start3A_35 = arith.constant 0 : i32
      %dma_start3A_36 = tpu.memref_slice %arg6[%add3A_33, %dma_start3A_34, %dma_start3A_35] : memref<800x400x32xf32, #tpu.memory_space<hbm>> -> memref<1x400x32xf32, #tpu.memory_space<hbm>>
      %dma_start3A_37 = tpu.memref_squeeze %dma_start3A_36 : memref<1x400x32xf32, #tpu.memory_space<hbm>> -> memref<400x32xf32, #tpu.memory_space<hbm>>
      %dma_start3A_38 = arith.constant 0 : i32
      %dma_start3A_39 = arith.constant 0 : i32
      %dma_start3A_40 = tpu.memref_slice %arg6[%add3A_33, %dma_start3A_38, %dma_start3A_39] : memref<800x400x32xf32, #tpu.memory_space<hbm>> -> memref<1x400x32xf32, #tpu.memory_space<hbm>>
      %dma_start3A_41 = tpu.memref_squeeze %dma_start3A_40 : memref<1x400x32xf32, #tpu.memory_space<hbm>> -> memref<400x32xf32, #tpu.memory_space<hbm>>
      tpu.enqueue_dma source(%arg10 : memref<400x32xf32, #tpu.memory_space<vmem>>) target(%dma_start3A_41 : memref<400x32xf32, #tpu.memory_space<hbm>>) target_semaphore(%run_scoped3A : memref<!tpu.dma_semaphore, #tpu.memory_space<semaphore_mem>>)
      %dma_wait3A_42 = arith.constant 0 : i32
      %dma_wait3A_43 = arith.constant 0 : i32
      %dma_wait3A_44 = tpu.memref_slice %arg6[%add3A_33, %dma_wait3A_42, %dma_wait3A_43] : memref<800x400x32xf32, #tpu.memory_space<hbm>> -> memref<1x400x32xf32, #tpu.memory_space<hbm>>
      %dma_wait3A_45 = tpu.memref_squeeze %dma_wait3A_44 : memref<1x400x32xf32, #tpu.memory_space<hbm>> -> memref<400x32xf32, #tpu.memory_space<hbm>>
      %dma_wait3A_46 = arith.constant 0 : i32
      %dma_wait3A_47 = arith.constant 0 : i32
      %dma_wait3A_48 = tpu.memref_slice %arg6[%add3A_33, %dma_wait3A_46, %dma_wait3A_47] : memref<800x400x32xf32, #tpu.memory_space<hbm>> -> memref<1x400x32xf32, #tpu.memory_space<hbm>>
      %dma_wait3A_49 = tpu.memref_squeeze %dma_wait3A_48 : memref<1x400x32xf32, #tpu.memory_space<hbm>> -> memref<400x32xf32, #tpu.memory_space<hbm>>
      tpu.wait_dma2 semaphore(%run_scoped3A : memref<!tpu.dma_semaphore, #tpu.memory_space<semaphore_mem>>) src(%arg10 : memref<400x32xf32, #tpu.memory_space<vmem>>) dst(%dma_wait3A_49 : memref<400x32xf32, #tpu.memory_space<hbm>>)
      tpu.yield
    }) : () -> ()
    return
  }
}

module attributes {stable_mosaic.version = 14 : i64} {
  func.func @body(%arg0: i32, %arg1: memref<2000x128xf32, #tpu.memory_space<vmem>>, %arg2: memref<128x64xf32, #tpu.memory_space<vmem>>, %arg3: memref<1x64xf32, #tpu.memory_space<vmem>>, %arg4: memref<2000x64xf32, #tpu.memory_space<vmem>>) attributes {dimension_semantics = [#tpu.dimension_semantics<arbitrary>], iteration_bounds = array<i64: 5>, scalar_prefetch = 0 : i64, scratch_operands = 0 : i64, tpu.core_type = #tpu.core_type<tc>, window_params = [{transform_indices = @transform_0, window_bounds = array<i64: 2000, 128>}, {pipeline_mode = #tpu.pipeline_mode<synchronous>, transform_indices = @transform_1, window_bounds = array<i64: 128, 64>}, {pipeline_mode = #tpu.pipeline_mode<synchronous>, transform_indices = @transform_2, window_bounds = array<i64: 1, 64>}, {transform_indices = @transform_3, window_bounds = array<i64: 2000, 64>}]} {
    %get3A = arith.constant 0 : index
    %get3A_0 = arith.constant 0 : index
    %get3A_1 = vector.load %arg1[%get3A, %get3A_0] : memref<2000x128xf32, #tpu.memory_space<vmem>>, vector<2000x128xf32>
    %get3A_2 = arith.constant 0 : index
    %get3A_3 = arith.constant 0 : index
    %get3A_4 = vector.load %arg2[%get3A_2, %get3A_3] : memref<128x64xf32, #tpu.memory_space<vmem>>, vector<128x64xf32>
    %dot_general3A = arith.constant dense<0.000000e+00> : vector<2000x64xf32>
    %dot_general3A_5 = tpu.matmul %get3A_1, %get3A_4, %dot_general3A {dimension_numbers = #tpu.dot_dimension_numbers<[1], [0], [0], [1], [0, 0, 1, 1], [], []>, transpose_lhs_hint = false} : vector<2000x128xf32>, vector<128x64xf32>, vector<2000x64xf32> -> vector<2000x64xf32>
    %get3A_6 = arith.constant 0 : index
    %get3A_7 = arith.constant 0 : index
    %get3A_8 = vector.load %arg3[%get3A_6, %get3A_7] : memref<1x64xf32, #tpu.memory_space<vmem>>, vector<1x64xf32>
    %add3A = vector.broadcast %get3A_8 : vector<1x64xf32> to vector<2000x64xf32>
    %add3A_9 = arith.addf %dot_general3A_5, %add3A : vector<2000x64xf32>
    %max3A = arith.constant 0.000000e+00 : f32
    %max3A_10 = vector.broadcast %max3A : f32 to vector<2000x64xf32>
    %max3A_11 = arith.maximumf %add3A_9, %max3A_10 : vector<2000x64xf32>
    %swap3A = arith.constant 0 : index
    %swap3A_12 = arith.constant 0 : index
    %swap3A_13 = vector.load %arg4[%swap3A, %swap3A_12] : memref<2000x64xf32, #tpu.memory_space<vmem>>, vector<2000x64xf32>
    tpu.vector_store %arg4[%swap3A, %swap3A_12], %max3A_11 {strides = array<i32>} : memref<2000x64xf32, #tpu.memory_space<vmem>>, vector<2000x64xf32>,
    return
  }
  func.func @transform_0(%arg0: i32) -> (i32, i32) {
    %c0_i32 = arith.constant 0 : i32
    %c0_i32_0 = arith.constant 0 : i32
    return %arg0, %c0_i32 : i32, i32
  }
  func.func @transform_1(%arg0: i32) -> (i32, i32) {
    %c0_i32 = arith.constant 0 : i32
    %c0_i32_0 = arith.constant 0 : i32
    %c0_i32_1 = arith.constant 0 : i32
    return %c0_i32, %c0_i32_0 : i32, i32
  }
  func.func @transform_2(%arg0: i32) -> (i32, i32) {
    %c0_i32 = arith.constant 0 : i32
    %c0_i32_0 = arith.constant 0 : i32
    %c0_i32_1 = arith.constant 0 : i32
    return %c0_i32, %c0_i32_0 : i32, i32
  }
  func.func @transform_3(%arg0: i32) -> (i32, i32) {
    %c0_i32 = arith.constant 0 : i32
    %c0_i32_0 = arith.constant 0 : i32
    return %arg0, %c0_i32 : i32, i32
  }
}

module attributes {stable_mosaic.version = 14 : i64} {
  func.func @body(%arg0: i32, %arg1: memref<16x6400xf32, #tpu.memory_space<vmem>>, %arg2: memref<16x128xf32, #tpu.memory_space<vmem>>, %arg3: memref<1x128xf32, #tpu.memory_space<vmem>>, %arg4: memref<6400x128xf32, #tpu.memory_space<vmem>>) attributes {dimension_semantics = [#tpu.dimension_semantics<arbitrary>], iteration_bounds = array<i64: 50>, scalar_prefetch = 0 : i64, scratch_operands = 0 : i64, tpu.core_type = #tpu.core_type<tc>, window_params = [{transform_indices = @transform_0, window_bounds = array<i64: 16, 6400>}, {pipeline_mode = #tpu.pipeline_mode<synchronous>, transform_indices = @transform_1, window_bounds = array<i64: 16, 128>}, {pipeline_mode = #tpu.pipeline_mode<synchronous>, transform_indices = @transform_2, window_bounds = array<i64: 1, 128>}, {transform_indices = @transform_3, window_bounds = array<i64: 6400, 128>}]} {
    %get3A = arith.constant 0 : index
    %get3A_0 = arith.constant 0 : index
    %get3A_1 = vector.load %arg1[%get3A, %get3A_0] : memref<16x6400xf32, #tpu.memory_space<vmem>>, vector<16x6400xf32>
    %get3A_2 = arith.constant 0 : index
    %get3A_3 = arith.constant 0 : index
    %get3A_4 = vector.load %arg2[%get3A_2, %get3A_3] : memref<16x128xf32, #tpu.memory_space<vmem>>, vector<16x128xf32>
    %dot_general3A = arith.constant dense<0.000000e+00> : vector<6400x128xf32>
    %dot_general3A_5 = tpu.matmul %get3A_1, %get3A_4, %dot_general3A {dimension_numbers = #tpu.dot_dimension_numbers<[0], [0], [1], [1], [0, 1, 1, 1], [], []>, transpose_lhs_hint = false} : vector<16x6400xf32>, vector<16x128xf32>, vector<6400x128xf32> -> vector<6400x128xf32>
    %get3A_6 = arith.constant 0 : index
    %get3A_7 = arith.constant 0 : index
    %get3A_8 = vector.load %arg3[%get3A_6, %get3A_7] : memref<1x128xf32, #tpu.memory_space<vmem>>, vector<1x128xf32>
    %add3A = vector.broadcast %get3A_8 : vector<1x128xf32> to vector<6400x128xf32>
    %add3A_9 = arith.addf %dot_general3A_5, %add3A : vector<6400x128xf32>
    %max3A = arith.constant 0.000000e+00 : f32
    %max3A_10 = vector.broadcast %max3A : f32 to vector<6400x128xf32>
    %max3A_11 = arith.maximumf %add3A_9, %max3A_10 : vector<6400x128xf32>
    %swap3A = arith.constant 0 : index
    %swap3A_12 = arith.constant 0 : index
    %swap3A_13 = vector.load %arg4[%swap3A, %swap3A_12] : memref<6400x128xf32, #tpu.memory_space<vmem>>, vector<6400x128xf32>
    tpu.vector_store %arg4[%swap3A, %swap3A_12], %max3A_11 {strides = array<i32>} : memref<6400x128xf32, #tpu.memory_space<vmem>>, vector<6400x128xf32>,
    return
  }
  func.func @transform_0(%arg0: i32) -> (i32, i32) {
    %c0_i32 = arith.constant 0 : i32
    %c0_i32_0 = arith.constant 0 : i32
    return %c0_i32, %arg0 : i32, i32
  }
  func.func @transform_1(%arg0: i32) -> (i32, i32) {
    %c0_i32 = arith.constant 0 : i32
    %c0_i32_0 = arith.constant 0 : i32
    %c0_i32_1 = arith.constant 0 : i32
    return %c0_i32, %c0_i32_0 : i32, i32
  }
  func.func @transform_2(%arg0: i32) -> (i32, i32) {
    %c0_i32 = arith.constant 0 : i32
    %c0_i32_0 = arith.constant 0 : i32
    %c0_i32_1 = arith.constant 0 : i32
    return %c0_i32, %c0_i32_0 : i32, i32
  }
  func.func @transform_3(%arg0: i32) -> (i32, i32) {
    %c0_i32 = arith.constant 0 : i32
    %c0_i32_0 = arith.constant 0 : i32
    return %arg0, %c0_i32 : i32, i32
  }
}

module attributes {stable_mosaic.version = 14 : i64} {
  func.func @body(%arg0: memref<10000x64xf32, #tpu.memory_space<vmem>>, %arg1: memref<2x10000x64xf32, #tpu.memory_space<vmem>>, %arg2: memref<2x10000x80xf32, #tpu.memory_space<vmem>>, %arg3: memref<64x64xf32, #tpu.memory_space<vmem>>, %arg4: memref<64x64xf32, #tpu.memory_space<vmem>>, %arg5: memref<1x64xf32, #tpu.memory_space<vmem>>, %arg6: memref<10000x64xf32, #tpu.memory_space<vmem>>) attributes {dimension_semantics = [], scalar_prefetch = 0 : i64, scratch_operands = 0 : i64, tpu.core_type = #tpu.core_type<tc>} {
    %get3A = arith.constant 0 : index
    %get3A_0 = arith.constant 0 : index
    %get3A_1 = arith.constant 64 : index
    %get3A_2 = vector.load %arg2[%get3A, %get3A_0, %get3A_1] : memref<2x10000x80xf32, #tpu.memory_space<vmem>>, vector<1x10000x1xf32>
    %get3A_3 = vector.shape_cast %get3A_2 : vector<1x10000x1xf32> to vector<10000x1xf32>
    %get3A_4 = arith.constant 1 : index
    %get3A_5 = arith.constant 0 : index
    %get3A_6 = arith.constant 64 : index
    %get3A_7 = vector.load %arg2[%get3A_4, %get3A_5, %get3A_6] : memref<2x10000x80xf32, #tpu.memory_space<vmem>>, vector<1x10000x1xf32>
    %get3A_8 = vector.shape_cast %get3A_7 : vector<1x10000x1xf32> to vector<10000x1xf32>
    %add3A = arith.addf %get3A_3, %get3A_8 : vector<10000x1xf32>
    %max3A = arith.constant 1.000000e+00 : f32
    %max3A_9 = vector.broadcast %max3A : f32 to vector<10000x1xf32>
    %max3A_10 = arith.maximumf %add3A, %max3A_9 : vector<10000x1xf32>
    %get3A_11 = arith.constant 0 : index
    %get3A_12 = arith.constant 0 : index
    %get3A_13 = arith.constant 0 : index
    %get3A_14 = vector.load %arg1[%get3A_11, %get3A_12, %get3A_13] : memref<2x10000x64xf32, #tpu.memory_space<vmem>>, vector<1x10000x64xf32>
    %get3A_15 = vector.shape_cast %get3A_14 : vector<1x10000x64xf32> to vector<10000x64xf32>
    %get3A_16 = arith.constant 1 : index
    %get3A_17 = arith.constant 0 : index
    %get3A_18 = arith.constant 0 : index
    %get3A_19 = vector.load %arg1[%get3A_16, %get3A_17, %get3A_18] : memref<2x10000x64xf32, #tpu.memory_space<vmem>>, vector<1x10000x64xf32>
    %get3A_20 = vector.shape_cast %get3A_19 : vector<1x10000x64xf32> to vector<10000x64xf32>
    %add3A_21 = arith.addf %get3A_15, %get3A_20 : vector<10000x64xf32>
    %get3A_22 = arith.constant 0 : index
    %get3A_23 = arith.constant 0 : index
    %get3A_24 = arith.constant 0 : index
    %get3A_25 = vector.load %arg2[%get3A_22, %get3A_23, %get3A_24] : memref<2x10000x80xf32, #tpu.memory_space<vmem>>, vector<1x10000x64xf32>
    %get3A_26 = vector.shape_cast %get3A_25 : vector<1x10000x64xf32> to vector<10000x64xf32>
    %add3A_27 = arith.addf %add3A_21, %get3A_26 : vector<10000x64xf32>
    %get3A_28 = arith.constant 1 : index
    %get3A_29 = arith.constant 0 : index
    %get3A_30 = arith.constant 0 : index
    %get3A_31 = vector.load %arg2[%get3A_28, %get3A_29, %get3A_30] : memref<2x10000x80xf32, #tpu.memory_space<vmem>>, vector<1x10000x64xf32>
    %get3A_32 = vector.shape_cast %get3A_31 : vector<1x10000x64xf32> to vector<10000x64xf32>
    %add3A_33 = arith.addf %add3A_27, %get3A_32 : vector<10000x64xf32>
    %div3A = vector.broadcast %max3A_10 : vector<10000x1xf32> to vector<10000x64xf32>
    %div3A_34 = arith.divf %add3A_33, %div3A : vector<10000x64xf32>
    %get3A_35 = arith.constant 0 : index
    %get3A_36 = arith.constant 0 : index
    %get3A_37 = vector.load %arg0[%get3A_35, %get3A_36] : memref<10000x64xf32, #tpu.memory_space<vmem>>, vector<10000x64xf32>
    %get3A_38 = arith.constant 0 : index
    %get3A_39 = arith.constant 0 : index
    %get3A_40 = vector.load %arg3[%get3A_38, %get3A_39] : memref<64x64xf32, #tpu.memory_space<vmem>>, vector<64x64xf32>
    %dot_general3A = arith.constant dense<0.000000e+00> : vector<10000x64xf32>
    %dot_general3A_41 = tpu.matmul %get3A_37, %get3A_40, %dot_general3A {dimension_numbers = #tpu.dot_dimension_numbers<[1], [0], [0], [1], [0, 0, 1, 1], [], []>, transpose_lhs_hint = false} : vector<10000x64xf32>, vector<64x64xf32>, vector<10000x64xf32> -> vector<10000x64xf32>
    %get3A_42 = arith.constant 0 : index
    %get3A_43 = arith.constant 0 : index
    %get3A_44 = vector.load %arg4[%get3A_42, %get3A_43] : memref<64x64xf32, #tpu.memory_space<vmem>>, vector<64x64xf32>
    %dot_general3A_45 = arith.constant dense<0.000000e+00> : vector<10000x64xf32>
    %dot_general3A_46 = tpu.matmul %div3A_34, %get3A_44, %dot_general3A_45 {dimension_numbers = #tpu.dot_dimension_numbers<[1], [0], [0], [1], [0, 0, 1, 1], [], []>, transpose_lhs_hint = false} : vector<10000x64xf32>, vector<64x64xf32>, vector<10000x64xf32> -> vector<10000x64xf32>
    %add3A_47 = arith.addf %dot_general3A_41, %dot_general3A_46 : vector<10000x64xf32>
    %get3A_48 = arith.constant 0 : index
    %get3A_49 = arith.constant 0 : index
    %get3A_50 = vector.load %arg5[%get3A_48, %get3A_49] : memref<1x64xf32, #tpu.memory_space<vmem>>, vector<1x64xf32>
    %add3A_51 = vector.broadcast %get3A_50 : vector<1x64xf32> to vector<10000x64xf32>
    %add3A_52 = arith.addf %add3A_47, %add3A_51 : vector<10000x64xf32>
    %max3A_53 = arith.constant 0.000000e+00 : f32
    %max3A_54 = vector.broadcast %max3A_53 : f32 to vector<10000x64xf32>
    %max3A_55 = arith.maximumf %add3A_52, %max3A_54 : vector<10000x64xf32>
    %swap3A = arith.constant 0 : index
    %swap3A_56 = arith.constant 0 : index
    %swap3A_57 = vector.load %arg6[%swap3A, %swap3A_56] : memref<10000x64xf32, #tpu.memory_space<vmem>>, vector<10000x64xf32>
    tpu.vector_store %arg6[%swap3A, %swap3A_56], %max3A_55 {strides = array<i32>} : memref<10000x64xf32, #tpu.memory_space<vmem>>, vector<10000x64xf32>,
    return
  }
}

module attributes {stable_mosaic.version = 14 : i64} {
  func.func @body(%arg0: memref<10000x64xf32, #tpu.memory_space<vmem>>, %arg1: memref<64x32xf32, #tpu.memory_space<vmem>>, %arg2: memref<1x32xf32, #tpu.memory_space<vmem>>, %arg3: memref<32x64xf32, #tpu.memory_space<vmem>>, %arg4: memref<1x64xf32, #tpu.memory_space<vmem>>, %arg5: memref<64x128xf32, #tpu.memory_space<vmem>>, %arg6: memref<1x128xf32, #tpu.memory_space<vmem>>, %arg7: memref<10000x32xf32, #tpu.memory_space<vmem>>, %arg8: memref<1x32xf32, #tpu.memory_space<vmem>>, %arg9: memref<10000x128xf32, #tpu.memory_space<vmem>>) attributes {dimension_semantics = [], scalar_prefetch = 0 : i64, scratch_operands = 0 : i64, tpu.core_type = #tpu.core_type<tc>} {
    %get3A = arith.constant 0 : index
    %get3A_0 = arith.constant 0 : index
    %get3A_1 = vector.load %arg0[%get3A, %get3A_0] : memref<10000x64xf32, #tpu.memory_space<vmem>>, vector<10000x64xf32>
    %get3A_2 = arith.constant 0 : index
    %get3A_3 = arith.constant 0 : index
    %get3A_4 = vector.load %arg1[%get3A_2, %get3A_3] : memref<64x32xf32, #tpu.memory_space<vmem>>, vector<64x32xf32>
    %dot_general3A = arith.constant dense<0.000000e+00> : vector<10000x32xf32>
    %dot_general3A_5 = tpu.matmul %get3A_1, %get3A_4, %dot_general3A {dimension_numbers = #tpu.dot_dimension_numbers<[1], [0], [0], [1], [0, 0, 1, 1], [], []>, transpose_lhs_hint = false} : vector<10000x64xf32>, vector<64x32xf32>, vector<10000x32xf32> -> vector<10000x32xf32>
    %get3A_6 = arith.constant 0 : index
    %get3A_7 = arith.constant 0 : index
    %get3A_8 = vector.load %arg2[%get3A_6, %get3A_7] : memref<1x32xf32, #tpu.memory_space<vmem>>, vector<1x32xf32>
    %add3A = vector.broadcast %get3A_8 : vector<1x32xf32> to vector<10000x32xf32>
    %add3A_9 = arith.addf %dot_general3A_5, %add3A : vector<10000x32xf32>
    %swap3A = arith.constant 0 : index
    %swap3A_10 = arith.constant 0 : index
    %swap3A_11 = vector.load %arg7[%swap3A, %swap3A_10] : memref<10000x32xf32, #tpu.memory_space<vmem>>, vector<10000x32xf32>
    tpu.vector_store %arg7[%swap3A, %swap3A_10], %add3A_9 {strides = array<i32>} : memref<10000x32xf32, #tpu.memory_space<vmem>>, vector<10000x32xf32>,
    %reduce_sum3A = arith.constant dense<0.000000e+00> : vector<32xf32>
    %reduce_sum3A_12 = vector.multi_reduction <add>, %add3A_9, %reduce_sum3A [0] : vector<10000x32xf32> to vector<32xf32>
    %broadcast_in_dim3A = vector.shape_cast %reduce_sum3A_12 : vector<32xf32> to vector<1x32xf32>
    %div3A = arith.constant 1.000000e+04 : f32
    %div3A_13 = vector.broadcast %div3A : f32 to vector<1x32xf32>
    %div3A_14 = arith.divf %broadcast_in_dim3A, %div3A_13 : vector<1x32xf32>
    %swap3A_15 = arith.constant 0 : index
    %swap3A_16 = arith.constant 0 : index
    %swap3A_17 = vector.load %arg8[%swap3A_15, %swap3A_16] : memref<1x32xf32, #tpu.memory_space<vmem>>, vector<1x32xf32>
    tpu.vector_store %arg8[%swap3A_15, %swap3A_16], %div3A_14 {strides = array<i32>} : memref<1x32xf32, #tpu.memory_space<vmem>>, vector<1x32xf32>,
    %get3A_18 = arith.constant 0 : index
    %get3A_19 = arith.constant 0 : index
    %get3A_20 = vector.load %arg3[%get3A_18, %get3A_19] : memref<32x64xf32, #tpu.memory_space<vmem>>, vector<32x64xf32>
    %dot_general3A_21 = arith.constant dense<0.000000e+00> : vector<10000x64xf32>
    %dot_general3A_22 = tpu.matmul %add3A_9, %get3A_20, %dot_general3A_21 {dimension_numbers = #tpu.dot_dimension_numbers<[1], [0], [0], [1], [0, 0, 1, 1], [], []>, transpose_lhs_hint = false} : vector<10000x32xf32>, vector<32x64xf32>, vector<10000x64xf32> -> vector<10000x64xf32>
    %get3A_23 = arith.constant 0 : index
    %get3A_24 = arith.constant 0 : index
    %get3A_25 = vector.load %arg4[%get3A_23, %get3A_24] : memref<1x64xf32, #tpu.memory_space<vmem>>, vector<1x64xf32>
    %add3A_26 = vector.broadcast %get3A_25 : vector<1x64xf32> to vector<10000x64xf32>
    %add3A_27 = arith.addf %dot_general3A_22, %add3A_26 : vector<10000x64xf32>
    %max3A = arith.constant 0.000000e+00 : f32
    %max3A_28 = vector.broadcast %max3A : f32 to vector<10000x64xf32>
    %max3A_29 = arith.maximumf %add3A_27, %max3A_28 : vector<10000x64xf32>
    %get3A_30 = arith.constant 0 : index
    %get3A_31 = arith.constant 0 : index
    %get3A_32 = vector.load %arg5[%get3A_30, %get3A_31] : memref<64x128xf32, #tpu.memory_space<vmem>>, vector<64x128xf32>
    %dot_general3A_33 = arith.constant dense<0.000000e+00> : vector<10000x128xf32>
    %dot_general3A_34 = tpu.matmul %max3A_29, %get3A_32, %dot_general3A_33 {dimension_numbers = #tpu.dot_dimension_numbers<[1], [0], [0], [1], [0, 0, 1, 1], [], []>, transpose_lhs_hint = false} : vector<10000x64xf32>, vector<64x128xf32>, vector<10000x128xf32> -> vector<10000x128xf32>
    %get3A_35 = arith.constant 0 : index
    %get3A_36 = arith.constant 0 : index
    %get3A_37 = vector.load %arg6[%get3A_35, %get3A_36] : memref<1x128xf32, #tpu.memory_space<vmem>>, vector<1x128xf32>
    %add3A_38 = vector.broadcast %get3A_37 : vector<1x128xf32> to vector<10000x128xf32>
    %add3A_39 = arith.addf %dot_general3A_34, %add3A_38 : vector<10000x128xf32>
    %swap3A_40 = arith.constant 0 : index
    %swap3A_41 = arith.constant 0 : index
    %swap3A_42 = vector.load %arg9[%swap3A_40, %swap3A_41] : memref<10000x128xf32, #tpu.memory_space<vmem>>, vector<10000x128xf32>
    tpu.vector_store %arg9[%swap3A_40, %swap3A_41], %add3A_39 {strides = array<i32>} : memref<10000x128xf32, #tpu.memory_space<vmem>>, vector<10000x128xf32>,
    return
  }
}

module attributes {stable_mosaic.version = 14 : i64} {
  func.func @body(%arg0: i32, %arg1: memref<4000x128xf32, #tpu.memory_space<vmem>>, %arg2: memref<4000x128xf32, #tpu.memory_space<vmem>>, %arg3: memref<128x256xf32, #tpu.memory_space<vmem>>, %arg4: memref<128x256xf32, #tpu.memory_space<vmem>>, %arg5: memref<1x256xf32, #tpu.memory_space<vmem>>, %arg6: memref<256x64xf32, #tpu.memory_space<vmem>>, %arg7: memref<1x64xf32, #tpu.memory_space<vmem>>, %arg8: memref<4000x64xf32, #tpu.memory_space<vmem>>) attributes {dimension_semantics = [#tpu.dimension_semantics<arbitrary>], iteration_bounds = array<i64: 20>, scalar_prefetch = 0 : i64, scratch_operands = 0 : i64, tpu.core_type = #tpu.core_type<tc>, window_params = [{transform_indices = @transform_0, window_bounds = array<i64: 4000, 128>}, {transform_indices = @transform_1, window_bounds = array<i64: 4000, 128>}, {pipeline_mode = #tpu.pipeline_mode<synchronous>, transform_indices = @transform_2, window_bounds = array<i64: 128, 256>}, {pipeline_mode = #tpu.pipeline_mode<synchronous>, transform_indices = @transform_3, window_bounds = array<i64: 128, 256>}, {pipeline_mode = #tpu.pipeline_mode<synchronous>, transform_indices = @transform_4, window_bounds = array<i64: 1, 256>}, {pipeline_mode = #tpu.pipeline_mode<synchronous>, transform_indices = @transform_5, window_bounds = array<i64: 256, 64>}, {pipeline_mode = #tpu.pipeline_mode<synchronous>, transform_indices = @transform_6, window_bounds = array<i64: 1, 64>}, {transform_indices = @transform_7, window_bounds = array<i64: 4000, 64>}]} {
    %get3A = arith.constant 0 : index
    %get3A_0 = arith.constant 0 : index
    %get3A_1 = vector.load %arg1[%get3A, %get3A_0] : memref<4000x128xf32, #tpu.memory_space<vmem>>, vector<4000x128xf32>
    %get3A_2 = arith.constant 0 : index
    %get3A_3 = arith.constant 0 : index
    %get3A_4 = vector.load %arg3[%get3A_2, %get3A_3] : memref<128x256xf32, #tpu.memory_space<vmem>>, vector<128x256xf32>
    %dot_general3A = arith.constant dense<0.000000e+00> : vector<4000x256xf32>
    %dot_general3A_5 = tpu.matmul %get3A_1, %get3A_4, %dot_general3A {dimension_numbers = #tpu.dot_dimension_numbers<[1], [0], [0], [1], [0, 0, 1, 1], [], []>, transpose_lhs_hint = false} : vector<4000x128xf32>, vector<128x256xf32>, vector<4000x256xf32> -> vector<4000x256xf32>
    %get3A_6 = arith.constant 0 : index
    %get3A_7 = arith.constant 0 : index
    %get3A_8 = vector.load %arg2[%get3A_6, %get3A_7] : memref<4000x128xf32, #tpu.memory_space<vmem>>, vector<4000x128xf32>
    %get3A_9 = arith.constant 0 : index
    %get3A_10 = arith.constant 0 : index
    %get3A_11 = vector.load %arg4[%get3A_9, %get3A_10] : memref<128x256xf32, #tpu.memory_space<vmem>>, vector<128x256xf32>
    %dot_general3A_12 = arith.constant dense<0.000000e+00> : vector<4000x256xf32>
    %dot_general3A_13 = tpu.matmul %get3A_8, %get3A_11, %dot_general3A_12 {dimension_numbers = #tpu.dot_dimension_numbers<[1], [0], [0], [1], [0, 0, 1, 1], [], []>, transpose_lhs_hint = false} : vector<4000x128xf32>, vector<128x256xf32>, vector<4000x256xf32> -> vector<4000x256xf32>
    %add3A = arith.addf %dot_general3A_5, %dot_general3A_13 : vector<4000x256xf32>
    %get3A_14 = arith.constant 0 : index
    %get3A_15 = arith.constant 0 : index
    %get3A_16 = vector.load %arg5[%get3A_14, %get3A_15] : memref<1x256xf32, #tpu.memory_space<vmem>>, vector<1x256xf32>
    %add3A_17 = vector.broadcast %get3A_16 : vector<1x256xf32> to vector<4000x256xf32>
    %add3A_18 = arith.addf %add3A, %add3A_17 : vector<4000x256xf32>
    %max3A = arith.constant 0.000000e+00 : f32
    %max3A_19 = vector.broadcast %max3A : f32 to vector<4000x256xf32>
    %max3A_20 = arith.maximumf %add3A_18, %max3A_19 : vector<4000x256xf32>
    %get3A_21 = arith.constant 0 : index
    %get3A_22 = arith.constant 0 : index
    %get3A_23 = vector.load %arg6[%get3A_21, %get3A_22] : memref<256x64xf32, #tpu.memory_space<vmem>>, vector<256x64xf32>
    %dot_general3A_24 = arith.constant dense<0.000000e+00> : vector<4000x64xf32>
    %dot_general3A_25 = tpu.matmul %max3A_20, %get3A_23, %dot_general3A_24 {dimension_numbers = #tpu.dot_dimension_numbers<[1], [0], [0], [1], [0, 0, 1, 1], [], []>, transpose_lhs_hint = false} : vector<4000x256xf32>, vector<256x64xf32>, vector<4000x64xf32> -> vector<4000x64xf32>
    %get3A_26 = arith.constant 0 : index
    %get3A_27 = arith.constant 0 : index
    %get3A_28 = vector.load %arg7[%get3A_26, %get3A_27] : memref<1x64xf32, #tpu.memory_space<vmem>>, vector<1x64xf32>
    %add3A_29 = vector.broadcast %get3A_28 : vector<1x64xf32> to vector<4000x64xf32>
    %add3A_30 = arith.addf %dot_general3A_25, %add3A_29 : vector<4000x64xf32>
    %swap3A = arith.constant 0 : index
    %swap3A_31 = arith.constant 0 : index
    %swap3A_32 = vector.load %arg8[%swap3A, %swap3A_31] : memref<4000x64xf32, #tpu.memory_space<vmem>>, vector<4000x64xf32>
    tpu.vector_store %arg8[%swap3A, %swap3A_31], %add3A_30 {strides = array<i32>} : memref<4000x64xf32, #tpu.memory_space<vmem>>, vector<4000x64xf32>,
    return
  }
  func.func @transform_0(%arg0: i32) -> (i32, i32) {
    %c0_i32 = arith.constant 0 : i32
    %c0_i32_0 = arith.constant 0 : i32
    return %arg0, %c0_i32 : i32, i32
  }
  func.func @transform_1(%arg0: i32) -> (i32, i32) {
    %c0_i32 = arith.constant 0 : i32
    %c0_i32_0 = arith.constant 0 : i32
    return %arg0, %c0_i32 : i32, i32
  }
  func.func @transform_2(%arg0: i32) -> (i32, i32) {
    %c0_i32 = arith.constant 0 : i32
    %c0_i32_0 = arith.constant 0 : i32
    %c0_i32_1 = arith.constant 0 : i32
    return %c0_i32, %c0_i32_0 : i32, i32
  }
  func.func @transform_3(%arg0: i32) -> (i32, i32) {
    %c0_i32 = arith.constant 0 : i32
    %c0_i32_0 = arith.constant 0 : i32
    %c0_i32_1 = arith.constant 0 : i32
    return %c0_i32, %c0_i32_0 : i32, i32
  }
  func.func @transform_4(%arg0: i32) -> (i32, i32) {
    %c0_i32 = arith.constant 0 : i32
    %c0_i32_0 = arith.constant 0 : i32
    %c0_i32_1 = arith.constant 0 : i32
    return %c0_i32, %c0_i32_0 : i32, i32
  }
  func.func @transform_5(%arg0: i32) -> (i32, i32) {
    %c0_i32 = arith.constant 0 : i32
    %c0_i32_0 = arith.constant 0 : i32
    %c0_i32_1 = arith.constant 0 : i32
    return %c0_i32, %c0_i32_0 : i32, i32
  }
  func.func @transform_6(%arg0: i32) -> (i32, i32) {
    %c0_i32 = arith.constant 0 : i32
    %c0_i32_0 = arith.constant 0 : i32
    %c0_i32_1 = arith.constant 0 : i32
    return %c0_i32, %c0_i32_0 : i32, i32
  }
  func.func @transform_7(%arg0: i32) -> (i32, i32) {
    %c0_i32 = arith.constant 0 : i32
    %c0_i32_0 = arith.constant 0 : i32
    return %arg0, %c0_i32 : i32, i32
  }
}

</mosaic_0001>

<sc_bundles>
// kernel: kernel.12.cloned.1.call-start
scs
__scs_entry_jumppad:
0x0: {  	(pc) =	sbr.rel $0x88, $3  }
0x1: {  	(tag) =	ssettag $0x0;
	lr =	simm.s32 $0x1  }
0x2: {  	[smem:$0x3F8A] =	sst lr;
	_ =	strace $0xD0000000  }
0x3: {  	_ = 	snop  }
0x4: {  	_ = 	snop  }
0x5: {  	_ = 	snop  }
0x6: {  	_ = 	snop  }
0x7: {  	_ = 	snop  }
__scs_overlays_trampoline_lowered:
0x8: {  	[smem:$0x3F99] =	sst s0  }
0x9: {  	[smem:$0x3F9A] =	sst s1  }
0xa: {  	[smem:$0x3F9B] =	sst s2  }
0xb: {  	[smem:$0x3F9C] =	sst s3  }
0xc: {  	[smem:$0x3F9D] =	sst s4  }
0xd: {  	[smem:$0x3F9E] =	sst s5  }
0xe: {  	[smem:$0x3F9F] =	sst s6  }
0xf: {  	[smem:$0x3FA0] =	sst s7  }
0x10: {  	[smem:$0x3FA1] =	sst s8  }
0x11: {  	[smem:$0x3FA2] =	sst s9;
	s0 =	simm.s32 @!p0 $0x0  }
0x12: {  	s1 =	sld [smem:$0x3F88];
	s0 =	simm.s32 @p0 $0x1  }
0x13: {  	[smem:$0x3FA3] =	sst s0;
	s0 =	simm.s32 @!p1 $0x0  }
0x14: {  	s2 =	sld [smem:$0x3F87];
	s0 =	simm.s32 @p1 $0x1  }
0x15: {  	[smem:$0x3FA4] =	sst s0;
	s0 =	simm.s32 @!p2 $0x0  }
0x16: {  	s3 =	sld [smem:$0x3FDB];
	s0 =	simm.s32 @p2 $0x1  }
0x17: {  	s4 =	simm.s32 $0x1BF5;
	[smem:$0x3FA6] =	sst s0  }
0x18: {  	s0 =	sld [smem:$0x3F89];
	_ =	swait.ge [sflag:s4], $0x0  }
0x19: {  	s7 =	sld [smem:$0x3F8A]  }
0x1a: {  	s8 =	sadd.s32 $0xFFFFE003, lr  }
0x1b: {  	s9 =	sadd.s32 $0xFFFFFEF7, lr;
	s5 =	simm.s32 $0xFFFFFFFF;
	p2 =	slt.u32 s8, $0xFFFFF086  }
0x1c: {  	p1 =	slt.u32 s9, $0xF7A;
	s5 =	simm.s32 @!p2 $0x0  }
0x1d: {  	s5 =	simm.s32 @p1 $0x1;
	p0 =	seq.s32 s7, s2  }
0x1e: {  	s7 =	smul.u32 @!p0 $0xF7A, s2;
	p2 =	seq.s32 @!p0 s5, $0x0  }
0x1f: {  	s9 =	smul.u32 $0xF7A, s1;
	s8 =	simm.s32 @!p0 $0x1BF5;
	p2 =	por !p2, p0  }
0x20: {  	[sflag:s8] =	ssyncset.s32 @!p0 $0xFFFFF086;
	s6 =	sadd.s32 @!p0 s3, s7;
	s7 =	simm.s32 @!p0 $0x108  }
0x21: {  	s3 =	sadd.s32 s3, s9;
	s6 =	sadd.s32 @!p0 $0x88, s6;
	s7 =	simm.s32 @p2 $0x1082  }
0x22: {  	[simem:s7], [sflag:s8] =	dma.local @!p0 [hbm:s6], $0xF7A  }
0x23: {  	s9 =	sor.u32 $0xD0000000, s2;
	s6 =	simm.s32 $0x108;
	_ =	swait.ge @!p0 [sflag:s8], $0x0  }
0x24: {  	s3 =	sadd.s32 $0x88, s3;
	s6 =	simm.s32 @!p1 $0x1082;
	[sflag:s4] =	ssyncset.s32 $0xFFFFF086  }
0x25: {  	[simem:s6], [sflag:s4] =	dma.local [hbm:s3], $0xF7A  }
0x26: {  	[smem:$0x3F8A] =	sst s1;
	(tag) =	ssettag s2;
	_ =	strace s9  }
0x27: {  	s1 =	sld [smem:$0x3F9A]  }
0x28: {  	s2 =	sld [smem:$0x3F9B]  }
0x29: {  	s4 =	sld [smem:$0x3F9D]  }
0x2a: {  	p0 =	seq.s32 s5, $0x0;
	s5 =	sld [smem:$0x3F9E]  }
0x2b: {  	s6 =	sld [smem:$0x3F9F]  }
0x2c: {  	s7 =	sld [smem:$0x3FA0]  }
0x2d: {  	s3 =	simm.s32 $0x108;
	s8 =	sld [smem:$0x3FA1]  }
0x2e: {  	s3 =	simm.s32 @!p0 $0x1082;
	s9 =	sld [smem:$0x3FA2]  }
0x2f: {  	lr =	sadd.s32 s0, s3;
	s0 =	sld [smem:$0x3F99]  }
0x30: {  	s3 =	sld [smem:$0x3F9C]  }
0x31: {  	[smem:$0x3FA5] =	sst s10  }
0x32: {  	s10 =	sld [smem:$0x3FA3];
	_ =	sdelay $0x3  }
0x33: {  	p0 =	seq.s32 s10, $0x1;
	s10 =	sld [smem:$0x3FA5];
	_ =	sdelay $0x3  }
0x34: {  	[smem:$0x3FA5] =	sst s10  }
0x35: {  	s10 =	sld [smem:$0x3FA4];
	_ =	sdelay $0x3  }
0x36: {  	p1 =	seq.s32 s10, $0x1;
	s10 =	sld [smem:$0x3FA5];
	_ =	sdelay $0x3  }
0x37: {  	[smem:$0x3FA5] =	sst s10  }
0x38: {  	s10 =	sld [smem:$0x3FA6]  }
0x39: {  	_ = 	snop;
	(pc) =	sbr.ind lr, $3  }
0x3a: {  	_ = 	snop  }
0x3b: {  	_ = 	snop  }
0x3c: {  	p2 =	seq.s32 s10, $0x1;
	s10 =	sld [smem:$0x3FA5]  }
0x3d: {  	_ =	shalt  }
0x3e: {  	_ =	shalt  }
0x3f: {  	_ =	shalt  }
0x40: {  	_ =	shalt  }
0x41: {  	_ =	shalt  }
0x42: {  	_ =	shalt  }
0x43: {  	_ =	shalt  }
0x44: {  	_ =	shalt  }
0x45: {  	_ =	shalt  }
0x46: {  	_ =	shalt  }
0x47: {  	_ =	shalt  }
0x48: {  	_ =	shalt  }
0x49: {  	_ =	shalt  }
0x4a: {  	_ =	shalt  }
0x4b: {  	_ =	shalt  }
0x4c: {  	_ =	shalt  }
0x4d: {  	_ =	shalt  }
0x4e: {  	_ =	shalt  }
0x4f: {  	_ =	shalt  }
0x50: {  	_ =	shalt  }
0x51: {  	_ =	shalt  }
0x52: {  	_ =	shalt  }
0x53: {  	_ =	shalt  }
0x54: {  	_ =	shalt  }
0x55: {  	_ =	shalt  }
0x56: {  	_ =	shalt  }
0x57: {  	_ =	shalt  }
0x58: {  	_ =	shalt  }
0x59: {  	_ =	shalt  }
0x5a: {  	_ =	shalt  }
0x5b: {  	_ =	shalt  }
0x5c: {  	_ =	shalt  }
0x5d: {  	_ =	shalt  }
0x5e: {  	_ =	shalt  }
0x5f: {  	_ =	shalt  }
0x60: {  	_ =	shalt  }
0x61: {  	_ =	shalt  }
0x62: {  	_ =	shalt  }
0x63: {  	_ =	shalt  }
0x64: {  	_ =	shalt  }
0x65: {  	_ =	shalt  }
0x66: {  	_ =	shalt  }
0x67: {  	_ =	shalt  }
0x68: {  	_ =	shalt  }
0x69: {  	_ =	shalt  }
0x6a: {  	_ =	shalt  }
0x6b: {  	_ =	shalt  }
0x6c: {  	_ =	shalt  }
0x6d: {  	_ =	shalt  }
0x6e: {  	_ =	shalt  }
0x6f: {  	_ =	shalt  }
0x70: {  	_ =	shalt  }
0x71: {  	_ =	shalt  }
0x72: {  	_ =	shalt  }
0x73: {  	_ =	shalt  }
0x74: {  	_ =	shalt  }
0x75: {  	_ =	shalt  }
0x76: {  	_ =	shalt  }
0x77: {  	_ =	shalt  }
0x78: {  	_ =	shalt  }
0x79: {  	_ =	shalt  }
0x7a: {  	_ =	shalt  }
0x7b: {  	_ =	shalt  }
0x7c: {  	_ =	shalt  }
0x7d: {  	_ =	shalt  }
0x7e: {  	_ =	shalt  }
0x7f: {  	_ =	shalt  }
0x80: {  	_ =	shalt  }
0x81: {  	_ =	shalt  }
0x82: {  	_ =	shalt  }
0x83: {  	_ =	shalt  }
0x84: {  	_ =	shalt  }
0x85: {  	_ =	shalt  }
0x86: {  	_ =	shalt  }
0x87: {  	_ =	shalt  }
.Lfunc_end0:
.L_simem_size_0:
called_computation_lowered:
.L_overlay_start_0:
0x88: {  	s2 =	sld [smem:$0x3FD9]  }
0x89: {  	s3 =	sld [smem:$0x3FFE];
	_ =	sdelay $0x1  }
0x8a: {  	s1 =	srdreg.scid  }
0x8b: {  	s0 =	sand.u32 $0x1, s1  }
0x8c: {  	s17 =	sshll.u32 s0, $0xA;
	s2 =	sadd.s32 s3, s2  }
0x8d: {  	s2 =	sadd.s32 s2, s17  }
0x8e: {  	[smem:$0x3FB1] =	sst s2  }
0x8f: {  	_ = 	snop  }
0x90: {  	(tm) =	ssettm $0x1  }
0x91: {  	s18 =	sld [smem:$0x3FFB];
	_ =	sdelay $0x3  }
0x92: {  	_ =	strace s18  }
0x93: {  	s2 =	sld [smem:$0x3FFC];
	_ =	sdelay $0x3  }
0x94: {  	_ =	strace s2  }
0x95: {  	s2 =	sld [smem:$0x3FFD];
	_ =	sdelay $0x3  }
0x96: {  	_ =	strace s2  }
0x97: {  	_ =	strace $0x8FFFFFFF  }
0x98: {  	s19 =	sld [smem:$0x3FDB];
	_ =	sdelay $0x1  }
0x99: {  	s20 =	simm.s32 $_scs_section_size  }
0x9a: {  	s4 =	simm.s32 $_size__tile_overlayer_lowered;
	s5 =	simm.s32 $_tile_overlayer_lowered  }
0x9b: {  	s6 =	simm.s32 $0x1BFF;
	s21 =	sshll.u32 s5, $0x1;
	s3 =	sadd.s32 s20, s19  }
0x9c: {  	s22 =	simm.s32 $0x0;
	s4 =	sshll.u32 s4, $0x1;
	s5 =	sadd.s32 s21, s3  }
0x9d: {  	[timem:s22], [sflag:s6] =	dma.local [hbm:s5], s4  }
0x9e: {  	_ =	swait.ge [sflag:s6], s4  }
0x9f: {  	s4 =	ssub.s32 $0x0, s4;
	[sflag:s6] =	ssyncset.done $0x0  }
0xa0: {  	[sflag:s6] =	ssyncadd.s32 s4;
	_ =	sdelay $0x1  }
0xa1: {  	s23 =	simm.s32 $0x1B8B  }
0xa2: {  	_ =	swait.ge [sflag:s23], $0x1  }
0xa3: {  	[sflag:s23] =	ssyncset.done $0x0  }
0xa4: {  	[sflag:s23] =	ssyncadd.s32 $0xFFFFFFFF  }
0xa5: {  	s4 =	sld [smem:$0x0]  }
0xa6: {  	s5 =	sand.u32 $0xFFFFFFFE, s1  }
0xa7: {  	p0 =	sne.s32 s1, s5  }
0xa8: {  	s5 =	sshll.u32 @p0 s5, $0xE  }
0xa9: {  	s5 =	sadd.s32 @p0 $0x11B8D, s5;
	s6 =	sshll.u32 @p0 s4, $0x11  }
0xaa: {  	s5 =	sor.u32 @p0 s6, s5  }
0xab: {  	[sflag:s5] =	ssyncadd.remote.s32 @p0 $0x1;
	_ =	sdelay $0x1  }
0xac: {  	s5 =	simm.s32 @p0 $0x1B8D  }
0xad: {  	_ =	swait.eq @p0 [sflag:s5], $0x1  }
0xae: {  	[sflag:s5] =	ssyncadd.s32 @p0 $0xFFFFFFFF  }
0xaf: {  	s6 =	sshll.u32 @!p0 s1, $0xE  }
0xb0: {  	s6 =	sor.u32 @!p0 $0x4000, s6;
	s5 =	simm.s32 @!p0 $0x1B8D  }
0xb1: {  	s4 =	sshll.u32 @!p0 s4, $0x11;
	s6 =	sadd.s32 @!p0 $0x11B8D, s6;
	_ =	swait.eq @!p0 [sflag:s5], $0x1  }
0xb2: {  	s4 =	sor.u32 @!p0 s4, s6;
	[sflag:s5] =	ssyncadd.s32 @!p0 $0xFFFFFFFF  }
0xb3: {  	s25 =	simm.s32 $0x1B8E;
	s24 =	sld [smem:$0x3FFE];
	[sflag:s4] =	ssyncadd.remote.s32 @!p0 $0x1  }
0xb4: {  	s26 =	simm.s32 $execute0_lowered;
	[smem:$0x3FD2] =	sst s25  }
0xb5: {  	s5 =	sshll.u32 s26, $0x1;
	_ =	strace $0x80000049;
	[dreg:$0x1] =	wrdreg $0xFFFFFFFF  }
0xb6: {  	s28 =	simm.s32 $_size_execute0_lowered;
	s3 =	sadd.s32 s3, s5;
	[dreg:$0x0] =	wrdreg $0x0  }
0xb7: {  	s5 =	sshll.u32 s28, $0x1;
	[dreg:$0x2] =	wrdreg s3  }
0xb8: {  	[dreg:$0x3] =	wrdreg s5  }
0xb9: {  	[dreg:$0x4] =	wrdreg $0xC0  }
0xba: {  	_ =	task [dreg:s22], $0x5FFFF  }
0xbb: {  	[dreg:$0x1] =	wrdreg $0xFFFFFFFF  }
0xbc: {  	[dreg:$0x0] =	wrdreg $0x60  }
0xbd: {  	[dreg:$0x2] =	wrdreg s24  }
0xbe: {  	[dreg:$0x3] =	wrdreg $0x121100  }
0xbf: {  	[dreg:$0x4] =	wrdreg $0x9  }
0xc0: {  	_ =	task.clear_ibuf [dreg:s22], $0x5FFFF;
	_ =	strace $0x90000049  }
0xc1: {  	s29 =	simm.s32 $0x9;
	_ =	strace $0x8000004B  }
0xc2: {  	_ =	swait.ge [sflag:s29], $0x1  }
0xc3: {  	[sflag:s29] =	ssyncadd.s32 $0xFFFFFFFF  }
0xc4: {  	_ =	strace $0x9000004B  }
0xc5: {  	_ =	sfence  }
0xc6: {  	s30 =	sld [smem:$0x0];
	_ =	sdelay $0x2  }
0xc7: {  	s31 =	sshll.u32 s1, $0xD;
	s1 =	sshrl.u32 s1, $0x2  }
0xc8: {  	s4 =	sand.u32 $0x4000, s31;
	s1 =	sadd.s32 s1, s30  }
0xc9: {  	s0 =	sor.u32 s4, s0;
	s1 =	sshll.u32 s1, $0x11  }
0xca: {  	s0 =	sor.u32 s1, s0  }
0xcb: {  	s0 =	sadd.s32 $0x8F2B, s0  }
0xcc: {  	[sflag:s0] =	ssyncadd.remote.s32 $0x1  }
0xcd: {  	_ =	sfence.sel $0xFFFF  }
0xce: {  	[dreg:$0x0] =	wrdreg $0xFFFFFFFF;
	(pc) =	sbr.abs _section_cstart, $3  }
0xcf: {  	[dreg:$0x1] =	wrdreg $0xFFFFFFFF  }
0xd0: {  	_ =	task.clear_ibuf [dreg:s22], $0x2FFFF;
	_ =	strace $0x9FFFFFFF  }
0xd1: {  	(tm) =	ssettm $0x7FFFFFFF  }
tec
execute0_lowered:
.L_overlay_start_1:
0x0: {  	(tag) =	ssettag $0x1  }
0x1: {  	s0 =	srdreg.scid;
	s7 =	rddreg [dreg:$0x0]  }
0x2: {  	s2 =	rddreg [dreg:$0x1];
	s3 =	simm.s32 $0x0;
	s18 =	simm.s32 $0x80  }
0x3: {  	s19 =	simm.s32 $0x2710;
	s20 =	simm.s32 $0x1;
	s21 =	simm.s32 $0xA410  }
0x4: {  	s22 =	simm.s32 $0x190;
	s23 =	simm.s32 $0x2;
	s24 =	simm.s32 $0x2580  }
0x5: {  	s25 =	simm.s32 $0x0;
	s5 =	sand.u32 $0x1, s0;
	s0 =	stileid.u32  }
0x6: {  	[smem:$0x7FF] =	sst s3;
	s12 =	sadd.s32 $0x3FE00, s7;
	s6 =	smul.u32 $0xC300, s0  }
0x7: {  	s17 =	sadd.s32 $0xC3000, s2;
	s1 =	sshll.u32 s5, $0x4;
	s10 =	smul.u32 $0x186A0, s5  }
0x8: {  	_ =	strace $0x8000004A;
	s11 =	ssub.s32 $0x2, s5;
	s28 =	smul.u32 $0x27100, s5  }
0x9: {  	s29 =	sshll.u32 s0, $0x6;
	s16 =	smul.u32 $0x2710, s0;
	s8 =	sor.u32 s0, s1  }
0xa: {  	p0 =	sne.s32 s0, $0xF;
	s14 =	sshrl.u32 s11, $0x1;
	s4 =	smul.u32 $0x2710, s8  }
0xb: {  	s10 =	sadd.s32 s10, s7;
	s11 =	ssub.s32 s11, s14;
	s15 =	sadd.s32 s6, s2  }
0xc: {  	s30 =	smul.u32 $0x27100, s8;
	s14 =	sadd.s32 s16, s28;
	s16 =	sshrl.u32 @!p0 s17, $0x3  }
0xd: {  	s17 =	simm.s32 $0x50;
	s31 =	sshll.u32 s14, $0x4;
	s10 =	sadd.s32 $0x53A600, s10  }
0xe: {  	s11 =	smax.u32 s11, $0x1;
	s14 =	sshrl.u32 s15, $0x3;
	s15 =	simm.s32 $0x3  }
0xf: {  	s9 =	sshrl.u32 s4, $0x3;
	s4 =	sshrl.u32 s6, $0x3;
	s6 =	sor.u32 $0x1C03, s29  }
0x10: {  	s9 =	sadd.s32 s9, s7;
	s13 =	sadd.s32 s4, s7;
	s7 =	sadd.s32 $0x53A400, s7  }
0x11: {  	s5 =	sadd.s32 $0x521E00, s13;
	s8 =	sadd.s32 $0x18800, s9;
	s13 =	sadd.s32 s12, s31  }
0x12: {  	s9 =	sadd.s32 s12, s30;
	s12 =	sadd.s32 $0x3200, s13;
	s13 =	sadd.s32 $0x1900, s13  }
.LBB2_1:
0x13: {  	[spmem:s14], [sflag:s6] =	dma.local [hbm:s5], $0x1860  }
0x14: {  	_ =	swait.ge [sflag:s15], $0x1860  }
0x15: {  	[sflag:s15] =	ssyncset.done $0x0  }
0x16: {  	s26 =	simm.s32 @!p0 $0x3;
	[sflag:s15] =	ssyncadd.s32 $0xFFFFE7A0  }
0x17: {  	[spmem:s16], [sflag:s6] =	dma.local @!p0 [hbm:s7], $0xA0  }
0x18: {  	_ =	swait.ge @!p0 [sflag:s26], $0xA0  }
0x19: {  	[sflag:s26] =	ssyncset.done @!p0 $0x0  }
0x1a: {  	[sflag:s26] =	ssyncadd.s32 @!p0 $0xFFFFFF60  }
0x1b: {  	[tilespmem:s3], [sflag:$0x3] =	stream.linear.gather [hbm4b:s8+s3], $0x2710, $0x38;
	[tilespmem:$0x1E460] =	vst v63  }
0x1c: {  	_ =	swait.ge [sflag:s15], $0x2710  }
0x1d: {  	[sflag:s15] =	ssyncset.done $0x0  }
0x1e: {  	[sflag:s15] =	ssyncadd.s32 $0xFFFFD8F0  }
0x1f: {  	[bflag:$0x0] =	sbarrier.arrive $0xFFFF  }
0x20: {  	[tilespmem:s19], [sflag:$0x1] =	stream.strided.gather [hbm4b:s9+s17], $0x7D00, s18, s17, $0x38;
	[tilespmem:$0x1E460] =	vst v63  }
0x21: {  	_ =	swait.ge [sflag:s20], $0x7D00  }
0x22: {  	[sflag:s20] =	ssyncset.done $0x0  }
0x23: {  	s1 =	sadd.s32 $0x0, s13;
	[sflag:s20] =	ssyncadd.s32 $0xFFFF8300  }
0x24: {  	[tilespmem:s21], [sflag:$0x2] =	stream.strided.gather [hbm4b:s1+s17], $0x7D00, s18, s17, $0x38;
	[tilespmem:$0x1E460] =	vst v63  }
0x25: {  	_ = 	snop  }
0x26: {  	[spmem:s2] =	stream.indirect.scatter.add.f32 [tilespmem:s19], [sflag:$0x3], $0x50, s3, s22, $0xb8;
	[tilespmem:$0x1E460] =	vst v63  }
0x27: {  	_ =	swait.ge [sflag:s15], $0x7D00  }
0x28: {  	[sflag:s15] =	ssyncset.done $0x0  }
0x29: {  	s30 =	sadd.s32 $0x0, s12;
	[sflag:s15] =	ssyncadd.s32 $0xFFFF8300  }
0x2a: {  	[tilespmem:s19], [sflag:$0x1] =	stream.strided.gather [hbm4b:s30+s17], $0x7D00, s18, s17, $0x38;
	[tilespmem:$0x1E460] =	vst v63  }
0x2b: {  	_ =	swait.ge [sflag:s23], $0x7D00  }
0x2c: {  	[sflag:s23] =	ssyncset.done $0x0  }
0x2d: {  	s31 =	simm.s32 $0x190;
	[sflag:s23] =	ssyncadd.s32 $0xFFFF8300  }
0x2e: {  	[spmem:s2] =	stream.indirect.scatter.add.f32 [tilespmem:s21], [sflag:$0x3], $0x50, s31, s22, $0xb8;
	[tilespmem:$0x1E460] =	vst v63  }
0x2f: {  	_ =	swait.ge [sflag:s15], $0x7D00  }
0x30: {  	[sflag:s15] =	ssyncset.done $0x0  }
0x31: {  	[sflag:s15] =	ssyncadd.s32 $0xFFFF8300  }
0x32: {  	s28 =	simm.s32 $0x3200;
	_ =	swait.ge [sflag:s20], $0x7D00  }
0x33: {  	s29 =	simm.s32 $0x6400;
	s26 =	simm.s32 $0x320;
	[sflag:s20] =	ssyncset.done $0x0  }
.LBB2_2:
0x34: {  	s30 =	sadd.s32 s28, s13  }
0x35: {  	[sflag:s20] =	ssyncadd.s32 $0xFFFF8300;
	s31 =	smov.u32 s29;
	s1 =	sadd.s32 $0x3200, s29  }
0x36: {  	[tilespmem:s21], [sflag:$0x2] =	stream.strided.gather [hbm4b:s30+s17], $0x7D00, s18, s17, $0x38;
	[tilespmem:$0x1E460] =	vst v63  }
0x37: {  	p1 =	sne.s32 s29, $0x22600  }
0x38: {  	[spmem:s2] =	stream.indirect.scatter.add.f32 [tilespmem:s19], [sflag:$0x3], $0x50, s26, s22, $0xb8;
	[tilespmem:$0x1E460] =	vst v63  }
0x39: {  	_ =	swait.ge [sflag:s15], $0x7D00  }
0x3a: {  	[sflag:s15] =	ssyncset.done $0x0  }
0x3b: {  	s29 =	sadd.s32 s28, s12;
	s28 =	smov.u32 s31;
	[sflag:s15] =	ssyncadd.s32 $0xFFFF8300  }
0x3c: {  	[tilespmem:s19], [sflag:$0x1] =	stream.strided.gather [hbm4b:s29+s17], $0x7D00, s18, s17, $0x38;
	[tilespmem:$0x1E460] =	vst v63  }
0x3d: {  	_ =	swait.ge [sflag:s23], $0x7D00  }
0x3e: {  	[sflag:s23] =	ssyncset.done $0x0  }
0x3f: {  	s29 =	sadd.s32 $0x190, s26;
	[sflag:s23] =	ssyncadd.s32 $0xFFFF8300  }
0x40: {  	[spmem:s2] =	stream.indirect.scatter.add.f32 [tilespmem:s21], [sflag:$0x3], $0x50, s29, s22, $0xb8;
	[tilespmem:$0x1E460] =	vst v63  }
.Ltmp0:
0x41: {  	_ =	swait.ge [sflag:s15], $0x7D00;
	(pc) =	sbr.rel @p1 .LBB2_2-.Ltmp0, $4  }
0x42: {  	[sflag:s15] =	ssyncset.done $0x0  }
0x43: {  	[sflag:s15] =	ssyncadd.s32 $0xFFFF8300  }
0x44: {  	_ =	swait.ge [sflag:s20], $0x7D00  }
0x45: {  	s26 =	sadd.s32 $0x320, s26;
	s29 =	smov.u32 s1;
	[sflag:s20] =	ssyncset.done $0x0  }
0x46: {  	s1 =	sadd.s32 s28, s13;
	[sflag:s20] =	ssyncadd.s32 $0xFFFF8300  }
0x47: {  	[tilespmem:s21], [sflag:$0x2] =	stream.strided.gather [hbm4b:s1+s17], $0x7D00, s18, s17, $0x38;
	[tilespmem:$0x1E460] =	vst v63  }
0x48: {  	_ = 	snop  }
0x49: {  	[spmem:s2] =	stream.indirect.scatter.add.f32 [tilespmem:s19], [sflag:$0x3], $0x50, s26, s22, $0xb8;
	[tilespmem:$0x1E460] =	vst v63  }
0x4a: {  	_ =	swait.ge [sflag:s15], $0x7D00  }
0x4b: {  	[sflag:s15] =	ssyncset.done $0x0  }
0x4c: {  	s29 =	sadd.s32 s28, s12;
	[sflag:s15] =	ssyncadd.s32 $0xFFFF8300  }
0x4d: {  	[tilespmem:s19], [sflag:$0x1] =	stream.strided.gather [hbm4b:s29+s17], $0x7D00, s18, s17, $0x38;
	[tilespmem:$0x1E460] =	vst v63  }
0x4e: {  	_ =	swait.ge [sflag:s23], $0x7D00  }
0x4f: {  	[sflag:s23] =	ssyncset.done $0x0  }
0x50: {  	s30 =	sadd.s32 $0x190, s26;
	[sflag:s23] =	ssyncadd.s32 $0xFFFF8300  }
0x51: {  	[spmem:s2] =	stream.indirect.scatter.add.f32 [tilespmem:s21], [sflag:$0x3], $0x50, s30, s22, $0xb8;
	[tilespmem:$0x1E460] =	vst v63  }
0x52: {  	_ =	swait.ge [sflag:s15], $0x7D00  }
0x53: {  	[sflag:s15] =	ssyncset.done $0x0  }
0x54: {  	[sflag:s15] =	ssyncadd.s32 $0xFFFF8300  }
0x55: {  	_ =	swait.ge [sflag:s20], $0x7D00  }
0x56: {  	[sflag:s20] =	ssyncset.done $0x0  }
0x57: {  	[sflag:s20] =	ssyncadd.s32 $0xFFFF8300  }
0x58: {  	[spmem:s2] =	stream.indirect.scatter.add.f32 [tilespmem:s19], [sflag:$0x3], $0x50, s24, s22, $0xb8;
	[tilespmem:$0x1E460] =	vst v63  }
0x59: {  	_ =	swait.ge [sflag:s15], $0x7D00  }
0x5a: {  	[sflag:s15] =	ssyncset.done $0x0  }
0x5b: {  	[sflag:s15] =	ssyncadd.s32 $0xFFFF8300  }
0x5c: {  	s31 =	sadd.s32 s4, s10;
	[bflag:$0x0] =	sbarrier.arrive $0xFFFF  }
0x5d: {  	[hbm:s31], [sflag:s6] =	dma.local [spmem:s14], $0x1860  }
0x5e: {  	_ =	swait.ge [sflag:s15], $0x1860  }
0x5f: {  	s25 =	sadd.s32 $0x1, s25;
	[sflag:s15] =	ssyncset.done $0x0  }
0x60: {  	s1 =	sadd.s32 @!p0 $0x18600, s10;
	p1 =	sne.s32 s25, s11;
	[sflag:s15] =	ssyncadd.s32 $0xFFFFE7A0  }
0x61: {  	[hbm:s1], [sflag:s6] =	dma.local @!p0 [spmem:s16], $0xA0  }
.Ltmp1:
0x62: {  	_ = 	snop;
	(pc) =	sbr.rel @p1 .LBB2_1-.Ltmp1, $4  }
0x63: {  	s1 =	simm.s32 @!p0 $0x3  }
0x64: {  	_ =	swait.ge @!p0 [sflag:s1], $0xA0  }
0x65: {  	[sflag:s1] =	ssyncset.done @!p0 $0x0  }
0x66: {  	[sflag:s1] =	ssyncadd.s32 @!p0 $0xFFFFFF60  }
0x67: {  	_ =	sfence.sel $0x180000  }
0x68: {  	[bflag:$0x0] =	sbarrier.arrive $0xFFFF  }
0x69: {  	_ =	strace $0x9000004A  }
0x6a: {  	[bflag:$0x2] =	sbarrier.arrive $0xFFFF  }
0x6b: {  	p0 =	sne.s32 s0, $0x0;
	s0 =	rddreg [dreg:$0x2]  }
0x6c: {  	s0 =	sadd.s32 @!p0 $0x100000, s0  }
0x6d: {  	[sflag:s0] =	ssyncadd.tile.s32 @!p0 $0x1;
	_ =	shalt  }
.Lfunc_end2:
_tile_overlayer_lowered:
.L_overlay_start_2:
0x6e: {  	(tag) =	ssettag $0x2  }
0x6f: {  	s0 =	rddreg [dreg:$0x0];
	s2 =	stileid.u32  }
0x70: {  	s1 =	rddreg [dreg:$0x1];
	p0 =	sne.s32 s2, $0x0  }
0x71: {  	s3 =	rddreg [dreg:$0x2];
	[bflag:$0x3] =	sbarrier.arrive $0xFFFF;
	s2 =	simm.s32 @!p0 $0x1C03  }
0x72: {  	[timem:s3], [sflag:s2] =	dma.local @!p0 [hbm:s0], s1  }
0x73: {  	s0 =	simm.s32 @!p0 $0x3  }
0x74: {  	_ =	swait.ge @!p0 [sflag:s0], s1  }
0x75: {  	s1 =	ssub.s32 @!p0 $0x0, s1;
	[sflag:s0] =	ssyncset.done @!p0 $0x0  }
0x76: {  	[sflag:s0] =	ssyncadd.s32 @!p0 s1  }
0x77: {  	[bflag:$0x3] =	sbarrier.arrive $0xFFFF  }
0x78: {  	_ =	shalt  }

// kernel: kernel.15.cloned.1.call-start
scs
__scs_entry_jumppad:
0x0: {  	(pc) =	sbr.rel $0x88, $3  }
0x1: {  	(tag) =	ssettag $0x0;
	lr =	simm.s32 $0x1  }
0x2: {  	[smem:$0x3F8A] =	sst lr;
	_ =	strace $0xD0000000  }
0x3: {  	_ = 	snop  }
0x4: {  	_ = 	snop  }
0x5: {  	_ = 	snop  }
0x6: {  	_ = 	snop  }
0x7: {  	_ = 	snop  }
__scs_overlays_trampoline_lowered:
0x8: {  	[smem:$0x3F99] =	sst s0  }
0x9: {  	[smem:$0x3F9A] =	sst s1  }
0xa: {  	[smem:$0x3F9B] =	sst s2  }
0xb: {  	[smem:$0x3F9C] =	sst s3  }
0xc: {  	[smem:$0x3F9D] =	sst s4  }
0xd: {  	[smem:$0x3F9E] =	sst s5  }
0xe: {  	[smem:$0x3F9F] =	sst s6  }
0xf: {  	[smem:$0x3FA0] =	sst s7  }
0x10: {  	[smem:$0x3FA1] =	sst s8  }
0x11: {  	[smem:$0x3FA2] =	sst s9;
	s0 =	simm.s32 @!p0 $0x0  }
0x12: {  	s1 =	sld [smem:$0x3F88];
	s0 =	simm.s32 @p0 $0x1  }
0x13: {  	[smem:$0x3FA3] =	sst s0;
	s0 =	simm.s32 @!p1 $0x0  }
0x14: {  	s2 =	sld [smem:$0x3F87];
	s0 =	simm.s32 @p1 $0x1  }
0x15: {  	[smem:$0x3FA4] =	sst s0;
	s0 =	simm.s32 @!p2 $0x0  }
0x16: {  	s3 =	sld [smem:$0x3FDB];
	s0 =	simm.s32 @p2 $0x1  }
0x17: {  	s4 =	simm.s32 $0x1BF5;
	[smem:$0x3FA6] =	sst s0  }
0x18: {  	s0 =	sld [smem:$0x3F89];
	_ =	swait.ge [sflag:s4], $0x0  }
0x19: {  	s7 =	sld [smem:$0x3F8A]  }
0x1a: {  	s8 =	sadd.s32 $0xFFFFE003, lr  }
0x1b: {  	s9 =	sadd.s32 $0xFFFFFEF7, lr;
	s5 =	simm.s32 $0xFFFFFFFF;
	p2 =	slt.u32 s8, $0xFFFFF086  }
0x1c: {  	p1 =	slt.u32 s9, $0xF7A;
	s5 =	simm.s32 @!p2 $0x0  }
0x1d: {  	s5 =	simm.s32 @p1 $0x1;
	p0 =	seq.s32 s7, s2  }
0x1e: {  	s7 =	smul.u32 @!p0 $0xF7A, s2;
	p2 =	seq.s32 @!p0 s5, $0x0  }
0x1f: {  	s9 =	smul.u32 $0xF7A, s1;
	s8 =	simm.s32 @!p0 $0x1BF5;
	p2 =	por !p2, p0  }
0x20: {  	[sflag:s8] =	ssyncset.s32 @!p0 $0xFFFFF086;
	s6 =	sadd.s32 @!p0 s3, s7;
	s7 =	simm.s32 @!p0 $0x108  }
0x21: {  	s3 =	sadd.s32 s3, s9;
	s6 =	sadd.s32 @!p0 $0x88, s6;
	s7 =	simm.s32 @p2 $0x1082  }
0x22: {  	[simem:s7], [sflag:s8] =	dma.local @!p0 [hbm:s6], $0xF7A  }
0x23: {  	s9 =	sor.u32 $0xD0000000, s2;
	s6 =	simm.s32 $0x108;
	_ =	swait.ge @!p0 [sflag:s8], $0x0  }
0x24: {  	s3 =	sadd.s32 $0x88, s3;
	s6 =	simm.s32 @!p1 $0x1082;
	[sflag:s4] =	ssyncset.s32 $0xFFFFF086  }
0x25: {  	[simem:s6], [sflag:s4] =	dma.local [hbm:s3], $0xF7A  }
0x26: {  	[smem:$0x3F8A] =	sst s1;
	(tag) =	ssettag s2;
	_ =	strace s9  }
0x27: {  	s1 =	sld [smem:$0x3F9A]  }
0x28: {  	s2 =	sld [smem:$0x3F9B]  }
0x29: {  	s4 =	sld [smem:$0x3F9D]  }
0x2a: {  	p0 =	seq.s32 s5, $0x0;
	s5 =	sld [smem:$0x3F9E]  }
0x2b: {  	s6 =	sld [smem:$0x3F9F]  }
0x2c: {  	s7 =	sld [smem:$0x3FA0]  }
0x2d: {  	s3 =	simm.s32 $0x108;
	s8 =	sld [smem:$0x3FA1]  }
0x2e: {  	s3 =	simm.s32 @!p0 $0x1082;
	s9 =	sld [smem:$0x3FA2]  }
0x2f: {  	lr =	sadd.s32 s0, s3;
	s0 =	sld [smem:$0x3F99]  }
0x30: {  	s3 =	sld [smem:$0x3F9C]  }
0x31: {  	[smem:$0x3FA5] =	sst s10  }
0x32: {  	s10 =	sld [smem:$0x3FA3];
	_ =	sdelay $0x3  }
0x33: {  	p0 =	seq.s32 s10, $0x1;
	s10 =	sld [smem:$0x3FA5];
	_ =	sdelay $0x3  }
0x34: {  	[smem:$0x3FA5] =	sst s10  }
0x35: {  	s10 =	sld [smem:$0x3FA4];
	_ =	sdelay $0x3  }
0x36: {  	p1 =	seq.s32 s10, $0x1;
	s10 =	sld [smem:$0x3FA5];
	_ =	sdelay $0x3  }
0x37: {  	[smem:$0x3FA5] =	sst s10  }
0x38: {  	s10 =	sld [smem:$0x3FA6]  }
0x39: {  	_ = 	snop;
	(pc) =	sbr.ind lr, $3  }
0x3a: {  	_ = 	snop  }
0x3b: {  	_ = 	snop  }
0x3c: {  	p2 =	seq.s32 s10, $0x1;
	s10 =	sld [smem:$0x3FA5]  }
0x3d: {  	_ =	shalt  }
0x3e: {  	_ =	shalt  }
0x3f: {  	_ =	shalt  }
0x40: {  	_ =	shalt  }
0x41: {  	_ =	shalt  }
0x42: {  	_ =	shalt  }
0x43: {  	_ =	shalt  }
0x44: {  	_ =	shalt  }
0x45: {  	_ =	shalt  }
0x46: {  	_ =	shalt  }
0x47: {  	_ =	shalt  }
0x48: {  	_ =	shalt  }
0x49: {  	_ =	shalt  }
0x4a: {  	_ =	shalt  }
0x4b: {  	_ =	shalt  }
0x4c: {  	_ =	shalt  }
0x4d: {  	_ =	shalt  }
0x4e: {  	_ =	shalt  }
0x4f: {  	_ =	shalt  }
0x50: {  	_ =	shalt  }
0x51: {  	_ =	shalt  }
0x52: {  	_ =	shalt  }
0x53: {  	_ =	shalt  }
0x54: {  	_ =	shalt  }
0x55: {  	_ =	shalt  }
0x56: {  	_ =	shalt  }
0x57: {  	_ =	shalt  }
0x58: {  	_ =	shalt  }
0x59: {  	_ =	shalt  }
0x5a: {  	_ =	shalt  }
0x5b: {  	_ =	shalt  }
0x5c: {  	_ =	shalt  }
0x5d: {  	_ =	shalt  }
0x5e: {  	_ =	shalt  }
0x5f: {  	_ =	shalt  }
0x60: {  	_ =	shalt  }
0x61: {  	_ =	shalt  }
0x62: {  	_ =	shalt  }
0x63: {  	_ =	shalt  }
0x64: {  	_ =	shalt  }
0x65: {  	_ =	shalt  }
0x66: {  	_ =	shalt  }
0x67: {  	_ =	shalt  }
0x68: {  	_ =	shalt  }
0x69: {  	_ =	shalt  }
0x6a: {  	_ =	shalt  }
0x6b: {  	_ =	shalt  }
0x6c: {  	_ =	shalt  }
0x6d: {  	_ =	shalt  }
0x6e: {  	_ =	shalt  }
0x6f: {  	_ =	shalt  }
0x70: {  	_ =	shalt  }
0x71: {  	_ =	shalt  }
0x72: {  	_ =	shalt  }
0x73: {  	_ =	shalt  }
0x74: {  	_ =	shalt  }
0x75: {  	_ =	shalt  }
0x76: {  	_ =	shalt  }
0x77: {  	_ =	shalt  }
0x78: {  	_ =	shalt  }
0x79: {  	_ =	shalt  }
0x7a: {  	_ =	shalt  }
0x7b: {  	_ =	shalt  }
0x7c: {  	_ =	shalt  }
0x7d: {  	_ =	shalt  }
0x7e: {  	_ =	shalt  }
0x7f: {  	_ =	shalt  }
0x80: {  	_ =	shalt  }
0x81: {  	_ =	shalt  }
0x82: {  	_ =	shalt  }
0x83: {  	_ =	shalt  }
0x84: {  	_ =	shalt  }
0x85: {  	_ =	shalt  }
0x86: {  	_ =	shalt  }
0x87: {  	_ =	shalt  }
.Lfunc_end0:
.L_simem_size_0:
called_computation.1_lowered:
.L_overlay_start_0:
0x88: {  	s2 =	sld [smem:$0x3FD9]  }
0x89: {  	s3 =	sld [smem:$0x3FFE];
	_ =	sdelay $0x1  }
0x8a: {  	s1 =	srdreg.scid  }
0x8b: {  	s0 =	sand.u32 $0x1, s1  }
0x8c: {  	s14 =	sshll.u32 s0, $0xA;
	s2 =	sadd.s32 s3, s2  }
0x8d: {  	s2 =	sadd.s32 s2, s14  }
0x8e: {  	[smem:$0x3FB1] =	sst s2  }
0x8f: {  	_ = 	snop  }
0x90: {  	s2 =	sld [smem:$0x3FD0];
	_ =	sdelay $0x2  }
0x91: {  	s15 =	simm.s32 $0xB;
	s4 =	simm.s32 $0x10  }
0x92: {  	[smem:s4], [sflag:s15] =	dma.local [hbm:s2], $0x1  }
0x93: {  	_ =	swait.eq [sflag:s15], $0x1  }
0x94: {  	[sflag:s15] =	ssyncset.done $0x0  }
0x95: {  	[sflag:s15] =	ssyncadd.s32 $0xFFFFFFFF  }
0x96: {  	s16 =	sld [smem:$0x13];
	(tm) =	ssettm $0x1  }
0x97: {  	s17 =	sld [smem:$0x3FFB];
	_ =	sdelay $0x3  }
0x98: {  	_ =	strace s17  }
0x99: {  	s3 =	sld [smem:$0x3FFC];
	_ =	sdelay $0x3  }
0x9a: {  	_ =	strace s3  }
0x9b: {  	s3 =	sld [smem:$0x3FFD];
	_ =	sdelay $0x3  }
0x9c: {  	_ =	strace s3  }
0x9d: {  	_ =	strace $0x8FFFFFFF  }
0x9e: {  	s18 =	sld [smem:$0x3FDB];
	_ =	sdelay $0x1  }
0x9f: {  	s19 =	simm.s32 $_scs_section_size  }
0xa0: {  	s5 =	simm.s32 $_size__tile_overlayer_lowered;
	s6 =	simm.s32 $_tile_overlayer_lowered  }
0xa1: {  	s22 =	simm.s32 $0x1BFF;
	s21 =	sshll.u32 s6, $0x1;
	s3 =	sadd.s32 s19, s18  }
0xa2: {  	s7 =	simm.s32 $0x0;
	s20 =	sshll.u32 s5, $0x1;
	s5 =	sadd.s32 s21, s3  }
0xa3: {  	[timem:s7], [sflag:s22] =	dma.local [hbm:s5], s20  }
0xa4: {  	_ =	swait.ge [sflag:s22], s20  }
0xa5: {  	s4 =	ssub.s32 $0x0, s20;
	[sflag:s22] =	ssyncset.done $0x0  }
0xa6: {  	[sflag:s22] =	ssyncadd.s32 s4;
	_ =	sdelay $0x1  }
0xa7: {  	s23 =	simm.s32 $0x1B8B  }
0xa8: {  	_ =	swait.ge [sflag:s23], $0x1  }
0xa9: {  	[sflag:s23] =	ssyncset.done $0x0  }
0xaa: {  	s25 =	simm.s32 $0x1B8E;
	s24 =	sld [smem:$0x3FFE];
	[sflag:s23] =	ssyncadd.s32 $0xFFFFFFFF  }
0xab: {  	s26 =	simm.s32 $execute0_lowered;
	[smem:$0x3FD2] =	sst s25  }
0xac: {  	s5 =	sshll.u32 s26, $0x1;
	_ =	strace $0x80000046;
	[dreg:$0x1] =	wrdreg $0xFFFFFFFF  }
0xad: {  	s28 =	simm.s32 $_size_execute0_lowered;
	s3 =	sadd.s32 s3, s5;
	[dreg:$0x0] =	wrdreg $0x0  }
0xae: {  	s5 =	sshll.u32 s28, $0x1;
	[dreg:$0x2] =	wrdreg s3  }
0xaf: {  	[dreg:$0x3] =	wrdreg s5  }
0xb0: {  	[dreg:$0x4] =	wrdreg $0xC0  }
0xb1: {  	_ =	task [dreg:s7], $0x5FFFF  }
0xb2: {  	[dreg:$0x1] =	wrdreg $0xFFFFFFFF  }
0xb3: {  	[dreg:$0x0] =	wrdreg $0x60  }
0xb4: {  	[dreg:$0x2] =	wrdreg s24  }
0xb5: {  	[dreg:$0x3] =	wrdreg s16  }
0xb6: {  	[dreg:$0x4] =	wrdreg $0x116200  }
0xb7: {  	[dreg:$0x5] =	wrdreg $0xA  }
0xb8: {  	_ =	task.clear_ibuf [dreg:s7], $0x6FFFF;
	_ =	strace $0x90000046  }
0xb9: {  	s29 =	simm.s32 $0xA;
	_ =	strace $0x80000048  }
0xba: {  	_ =	swait.ge [sflag:s29], $0x1  }
0xbb: {  	[sflag:s29] =	ssyncadd.s32 $0xFFFFFFFF  }
0xbc: {  	_ =	strace $0x90000048  }
0xbd: {  	_ =	sfence  }
0xbe: {  	s30 =	sld [smem:$0x0];
	_ =	sdelay $0x2  }
0xbf: {  	s31 =	sshll.u32 s1, $0xD;
	s1 =	sshrl.u32 s1, $0x2  }
0xc0: {  	s3 =	sand.u32 $0x4000, s31;
	s1 =	sadd.s32 s1, s30  }
0xc1: {  	s0 =	sor.u32 s3, s0;
	s1 =	sshll.u32 s1, $0x11  }
0xc2: {  	s0 =	sor.u32 s1, s0  }
0xc3: {  	s0 =	sadd.s32 $0x8F2B, s0  }
0xc4: {  	[sflag:s0] =	ssyncadd.remote.s32 $0x1  }
0xc5: {  	_ =	sfence.sel $0xFFFF  }
0xc6: {  	[dreg:$0x0] =	wrdreg $0xFFFFFFFF;
	(pc) =	sbr.abs _section_cstart, $3  }
0xc7: {  	[dreg:$0x1] =	wrdreg $0xFFFFFFFF  }
0xc8: {  	_ =	task.clear_ibuf [dreg:s7], $0x2FFFF;
	_ =	strace $0x9FFFFFFF  }
0xc9: {  	(tm) =	ssettm $0x7FFFFFFF  }
tec
execute0_lowered:
.L_overlay_start_1:
0x0: {  	(tag) =	ssettag $0x1  }
0x1: {  	s7 =	rddreg [dreg:$0x0]  }
0x2: {  	s10 =	rddreg [dreg:$0x1]  }
0x3: {  	s1 =	rddreg [dreg:$0x2]  }
0x4: {  	s2 =	srdreg.scid;
	s0 =	rddreg [dreg:$0x3];
	s3 =	simm.s32 $0x0  }
0x5: {  	s16 =	simm.s32 $0x190;
	s17 =	simm.s32 $0x4E20;
	s18 =	simm.s32 $0x1  }
0x6: {  	s19 =	simm.s32 $0xB220;
	s20 =	simm.s32 $0x2;
	s21 =	simm.s32 $0x4C90  }
0x7: {  	s23 =	simm.s32 $0x0;
	s8 =	sand.u32 $0x1, s2;
	s2 =	stileid.u32  }
0x8: {  	[smem:$0x7FF] =	sst s3;
	s14 =	sadd.s32 $0x9C000, s1;
	s4 =	sshll.u32 s8, $0x4  }
0x9: {  	s5 =	smul.u32 $0x9C00, s2;
	_ =	strace $0x80000047;
	s9 =	ssub.s32 $0x2, s8  }
0xa: {  	s31 =	sshll.u32 s2, $0x6;
	s15 =	smul.u32 $0x13880, s8;
	p0 =	sne.s32 s2, $0xF  }
0xb: {  	s4 =	sor.u32 s2, s4;
	s11 =	sshrl.u32 s9, $0x1;
	s14 =	sshrl.u32 @!p0 s14, $0x3  }
0xc: {  	s6 =	smul.u32 $0x4E2, s4;
	s4 =	sadd.s32 $0x4E00, s7;
	s22 =	sshrl.u32 s5, $0x3  }
0xd: {  	s11 =	ssub.s32 s9, s11;
	s13 =	sadd.s32 s5, s1;
	s10 =	sadd.s32 s10, s15  }
0xe: {  	s15 =	simm.s32 $0x2710;
	s30 =	sadd.s32 s22, s7;
	s11 =	smax.u32 s11, $0x1  }
0xf: {  	s22 =	sadd.s32 s22, s10;
	s12 =	sadd.s32 s6, s7;
	s5 =	sadd.s32 $0x2C400, s30  }
0x10: {  	s6 =	sor.u32 $0x1C03, s31;
	s7 =	sadd.s32 $0x3FC00, s7;
	s8 =	sadd.s32 $0x22600, s12  }
0x11: {  	s9 =	sadd.s32 $0x18800, s12;
	s12 =	sshrl.u32 s13, $0x3;
	s13 =	simm.s32 $0x3  }
.LBB2_1:
0x12: {  	[spmem:s12], [sflag:s6] =	dma.local [hbm:s5], $0x1380  }
0x13: {  	_ =	swait.ge [sflag:s13], $0x1380  }
0x14: {  	[sflag:s13] =	ssyncset.done $0x0  }
0x15: {  	s24 =	simm.s32 @!p0 $0x3;
	[sflag:s13] =	ssyncadd.s32 $0xFFFFEC80  }
0x16: {  	[spmem:s14], [sflag:s6] =	dma.local @!p0 [hbm:s7], $0x80  }
0x17: {  	_ =	swait.ge @!p0 [sflag:s24], $0x80  }
0x18: {  	[sflag:s24] =	ssyncset.done @!p0 $0x0  }
0x19: {  	[sflag:s24] =	ssyncadd.s32 @!p0 $0xFFFFFF80  }
0x1a: {  	[tilespmem:s3], [sflag:$0x3] =	stream.linear.gather [hbm4b:s8+s3], $0x2710, $0x38;
	[tilespmem:$0x1B260] =	vst v63  }
0x1b: {  	_ =	swait.ge [sflag:s13], $0x2710  }
0x1c: {  	[sflag:s13] =	ssyncset.done $0x0  }
0x1d: {  	[sflag:s13] =	ssyncadd.s32 $0xFFFFD8F0  }
0x1e: {  	[tilespmem:s15], [sflag:$0x3] =	stream.linear.gather [hbm4b:s9+s3], $0x2710, $0x38;
	[tilespmem:$0x1B260] =	vst v63  }
0x1f: {  	_ =	swait.ge [sflag:s13], $0x2710  }
0x20: {  	[sflag:s13] =	ssyncset.done $0x0  }
0x21: {  	[sflag:s13] =	ssyncadd.s32 $0xFFFFD8F0  }
0x22: {  	[bflag:$0x0] =	sbarrier.arrive $0xFFFF  }
0x23: {  	[tilespmem:s17], [sflag:$0x1] =	stream.indirect.gather [hbm4b:s4+s16], $0x40, s3, s16, $0xb8;
	[tilespmem:$0x1B260] =	vst v63  }
0x24: {  	_ =	swait.ge [sflag:s18], $0x6400  }
0x25: {  	[sflag:s18] =	ssyncset.done $0x0  }
0x26: {  	s28 =	simm.s32 $0x190;
	[sflag:s18] =	ssyncadd.s32 $0xFFFF9C00  }
0x27: {  	[tilespmem:s19], [sflag:$0x2] =	stream.indirect.gather [hbm4b:s4+s16], $0x40, s28, s16, $0xb8;
	[tilespmem:$0x1B260] =	vst v63  }
0x28: {  	s29 =	simm.s32 $0x2710  }
0x29: {  	[spmem:s1] =	stream.indirect.scatter.add.f32 [tilespmem:s17], [sflag:$0x3], $0x40, s29, s16, $0xb8;
	[tilespmem:$0x1B260] =	vst v63  }
0x2a: {  	_ =	swait.ge [sflag:s13], $0x6400  }
0x2b: {  	[sflag:s13] =	ssyncset.done $0x0  }
0x2c: {  	s30 =	simm.s32 $0x320;
	[sflag:s13] =	ssyncadd.s32 $0xFFFF9C00  }
0x2d: {  	[tilespmem:s17], [sflag:$0x1] =	stream.indirect.gather [hbm4b:s4+s16], $0x40, s30, s16, $0xb8;
	[tilespmem:$0x1B260] =	vst v63  }
0x2e: {  	_ =	swait.ge [sflag:s20], $0x6400  }
0x2f: {  	[sflag:s20] =	ssyncset.done $0x0  }
0x30: {  	s31 =	simm.s32 $0x28A0;
	[sflag:s20] =	ssyncadd.s32 $0xFFFF9C00  }
0x31: {  	[spmem:s1] =	stream.indirect.scatter.add.f32 [tilespmem:s19], [sflag:$0x3], $0x40, s31, s16, $0xb8;
	[tilespmem:$0x1B260] =	vst v63  }
0x32: {  	_ =	swait.ge [sflag:s13], $0x6400  }
0x33: {  	[sflag:s13] =	ssyncset.done $0x0  }
0x34: {  	[sflag:s13] =	ssyncadd.s32 $0xFFFF9C00  }
0x35: {  	_ =	swait.ge [sflag:s18], $0x6400  }
0x36: {  	s25 =	simm.s32 $0x1900;
	s24 =	simm.s32 $0x320;
	[sflag:s18] =	ssyncset.done $0x0  }
.LBB2_2:
0x37: {  	s26 =	sadd.s32 $0x190, s24  }
0x38: {  	[sflag:s18] =	ssyncadd.s32 $0xFFFF9C00;
	s28 =	smov.u32 s25;
	s29 =	sadd.s32 $0xC80, s25  }
0x39: {  	[tilespmem:s19], [sflag:$0x2] =	stream.indirect.gather [hbm4b:s4+s16], $0x40, s26, s16, $0xb8;
	[tilespmem:$0x1B260] =	vst v63  }
0x3a: {  	p1 =	sne.s32 s25, $0x8980;
	s25 =	sadd.s32 $0x2710, s24  }
0x3b: {  	[spmem:s1] =	stream.indirect.scatter.add.f32 [tilespmem:s17], [sflag:$0x3], $0x40, s25, s16, $0xb8;
	[tilespmem:$0x1B260] =	vst v63  }
0x3c: {  	_ =	swait.ge [sflag:s13], $0x6400  }
0x3d: {  	[sflag:s13] =	ssyncset.done $0x0  }
0x3e: {  	s25 =	sadd.s32 $0x320, s24;
	[sflag:s13] =	ssyncadd.s32 $0xFFFF9C00  }
0x3f: {  	[tilespmem:s17], [sflag:$0x1] =	stream.indirect.gather [hbm4b:s4+s16], $0x40, s25, s16, $0xb8;
	[tilespmem:$0x1B260] =	vst v63  }
0x40: {  	_ =	swait.ge [sflag:s20], $0x6400  }
0x41: {  	[sflag:s20] =	ssyncset.done $0x0  }
0x42: {  	s24 =	sadd.s32 $0x28A0, s24;
	[sflag:s20] =	ssyncadd.s32 $0xFFFF9C00  }
0x43: {  	[spmem:s1] =	stream.indirect.scatter.add.f32 [tilespmem:s19], [sflag:$0x3], $0x40, s24, s16, $0xb8;
	[tilespmem:$0x1B260] =	vst v63  }
.Ltmp0:
0x44: {  	_ =	swait.ge [sflag:s13], $0x6400;
	(pc) =	sbr.rel @p1 .LBB2_2-.Ltmp0, $4  }
0x45: {  	[sflag:s13] =	ssyncset.done $0x0  }
0x46: {  	[sflag:s13] =	ssyncadd.s32 $0xFFFF9C00  }
0x47: {  	_ =	swait.ge [sflag:s18], $0x6400  }
0x48: {  	s25 =	smov.u32 s29;
	s24 =	sshra.s32 s28, $0x2;
	[sflag:s18] =	ssyncset.done $0x0  }
0x49: {  	s25 =	sadd.s32 $0x190, s24;
	[sflag:s18] =	ssyncadd.s32 $0xFFFF9C00  }
0x4a: {  	[tilespmem:s19], [sflag:$0x2] =	stream.indirect.gather [hbm4b:s4+s16], $0x40, s25, s16, $0xb8;
	[tilespmem:$0x1B260] =	vst v63  }
0x4b: {  	s29 =	sadd.s32 $0x2710, s24  }
0x4c: {  	[spmem:s1] =	stream.indirect.scatter.add.f32 [tilespmem:s17], [sflag:$0x3], $0x40, s29, s16, $0xb8;
	[tilespmem:$0x1B260] =	vst v63  }
0x4d: {  	_ =	swait.ge [sflag:s13], $0x6400  }
0x4e: {  	[sflag:s13] =	ssyncset.done $0x0  }
0x4f: {  	s30 =	sadd.s32 $0x320, s24;
	[sflag:s13] =	ssyncadd.s32 $0xFFFF9C00  }
0x50: {  	[tilespmem:s17], [sflag:$0x1] =	stream.indirect.gather [hbm4b:s4+s16], $0x40, s30, s16, $0xb8;
	[tilespmem:$0x1B260] =	vst v63  }
0x51: {  	_ =	swait.ge [sflag:s20], $0x6400  }
0x52: {  	[sflag:s20] =	ssyncset.done $0x0  }
0x53: {  	s31 =	sadd.s32 $0x28A0, s24;
	[sflag:s20] =	ssyncadd.s32 $0xFFFF9C00  }
0x54: {  	[spmem:s1] =	stream.indirect.scatter.add.f32 [tilespmem:s19], [sflag:$0x3], $0x40, s31, s16, $0xb8;
	[tilespmem:$0x1B260] =	vst v63  }
0x55: {  	_ =	swait.ge [sflag:s13], $0x6400  }
0x56: {  	[sflag:s13] =	ssyncset.done $0x0  }
0x57: {  	[sflag:s13] =	ssyncadd.s32 $0xFFFF9C00  }
0x58: {  	_ =	swait.ge [sflag:s18], $0x6400  }
0x59: {  	[sflag:s18] =	ssyncset.done $0x0  }
0x5a: {  	[sflag:s18] =	ssyncadd.s32 $0xFFFF9C00  }
0x5b: {  	[spmem:s1] =	stream.indirect.scatter.add.f32 [tilespmem:s17], [sflag:$0x3], $0x40, s21, s16, $0xb8;
	[tilespmem:$0x1B260] =	vst v63  }
0x5c: {  	_ =	swait.ge [sflag:s13], $0x6400  }
0x5d: {  	[sflag:s13] =	ssyncset.done $0x0  }
0x5e: {  	[sflag:s13] =	ssyncadd.s32 $0xFFFF9C00  }
0x5f: {  	[bflag:$0x0] =	sbarrier.arrive $0xFFFF  }
0x60: {  	[hbm:s22], [sflag:s6] =	dma.local [spmem:s12], $0x1380  }
0x61: {  	_ =	swait.ge [sflag:s13], $0x1380  }
0x62: {  	s23 =	sadd.s32 $0x1, s23;
	[sflag:s13] =	ssyncset.done $0x0  }
0x63: {  	s24 =	sadd.s32 @!p0 $0x13800, s10;
	p1 =	sne.s32 s23, s11;
	[sflag:s13] =	ssyncadd.s32 $0xFFFFEC80  }
0x64: {  	[hbm:s24], [sflag:s6] =	dma.local @!p0 [spmem:s14], $0x80  }
.Ltmp1:
0x65: {  	_ = 	snop;
	(pc) =	sbr.rel @p1 .LBB2_1-.Ltmp1, $4  }
0x66: {  	s24 =	simm.s32 @!p0 $0x3  }
0x67: {  	_ =	swait.ge @!p0 [sflag:s24], $0x80  }
0x68: {  	[sflag:s24] =	ssyncset.done @!p0 $0x0  }
0x69: {  	[sflag:s24] =	ssyncadd.s32 @!p0 $0xFFFFFF80  }
0x6a: {  	_ =	sfence.sel $0x180000  }
0x6b: {  	[bflag:$0x0] =	sbarrier.arrive $0xFFFF  }
0x6c: {  	p0 =	sne.s32 s2, $0x0;
	_ =	strace $0x90000047  }
0x6d: {  	s0 =	sadd.s32 @!p0 $0x100000, s0;
	[bflag:$0x2] =	sbarrier.arrive $0xFFFF  }
0x6e: {  	[sflag:s0] =	ssyncadd.tile.s32 @!p0 $0x1;
	_ =	shalt  }
.Lfunc_end2:
_tile_overlayer_lowered:
.L_overlay_start_2:
0x6f: {  	(tag) =	ssettag $0x2  }
0x70: {  	s0 =	rddreg [dreg:$0x0];
	s2 =	stileid.u32  }
0x71: {  	s1 =	rddreg [dreg:$0x1];
	p0 =	sne.s32 s2, $0x0  }
0x72: {  	s3 =	rddreg [dreg:$0x2];
	[bflag:$0x3] =	sbarrier.arrive $0xFFFF;
	s2 =	simm.s32 @!p0 $0x1C03  }
0x73: {  	[timem:s3], [sflag:s2] =	dma.local @!p0 [hbm:s0], s1  }
0x74: {  	s0 =	simm.s32 @!p0 $0x3  }
0x75: {  	_ =	swait.ge @!p0 [sflag:s0], s1  }
0x76: {  	s1 =	ssub.s32 @!p0 $0x0, s1;
	[sflag:s0] =	ssyncset.done @!p0 $0x0  }
0x77: {  	[sflag:s0] =	ssyncadd.s32 @!p0 s1  }
0x78: {  	[bflag:$0x3] =	sbarrier.arrive $0xFFFF  }
0x79: {  	_ =	shalt  }

// kernel: kernel.18.cloned.1.call-start
scs
__scs_entry_jumppad:
0x0: {  	(pc) =	sbr.rel $0x88, $3  }
0x1: {  	(tag) =	ssettag $0x0;
	lr =	simm.s32 $0x1  }
0x2: {  	[smem:$0x3F8A] =	sst lr;
	_ =	strace $0xD0000000  }
0x3: {  	_ = 	snop  }
0x4: {  	_ = 	snop  }
0x5: {  	_ = 	snop  }
0x6: {  	_ = 	snop  }
0x7: {  	_ = 	snop  }
__scs_overlays_trampoline_lowered:
0x8: {  	[smem:$0x3F99] =	sst s0  }
0x9: {  	[smem:$0x3F9A] =	sst s1  }
0xa: {  	[smem:$0x3F9B] =	sst s2  }
0xb: {  	[smem:$0x3F9C] =	sst s3  }
0xc: {  	[smem:$0x3F9D] =	sst s4  }
0xd: {  	[smem:$0x3F9E] =	sst s5  }
0xe: {  	[smem:$0x3F9F] =	sst s6  }
0xf: {  	[smem:$0x3FA0] =	sst s7  }
0x10: {  	[smem:$0x3FA1] =	sst s8  }
0x11: {  	[smem:$0x3FA2] =	sst s9;
	s0 =	simm.s32 @!p0 $0x0  }
0x12: {  	s1 =	sld [smem:$0x3F88];
	s0 =	simm.s32 @p0 $0x1  }
0x13: {  	[smem:$0x3FA3] =	sst s0;
	s0 =	simm.s32 @!p1 $0x0  }
0x14: {  	s2 =	sld [smem:$0x3F87];
	s0 =	simm.s32 @p1 $0x1  }
0x15: {  	[smem:$0x3FA4] =	sst s0;
	s0 =	simm.s32 @!p2 $0x0  }
0x16: {  	s3 =	sld [smem:$0x3FDB];
	s0 =	simm.s32 @p2 $0x1  }
0x17: {  	s4 =	simm.s32 $0x1BF5;
	[smem:$0x3FA6] =	sst s0  }
0x18: {  	s0 =	sld [smem:$0x3F89];
	_ =	swait.ge [sflag:s4], $0x0  }
0x19: {  	s7 =	sld [smem:$0x3F8A]  }
0x1a: {  	s8 =	sadd.s32 $0xFFFFE003, lr  }
0x1b: {  	s9 =	sadd.s32 $0xFFFFFEF7, lr;
	s5 =	simm.s32 $0xFFFFFFFF;
	p2 =	slt.u32 s8, $0xFFFFF086  }
0x1c: {  	p1 =	slt.u32 s9, $0xF7A;
	s5 =	simm.s32 @!p2 $0x0  }
0x1d: {  	s5 =	simm.s32 @p1 $0x1;
	p0 =	seq.s32 s7, s2  }
0x1e: {  	s7 =	smul.u32 @!p0 $0xF7A, s2;
	p2 =	seq.s32 @!p0 s5, $0x0  }
0x1f: {  	s9 =	smul.u32 $0xF7A, s1;
	s8 =	simm.s32 @!p0 $0x1BF5;
	p2 =	por !p2, p0  }
0x20: {  	[sflag:s8] =	ssyncset.s32 @!p0 $0xFFFFF086;
	s6 =	sadd.s32 @!p0 s3, s7;
	s7 =	simm.s32 @!p0 $0x108  }
0x21: {  	s3 =	sadd.s32 s3, s9;
	s6 =	sadd.s32 @!p0 $0x88, s6;
	s7 =	simm.s32 @p2 $0x1082  }
0x22: {  	[simem:s7], [sflag:s8] =	dma.local @!p0 [hbm:s6], $0xF7A  }
0x23: {  	s9 =	sor.u32 $0xD0000000, s2;
	s6 =	simm.s32 $0x108;
	_ =	swait.ge @!p0 [sflag:s8], $0x0  }
0x24: {  	s3 =	sadd.s32 $0x88, s3;
	s6 =	simm.s32 @!p1 $0x1082;
	[sflag:s4] =	ssyncset.s32 $0xFFFFF086  }
0x25: {  	[simem:s6], [sflag:s4] =	dma.local [hbm:s3], $0xF7A  }
0x26: {  	[smem:$0x3F8A] =	sst s1;
	(tag) =	ssettag s2;
	_ =	strace s9  }
0x27: {  	s1 =	sld [smem:$0x3F9A]  }
0x28: {  	s2 =	sld [smem:$0x3F9B]  }
0x29: {  	s4 =	sld [smem:$0x3F9D]  }
0x2a: {  	p0 =	seq.s32 s5, $0x0;
	s5 =	sld [smem:$0x3F9E]  }
0x2b: {  	s6 =	sld [smem:$0x3F9F]  }
0x2c: {  	s7 =	sld [smem:$0x3FA0]  }
0x2d: {  	s3 =	simm.s32 $0x108;
	s8 =	sld [smem:$0x3FA1]  }
0x2e: {  	s3 =	simm.s32 @!p0 $0x1082;
	s9 =	sld [smem:$0x3FA2]  }
0x2f: {  	lr =	sadd.s32 s0, s3;
	s0 =	sld [smem:$0x3F99]  }
0x30: {  	s3 =	sld [smem:$0x3F9C]  }
0x31: {  	[smem:$0x3FA5] =	sst s10  }
0x32: {  	s10 =	sld [smem:$0x3FA3];
	_ =	sdelay $0x3  }
0x33: {  	p0 =	seq.s32 s10, $0x1;
	s10 =	sld [smem:$0x3FA5];
	_ =	sdelay $0x3  }
0x34: {  	[smem:$0x3FA5] =	sst s10  }
0x35: {  	s10 =	sld [smem:$0x3FA4];
	_ =	sdelay $0x3  }
0x36: {  	p1 =	seq.s32 s10, $0x1;
	s10 =	sld [smem:$0x3FA5];
	_ =	sdelay $0x3  }
0x37: {  	[smem:$0x3FA5] =	sst s10  }
0x38: {  	s10 =	sld [smem:$0x3FA6]  }
0x39: {  	_ = 	snop;
	(pc) =	sbr.ind lr, $3  }
0x3a: {  	_ = 	snop  }
0x3b: {  	_ = 	snop  }
0x3c: {  	p2 =	seq.s32 s10, $0x1;
	s10 =	sld [smem:$0x3FA5]  }
0x3d: {  	_ =	shalt  }
0x3e: {  	_ =	shalt  }
0x3f: {  	_ =	shalt  }
0x40: {  	_ =	shalt  }
0x41: {  	_ =	shalt  }
0x42: {  	_ =	shalt  }
0x43: {  	_ =	shalt  }
0x44: {  	_ =	shalt  }
0x45: {  	_ =	shalt  }
0x46: {  	_ =	shalt  }
0x47: {  	_ =	shalt  }
0x48: {  	_ =	shalt  }
0x49: {  	_ =	shalt  }
0x4a: {  	_ =	shalt  }
0x4b: {  	_ =	shalt  }
0x4c: {  	_ =	shalt  }
0x4d: {  	_ =	shalt  }
0x4e: {  	_ =	shalt  }
0x4f: {  	_ =	shalt  }
0x50: {  	_ =	shalt  }
0x51: {  	_ =	shalt  }
0x52: {  	_ =	shalt  }
0x53: {  	_ =	shalt  }
0x54: {  	_ =	shalt  }
0x55: {  	_ =	shalt  }
0x56: {  	_ =	shalt  }
0x57: {  	_ =	shalt  }
0x58: {  	_ =	shalt  }
0x59: {  	_ =	shalt  }
0x5a: {  	_ =	shalt  }
0x5b: {  	_ =	shalt  }
0x5c: {  	_ =	shalt  }
0x5d: {  	_ =	shalt  }
0x5e: {  	_ =	shalt  }
0x5f: {  	_ =	shalt  }
0x60: {  	_ =	shalt  }
0x61: {  	_ =	shalt  }
0x62: {  	_ =	shalt  }
0x63: {  	_ =	shalt  }
0x64: {  	_ =	shalt  }
0x65: {  	_ =	shalt  }
0x66: {  	_ =	shalt  }
0x67: {  	_ =	shalt  }
0x68: {  	_ =	shalt  }
0x69: {  	_ =	shalt  }
0x6a: {  	_ =	shalt  }
0x6b: {  	_ =	shalt  }
0x6c: {  	_ =	shalt  }
0x6d: {  	_ =	shalt  }
0x6e: {  	_ =	shalt  }
0x6f: {  	_ =	shalt  }
0x70: {  	_ =	shalt  }
0x71: {  	_ =	shalt  }
0x72: {  	_ =	shalt  }
0x73: {  	_ =	shalt  }
0x74: {  	_ =	shalt  }
0x75: {  	_ =	shalt  }
0x76: {  	_ =	shalt  }
0x77: {  	_ =	shalt  }
0x78: {  	_ =	shalt  }
0x79: {  	_ =	shalt  }
0x7a: {  	_ =	shalt  }
0x7b: {  	_ =	shalt  }
0x7c: {  	_ =	shalt  }
0x7d: {  	_ =	shalt  }
0x7e: {  	_ =	shalt  }
0x7f: {  	_ =	shalt  }
0x80: {  	_ =	shalt  }
0x81: {  	_ =	shalt  }
0x82: {  	_ =	shalt  }
0x83: {  	_ =	shalt  }
0x84: {  	_ =	shalt  }
0x85: {  	_ =	shalt  }
0x86: {  	_ =	shalt  }
0x87: {  	_ =	shalt  }
.Lfunc_end0:
.L_simem_size_0:
called_computation.2_lowered:
.L_overlay_start_0:
0x88: {  	s2 =	sld [smem:$0x3FD9]  }
0x89: {  	s3 =	sld [smem:$0x3FFE];
	_ =	sdelay $0x1  }
0x8a: {  	s1 =	srdreg.scid  }
0x8b: {  	s0 =	sand.u32 $0x1, s1  }
0x8c: {  	s14 =	sshll.u32 s0, $0xA;
	s2 =	sadd.s32 s3, s2  }
0x8d: {  	s2 =	sadd.s32 s2, s14  }
0x8e: {  	[smem:$0x3FB1] =	sst s2  }
0x8f: {  	_ = 	snop  }
0x90: {  	s2 =	sld [smem:$0x3FD0];
	_ =	sdelay $0x2  }
0x91: {  	s15 =	simm.s32 $0xB;
	s4 =	simm.s32 $0x10  }
0x92: {  	[smem:s4], [sflag:s15] =	dma.local [hbm:s2], $0x1  }
0x93: {  	_ =	swait.eq [sflag:s15], $0x1  }
0x94: {  	[sflag:s15] =	ssyncset.done $0x0  }
0x95: {  	[sflag:s15] =	ssyncadd.s32 $0xFFFFFFFF  }
0x96: {  	s16 =	sld [smem:$0x12];
	(tm) =	ssettm $0x1  }
0x97: {  	s17 =	sld [smem:$0x3FFB];
	_ =	sdelay $0x3  }
0x98: {  	_ =	strace s17  }
0x99: {  	s3 =	sld [smem:$0x3FFC];
	_ =	sdelay $0x3  }
0x9a: {  	_ =	strace s3  }
0x9b: {  	s3 =	sld [smem:$0x3FFD];
	_ =	sdelay $0x3  }
0x9c: {  	_ =	strace s3  }
0x9d: {  	_ =	strace $0x8FFFFFFF  }
0x9e: {  	s18 =	sld [smem:$0x3FDB];
	_ =	sdelay $0x1  }
0x9f: {  	s19 =	simm.s32 $_scs_section_size  }
0xa0: {  	s5 =	simm.s32 $_size__tile_overlayer_lowered;
	s6 =	simm.s32 $_tile_overlayer_lowered  }
0xa1: {  	s22 =	simm.s32 $0x1BFF;
	s21 =	sshll.u32 s6, $0x1;
	s3 =	sadd.s32 s19, s18  }
0xa2: {  	s7 =	simm.s32 $0x0;
	s20 =	sshll.u32 s5, $0x1;
	s5 =	sadd.s32 s21, s3  }
0xa3: {  	[timem:s7], [sflag:s22] =	dma.local [hbm:s5], s20  }
0xa4: {  	_ =	swait.ge [sflag:s22], s20  }
0xa5: {  	s4 =	ssub.s32 $0x0, s20;
	[sflag:s22] =	ssyncset.done $0x0  }
0xa6: {  	[sflag:s22] =	ssyncadd.s32 s4;
	_ =	sdelay $0x1  }
0xa7: {  	s23 =	simm.s32 $0x1B8B  }
0xa8: {  	_ =	swait.ge [sflag:s23], $0x1  }
0xa9: {  	[sflag:s23] =	ssyncset.done $0x0  }
0xaa: {  	s25 =	simm.s32 $0x1B8E;
	s24 =	sld [smem:$0x3FFE];
	[sflag:s23] =	ssyncadd.s32 $0xFFFFFFFF  }
0xab: {  	s26 =	simm.s32 $execute0_lowered;
	[smem:$0x3FD2] =	sst s25  }
0xac: {  	s5 =	sshll.u32 s26, $0x1;
	_ =	strace $0x8000004C;
	[dreg:$0x1] =	wrdreg $0xFFFFFFFF  }
0xad: {  	s28 =	simm.s32 $_size_execute0_lowered;
	s3 =	sadd.s32 s3, s5;
	[dreg:$0x0] =	wrdreg $0x0  }
0xae: {  	s5 =	sshll.u32 s28, $0x1;
	[dreg:$0x2] =	wrdreg s3  }
0xaf: {  	[dreg:$0x3] =	wrdreg s5  }
0xb0: {  	[dreg:$0x4] =	wrdreg $0xC0  }
0xb1: {  	_ =	task [dreg:s7], $0x5FFFF  }
0xb2: {  	[dreg:$0x1] =	wrdreg $0xFFFFFFFF  }
0xb3: {  	[dreg:$0x0] =	wrdreg $0x60  }
0xb4: {  	[dreg:$0x2] =	wrdreg s24  }
0xb5: {  	[dreg:$0x3] =	wrdreg s16  }
0xb6: {  	[dreg:$0x4] =	wrdreg $0x116200  }
0xb7: {  	[dreg:$0x5] =	wrdreg $0x9  }
0xb8: {  	_ =	task.clear_ibuf [dreg:s7], $0x6FFFF;
	_ =	strace $0x9000004C  }
0xb9: {  	s29 =	simm.s32 $0x9;
	_ =	strace $0x8000004E  }
0xba: {  	_ =	swait.ge [sflag:s29], $0x1  }
0xbb: {  	[sflag:s29] =	ssyncadd.s32 $0xFFFFFFFF  }
0xbc: {  	_ =	strace $0x9000004E  }
0xbd: {  	_ =	sfence  }
0xbe: {  	s30 =	sld [smem:$0x0];
	_ =	sdelay $0x2  }
0xbf: {  	s31 =	sshll.u32 s1, $0xD;
	s1 =	sshrl.u32 s1, $0x2  }
0xc0: {  	s3 =	sand.u32 $0x4000, s31;
	s1 =	sadd.s32 s1, s30  }
0xc1: {  	s0 =	sor.u32 s3, s0;
	s1 =	sshll.u32 s1, $0x11  }
0xc2: {  	s0 =	sor.u32 s1, s0  }
0xc3: {  	s0 =	sadd.s32 $0x8F2B, s0  }
0xc4: {  	[sflag:s0] =	ssyncadd.remote.s32 $0x1  }
0xc5: {  	_ =	sfence.sel $0xFFFF  }
0xc6: {  	[dreg:$0x0] =	wrdreg $0xFFFFFFFF;
	(pc) =	sbr.abs _section_cstart, $3  }
0xc7: {  	[dreg:$0x1] =	wrdreg $0xFFFFFFFF  }
0xc8: {  	_ =	task.clear_ibuf [dreg:s7], $0x2FFFF;
	_ =	strace $0x9FFFFFFF  }
0xc9: {  	(tm) =	ssettm $0x7FFFFFFF  }
tec
execute0_lowered:
.L_overlay_start_1:
0x0: {  	(tag) =	ssettag $0x1  }
0x1: {  	s7 =	rddreg [dreg:$0x0]  }
0x2: {  	s10 =	rddreg [dreg:$0x1]  }
0x3: {  	s1 =	rddreg [dreg:$0x2]  }
0x4: {  	s2 =	srdreg.scid;
	s0 =	rddreg [dreg:$0x3];
	s3 =	simm.s32 $0x0  }
0x5: {  	s16 =	simm.s32 $0x190;
	s17 =	simm.s32 $0x4E20;
	s18 =	simm.s32 $0x1  }
0x6: {  	s19 =	simm.s32 $0xB220;
	s20 =	simm.s32 $0x2;
	s21 =	simm.s32 $0x4C90  }
0x7: {  	s23 =	simm.s32 $0x0;
	s8 =	sand.u32 $0x1, s2;
	s2 =	stileid.u32  }
0x8: {  	[smem:$0x7FF] =	sst s3;
	s14 =	sadd.s32 $0x9C000, s1;
	s4 =	sshll.u32 s8, $0x4  }
0x9: {  	s5 =	smul.u32 $0x9C00, s2;
	_ =	strace $0x8000004D;
	s9 =	ssub.s32 $0x2, s8  }
0xa: {  	s31 =	sshll.u32 s2, $0x6;
	s15 =	smul.u32 $0x13880, s8;
	p0 =	sne.s32 s2, $0xF  }
0xb: {  	s4 =	sor.u32 s2, s4;
	s11 =	sshrl.u32 s9, $0x1;
	s14 =	sshrl.u32 @!p0 s14, $0x3  }
0xc: {  	s6 =	smul.u32 $0x4E2, s4;
	s4 =	sadd.s32 $0x4E00, s7;
	s22 =	sshrl.u32 s5, $0x3  }
0xd: {  	s11 =	ssub.s32 s9, s11;
	s13 =	sadd.s32 s5, s1;
	s10 =	sadd.s32 s10, s15  }
0xe: {  	s15 =	simm.s32 $0x2710;
	s30 =	sadd.s32 s22, s7;
	s11 =	smax.u32 s11, $0x1  }
0xf: {  	s22 =	sadd.s32 s22, s10;
	s12 =	sadd.s32 s6, s7;
	s5 =	sadd.s32 $0x2C400, s30  }
0x10: {  	s6 =	sor.u32 $0x1C03, s31;
	s7 =	sadd.s32 $0x3FC00, s7;
	s8 =	sadd.s32 $0x22600, s12  }
0x11: {  	s9 =	sadd.s32 $0x18800, s12;
	s12 =	sshrl.u32 s13, $0x3;
	s13 =	simm.s32 $0x3  }
.LBB2_1:
0x12: {  	[spmem:s12], [sflag:s6] =	dma.local [hbm:s5], $0x1380  }
0x13: {  	_ =	swait.ge [sflag:s13], $0x1380  }
0x14: {  	[sflag:s13] =	ssyncset.done $0x0  }
0x15: {  	s24 =	simm.s32 @!p0 $0x3;
	[sflag:s13] =	ssyncadd.s32 $0xFFFFEC80  }
0x16: {  	[spmem:s14], [sflag:s6] =	dma.local @!p0 [hbm:s7], $0x80  }
0x17: {  	_ =	swait.ge @!p0 [sflag:s24], $0x80  }
0x18: {  	[sflag:s24] =	ssyncset.done @!p0 $0x0  }
0x19: {  	[sflag:s24] =	ssyncadd.s32 @!p0 $0xFFFFFF80  }
0x1a: {  	[tilespmem:s3], [sflag:$0x3] =	stream.linear.gather [hbm4b:s8+s3], $0x2710, $0x38;
	[tilespmem:$0x1B260] =	vst v63  }
0x1b: {  	_ =	swait.ge [sflag:s13], $0x2710  }
0x1c: {  	[sflag:s13] =	ssyncset.done $0x0  }
0x1d: {  	[sflag:s13] =	ssyncadd.s32 $0xFFFFD8F0  }
0x1e: {  	[tilespmem:s15], [sflag:$0x3] =	stream.linear.gather [hbm4b:s9+s3], $0x2710, $0x38;
	[tilespmem:$0x1B260] =	vst v63  }
0x1f: {  	_ =	swait.ge [sflag:s13], $0x2710  }
0x20: {  	[sflag:s13] =	ssyncset.done $0x0  }
0x21: {  	[sflag:s13] =	ssyncadd.s32 $0xFFFFD8F0  }
0x22: {  	[bflag:$0x0] =	sbarrier.arrive $0xFFFF  }
0x23: {  	[tilespmem:s17], [sflag:$0x1] =	stream.indirect.gather [hbm4b:s4+s16], $0x40, s3, s16, $0xb8;
	[tilespmem:$0x1B260] =	vst v63  }
0x24: {  	_ =	swait.ge [sflag:s18], $0x6400  }
0x25: {  	[sflag:s18] =	ssyncset.done $0x0  }
0x26: {  	s28 =	simm.s32 $0x190;
	[sflag:s18] =	ssyncadd.s32 $0xFFFF9C00  }
0x27: {  	[tilespmem:s19], [sflag:$0x2] =	stream.indirect.gather [hbm4b:s4+s16], $0x40, s28, s16, $0xb8;
	[tilespmem:$0x1B260] =	vst v63  }
0x28: {  	s29 =	simm.s32 $0x2710  }
0x29: {  	[spmem:s1] =	stream.indirect.scatter.add.f32 [tilespmem:s17], [sflag:$0x3], $0x40, s29, s16, $0xb8;
	[tilespmem:$0x1B260] =	vst v63  }
0x2a: {  	_ =	swait.ge [sflag:s13], $0x6400  }
0x2b: {  	[sflag:s13] =	ssyncset.done $0x0  }
0x2c: {  	s30 =	simm.s32 $0x320;
	[sflag:s13] =	ssyncadd.s32 $0xFFFF9C00  }
0x2d: {  	[tilespmem:s17], [sflag:$0x1] =	stream.indirect.gather [hbm4b:s4+s16], $0x40, s30, s16, $0xb8;
	[tilespmem:$0x1B260] =	vst v63  }
0x2e: {  	_ =	swait.ge [sflag:s20], $0x6400  }
0x2f: {  	[sflag:s20] =	ssyncset.done $0x0  }
0x30: {  	s31 =	simm.s32 $0x28A0;
	[sflag:s20] =	ssyncadd.s32 $0xFFFF9C00  }
0x31: {  	[spmem:s1] =	stream.indirect.scatter.add.f32 [tilespmem:s19], [sflag:$0x3], $0x40, s31, s16, $0xb8;
	[tilespmem:$0x1B260] =	vst v63  }
0x32: {  	_ =	swait.ge [sflag:s13], $0x6400  }
0x33: {  	[sflag:s13] =	ssyncset.done $0x0  }
0x34: {  	[sflag:s13] =	ssyncadd.s32 $0xFFFF9C00  }
0x35: {  	_ =	swait.ge [sflag:s18], $0x6400  }
0x36: {  	s25 =	simm.s32 $0x1900;
	s24 =	simm.s32 $0x320;
	[sflag:s18] =	ssyncset.done $0x0  }
.LBB2_2:
0x37: {  	s26 =	sadd.s32 $0x190, s24  }
0x38: {  	[sflag:s18] =	ssyncadd.s32 $0xFFFF9C00;
	s28 =	smov.u32 s25;
	s29 =	sadd.s32 $0xC80, s25  }
0x39: {  	[tilespmem:s19], [sflag:$0x2] =	stream.indirect.gather [hbm4b:s4+s16], $0x40, s26, s16, $0xb8;
	[tilespmem:$0x1B260] =	vst v63  }
0x3a: {  	p1 =	sne.s32 s25, $0x8980;
	s25 =	sadd.s32 $0x2710, s24  }
0x3b: {  	[spmem:s1] =	stream.indirect.scatter.add.f32 [tilespmem:s17], [sflag:$0x3], $0x40, s25, s16, $0xb8;
	[tilespmem:$0x1B260] =	vst v63  }
0x3c: {  	_ =	swait.ge [sflag:s13], $0x6400  }
0x3d: {  	[sflag:s13] =	ssyncset.done $0x0  }
0x3e: {  	s25 =	sadd.s32 $0x320, s24;
	[sflag:s13] =	ssyncadd.s32 $0xFFFF9C00  }
0x3f: {  	[tilespmem:s17], [sflag:$0x1] =	stream.indirect.gather [hbm4b:s4+s16], $0x40, s25, s16, $0xb8;
	[tilespmem:$0x1B260] =	vst v63  }
0x40: {  	_ =	swait.ge [sflag:s20], $0x6400  }
0x41: {  	[sflag:s20] =	ssyncset.done $0x0  }
0x42: {  	s24 =	sadd.s32 $0x28A0, s24;
	[sflag:s20] =	ssyncadd.s32 $0xFFFF9C00  }
0x43: {  	[spmem:s1] =	stream.indirect.scatter.add.f32 [tilespmem:s19], [sflag:$0x3], $0x40, s24, s16, $0xb8;
	[tilespmem:$0x1B260] =	vst v63  }
.Ltmp0:
0x44: {  	_ =	swait.ge [sflag:s13], $0x6400;
	(pc) =	sbr.rel @p1 .LBB2_2-.Ltmp0, $4  }
0x45: {  	[sflag:s13] =	ssyncset.done $0x0  }
0x46: {  	[sflag:s13] =	ssyncadd.s32 $0xFFFF9C00  }
0x47: {  	_ =	swait.ge [sflag:s18], $0x6400  }
0x48: {  	s25 =	smov.u32 s29;
	s24 =	sshra.s32 s28, $0x2;
	[sflag:s18] =	ssyncset.done $0x0  }
0x49: {  	s25 =	sadd.s32 $0x190, s24;
	[sflag:s18] =	ssyncadd.s32 $0xFFFF9C00  }
0x4a: {  	[tilespmem:s19], [sflag:$0x2] =	stream.indirect.gather [hbm4b:s4+s16], $0x40, s25, s16, $0xb8;
	[tilespmem:$0x1B260] =	vst v63  }
0x4b: {  	s29 =	sadd.s32 $0x2710, s24  }
0x4c: {  	[spmem:s1] =	stream.indirect.scatter.add.f32 [tilespmem:s17], [sflag:$0x3], $0x40, s29, s16, $0xb8;
	[tilespmem:$0x1B260] =	vst v63  }
0x4d: {  	_ =	swait.ge [sflag:s13], $0x6400  }
0x4e: {  	[sflag:s13] =	ssyncset.done $0x0  }
0x4f: {  	s30 =	sadd.s32 $0x320, s24;
	[sflag:s13] =	ssyncadd.s32 $0xFFFF9C00  }
0x50: {  	[tilespmem:s17], [sflag:$0x1] =	stream.indirect.gather [hbm4b:s4+s16], $0x40, s30, s16, $0xb8;
	[tilespmem:$0x1B260] =	vst v63  }
0x51: {  	_ =	swait.ge [sflag:s20], $0x6400  }
0x52: {  	[sflag:s20] =	ssyncset.done $0x0  }
0x53: {  	s31 =	sadd.s32 $0x28A0, s24;
	[sflag:s20] =	ssyncadd.s32 $0xFFFF9C00  }
0x54: {  	[spmem:s1] =	stream.indirect.scatter.add.f32 [tilespmem:s19], [sflag:$0x3], $0x40, s31, s16, $0xb8;
	[tilespmem:$0x1B260] =	vst v63  }
0x55: {  	_ =	swait.ge [sflag:s13], $0x6400  }
0x56: {  	[sflag:s13] =	ssyncset.done $0x0  }
0x57: {  	[sflag:s13] =	ssyncadd.s32 $0xFFFF9C00  }
0x58: {  	_ =	swait.ge [sflag:s18], $0x6400  }
0x59: {  	[sflag:s18] =	ssyncset.done $0x0  }
0x5a: {  	[sflag:s18] =	ssyncadd.s32 $0xFFFF9C00  }
0x5b: {  	[spmem:s1] =	stream.indirect.scatter.add.f32 [tilespmem:s17], [sflag:$0x3], $0x40, s21, s16, $0xb8;
	[tilespmem:$0x1B260] =	vst v63  }
0x5c: {  	_ =	swait.ge [sflag:s13], $0x6400  }
0x5d: {  	[sflag:s13] =	ssyncset.done $0x0  }
0x5e: {  	[sflag:s13] =	ssyncadd.s32 $0xFFFF9C00  }
0x5f: {  	[bflag:$0x0] =	sbarrier.arrive $0xFFFF  }
0x60: {  	[hbm:s22], [sflag:s6] =	dma.local [spmem:s12], $0x1380  }
0x61: {  	_ =	swait.ge [sflag:s13], $0x1380  }
0x62: {  	s23 =	sadd.s32 $0x1, s23;
	[sflag:s13] =	ssyncset.done $0x0  }
0x63: {  	s24 =	sadd.s32 @!p0 $0x13800, s10;
	p1 =	sne.s32 s23, s11;
	[sflag:s13] =	ssyncadd.s32 $0xFFFFEC80  }
0x64: {  	[hbm:s24], [sflag:s6] =	dma.local @!p0 [spmem:s14], $0x80  }
.Ltmp1:
0x65: {  	_ = 	snop;
	(pc) =	sbr.rel @p1 .LBB2_1-.Ltmp1, $4  }
0x66: {  	s24 =	simm.s32 @!p0 $0x3  }
0x67: {  	_ =	swait.ge @!p0 [sflag:s24], $0x80  }
0x68: {  	[sflag:s24] =	ssyncset.done @!p0 $0x0  }
0x69: {  	[sflag:s24] =	ssyncadd.s32 @!p0 $0xFFFFFF80  }
0x6a: {  	_ =	sfence.sel $0x180000  }
0x6b: {  	[bflag:$0x0] =	sbarrier.arrive $0xFFFF  }
0x6c: {  	p0 =	sne.s32 s2, $0x0;
	_ =	strace $0x9000004D  }
0x6d: {  	s0 =	sadd.s32 @!p0 $0x100000, s0;
	[bflag:$0x2] =	sbarrier.arrive $0xFFFF  }
0x6e: {  	[sflag:s0] =	ssyncadd.tile.s32 @!p0 $0x1;
	_ =	shalt  }
.Lfunc_end2:
_tile_overlayer_lowered:
.L_overlay_start_2:
0x6f: {  	(tag) =	ssettag $0x2  }
0x70: {  	s0 =	rddreg [dreg:$0x0];
	s2 =	stileid.u32  }
0x71: {  	s1 =	rddreg [dreg:$0x1];
	p0 =	sne.s32 s2, $0x0  }
0x72: {  	s3 =	rddreg [dreg:$0x2];
	[bflag:$0x3] =	sbarrier.arrive $0xFFFF;
	s2 =	simm.s32 @!p0 $0x1C03  }
0x73: {  	[timem:s3], [sflag:s2] =	dma.local @!p0 [hbm:s0], s1  }
0x74: {  	s0 =	simm.s32 @!p0 $0x3  }
0x75: {  	_ =	swait.ge @!p0 [sflag:s0], s1  }
0x76: {  	s1 =	ssub.s32 @!p0 $0x0, s1;
	[sflag:s0] =	ssyncset.done @!p0 $0x0  }
0x77: {  	[sflag:s0] =	ssyncadd.s32 @!p0 s1  }
0x78: {  	[bflag:$0x3] =	sbarrier.arrive $0xFFFF  }
0x79: {  	_ =	shalt  }

// kernel: kernel.21.cloned.1.call-start
scs
__scs_entry_jumppad:
0x0: {  	(pc) =	sbr.rel $0x88, $3  }
0x1: {  	(tag) =	ssettag $0x0;
	lr =	simm.s32 $0x1  }
0x2: {  	[smem:$0x3F8A] =	sst lr;
	_ =	strace $0xD0000000  }
0x3: {  	_ = 	snop  }
0x4: {  	_ = 	snop  }
0x5: {  	_ = 	snop  }
0x6: {  	_ = 	snop  }
0x7: {  	_ = 	snop  }
__scs_overlays_trampoline_lowered:
0x8: {  	[smem:$0x3F99] =	sst s0  }
0x9: {  	[smem:$0x3F9A] =	sst s1  }
0xa: {  	[smem:$0x3F9B] =	sst s2  }
0xb: {  	[smem:$0x3F9C] =	sst s3  }
0xc: {  	[smem:$0x3F9D] =	sst s4  }
0xd: {  	[smem:$0x3F9E] =	sst s5  }
0xe: {  	[smem:$0x3F9F] =	sst s6  }
0xf: {  	[smem:$0x3FA0] =	sst s7  }
0x10: {  	[smem:$0x3FA1] =	sst s8  }
0x11: {  	[smem:$0x3FA2] =	sst s9;
	s0 =	simm.s32 @!p0 $0x0  }
0x12: {  	s1 =	sld [smem:$0x3F88];
	s0 =	simm.s32 @p0 $0x1  }
0x13: {  	[smem:$0x3FA3] =	sst s0;
	s0 =	simm.s32 @!p1 $0x0  }
0x14: {  	s2 =	sld [smem:$0x3F87];
	s0 =	simm.s32 @p1 $0x1  }
0x15: {  	[smem:$0x3FA4] =	sst s0;
	s0 =	simm.s32 @!p2 $0x0  }
0x16: {  	s3 =	sld [smem:$0x3FDB];
	s0 =	simm.s32 @p2 $0x1  }
0x17: {  	s4 =	simm.s32 $0x1BF5;
	[smem:$0x3FA6] =	sst s0  }
0x18: {  	s0 =	sld [smem:$0x3F89];
	_ =	swait.ge [sflag:s4], $0x0  }
0x19: {  	s7 =	sld [smem:$0x3F8A]  }
0x1a: {  	s8 =	sadd.s32 $0xFFFFE003, lr  }
0x1b: {  	s9 =	sadd.s32 $0xFFFFFEF7, lr;
	s5 =	simm.s32 $0xFFFFFFFF;
	p2 =	slt.u32 s8, $0xFFFFF086  }
0x1c: {  	p1 =	slt.u32 s9, $0xF7A;
	s5 =	simm.s32 @!p2 $0x0  }
0x1d: {  	s5 =	simm.s32 @p1 $0x1;
	p0 =	seq.s32 s7, s2  }
0x1e: {  	s7 =	smul.u32 @!p0 $0xF7A, s2;
	p2 =	seq.s32 @!p0 s5, $0x0  }
0x1f: {  	s9 =	smul.u32 $0xF7A, s1;
	s8 =	simm.s32 @!p0 $0x1BF5;
	p2 =	por !p2, p0  }
0x20: {  	[sflag:s8] =	ssyncset.s32 @!p0 $0xFFFFF086;
	s6 =	sadd.s32 @!p0 s3, s7;
	s7 =	simm.s32 @!p0 $0x108  }
0x21: {  	s3 =	sadd.s32 s3, s9;
	s6 =	sadd.s32 @!p0 $0x88, s6;
	s7 =	simm.s32 @p2 $0x1082  }
0x22: {  	[simem:s7], [sflag:s8] =	dma.local @!p0 [hbm:s6], $0xF7A  }
0x23: {  	s9 =	sor.u32 $0xD0000000, s2;
	s6 =	simm.s32 $0x108;
	_ =	swait.ge @!p0 [sflag:s8], $0x0  }
0x24: {  	s3 =	sadd.s32 $0x88, s3;
	s6 =	simm.s32 @!p1 $0x1082;
	[sflag:s4] =	ssyncset.s32 $0xFFFFF086  }
0x25: {  	[simem:s6], [sflag:s4] =	dma.local [hbm:s3], $0xF7A  }
0x26: {  	[smem:$0x3F8A] =	sst s1;
	(tag) =	ssettag s2;
	_ =	strace s9  }
0x27: {  	s1 =	sld [smem:$0x3F9A]  }
0x28: {  	s2 =	sld [smem:$0x3F9B]  }
0x29: {  	s4 =	sld [smem:$0x3F9D]  }
0x2a: {  	p0 =	seq.s32 s5, $0x0;
	s5 =	sld [smem:$0x3F9E]  }
0x2b: {  	s6 =	sld [smem:$0x3F9F]  }
0x2c: {  	s7 =	sld [smem:$0x3FA0]  }
0x2d: {  	s3 =	simm.s32 $0x108;
	s8 =	sld [smem:$0x3FA1]  }
0x2e: {  	s3 =	simm.s32 @!p0 $0x1082;
	s9 =	sld [smem:$0x3FA2]  }
0x2f: {  	lr =	sadd.s32 s0, s3;
	s0 =	sld [smem:$0x3F99]  }
0x30: {  	s3 =	sld [smem:$0x3F9C]  }
0x31: {  	[smem:$0x3FA5] =	sst s10  }
0x32: {  	s10 =	sld [smem:$0x3FA3];
	_ =	sdelay $0x3  }
0x33: {  	p0 =	seq.s32 s10, $0x1;
	s10 =	sld [smem:$0x3FA5];
	_ =	sdelay $0x3  }
0x34: {  	[smem:$0x3FA5] =	sst s10  }
0x35: {  	s10 =	sld [smem:$0x3FA4];
	_ =	sdelay $0x3  }
0x36: {  	p1 =	seq.s32 s10, $0x1;
	s10 =	sld [smem:$0x3FA5];
	_ =	sdelay $0x3  }
0x37: {  	[smem:$0x3FA5] =	sst s10  }
0x38: {  	s10 =	sld [smem:$0x3FA6]  }
0x39: {  	_ = 	snop;
	(pc) =	sbr.ind lr, $3  }
0x3a: {  	_ = 	snop  }
0x3b: {  	_ = 	snop  }
0x3c: {  	p2 =	seq.s32 s10, $0x1;
	s10 =	sld [smem:$0x3FA5]  }
0x3d: {  	_ =	shalt  }
0x3e: {  	_ =	shalt  }
0x3f: {  	_ =	shalt  }
0x40: {  	_ =	shalt  }
0x41: {  	_ =	shalt  }
0x42: {  	_ =	shalt  }
0x43: {  	_ =	shalt  }
0x44: {  	_ =	shalt  }
0x45: {  	_ =	shalt  }
0x46: {  	_ =	shalt  }
0x47: {  	_ =	shalt  }
0x48: {  	_ =	shalt  }
0x49: {  	_ =	shalt  }
0x4a: {  	_ =	shalt  }
0x4b: {  	_ =	shalt  }
0x4c: {  	_ =	shalt  }
0x4d: {  	_ =	shalt  }
0x4e: {  	_ =	shalt  }
0x4f: {  	_ =	shalt  }
0x50: {  	_ =	shalt  }
0x51: {  	_ =	shalt  }
0x52: {  	_ =	shalt  }
0x53: {  	_ =	shalt  }
0x54: {  	_ =	shalt  }
0x55: {  	_ =	shalt  }
0x56: {  	_ =	shalt  }
0x57: {  	_ =	shalt  }
0x58: {  	_ =	shalt  }
0x59: {  	_ =	shalt  }
0x5a: {  	_ =	shalt  }
0x5b: {  	_ =	shalt  }
0x5c: {  	_ =	shalt  }
0x5d: {  	_ =	shalt  }
0x5e: {  	_ =	shalt  }
0x5f: {  	_ =	shalt  }
0x60: {  	_ =	shalt  }
0x61: {  	_ =	shalt  }
0x62: {  	_ =	shalt  }
0x63: {  	_ =	shalt  }
0x64: {  	_ =	shalt  }
0x65: {  	_ =	shalt  }
0x66: {  	_ =	shalt  }
0x67: {  	_ =	shalt  }
0x68: {  	_ =	shalt  }
0x69: {  	_ =	shalt  }
0x6a: {  	_ =	shalt  }
0x6b: {  	_ =	shalt  }
0x6c: {  	_ =	shalt  }
0x6d: {  	_ =	shalt  }
0x6e: {  	_ =	shalt  }
0x6f: {  	_ =	shalt  }
0x70: {  	_ =	shalt  }
0x71: {  	_ =	shalt  }
0x72: {  	_ =	shalt  }
0x73: {  	_ =	shalt  }
0x74: {  	_ =	shalt  }
0x75: {  	_ =	shalt  }
0x76: {  	_ =	shalt  }
0x77: {  	_ =	shalt  }
0x78: {  	_ =	shalt  }
0x79: {  	_ =	shalt  }
0x7a: {  	_ =	shalt  }
0x7b: {  	_ =	shalt  }
0x7c: {  	_ =	shalt  }
0x7d: {  	_ =	shalt  }
0x7e: {  	_ =	shalt  }
0x7f: {  	_ =	shalt  }
0x80: {  	_ =	shalt  }
0x81: {  	_ =	shalt  }
0x82: {  	_ =	shalt  }
0x83: {  	_ =	shalt  }
0x84: {  	_ =	shalt  }
0x85: {  	_ =	shalt  }
0x86: {  	_ =	shalt  }
0x87: {  	_ =	shalt  }
.Lfunc_end0:
.L_simem_size_0:
called_computation.3_lowered:
.L_overlay_start_0:
0x88: {  	s2 =	sld [smem:$0x3FD9]  }
0x89: {  	s3 =	sld [smem:$0x3FFE];
	_ =	sdelay $0x1  }
0x8a: {  	s1 =	srdreg.scid  }
0x8b: {  	s0 =	sand.u32 $0x1, s1  }
0x8c: {  	s14 =	sshll.u32 s0, $0xA;
	s2 =	sadd.s32 s3, s2  }
0x8d: {  	s2 =	sadd.s32 s2, s14  }
0x8e: {  	[smem:$0x3FB1] =	sst s2  }
0x8f: {  	_ = 	snop  }
0x90: {  	s2 =	sld [smem:$0x3FD0];
	_ =	sdelay $0x2  }
0x91: {  	s15 =	simm.s32 $0xB;
	s4 =	simm.s32 $0x10  }
0x92: {  	[smem:s4], [sflag:s15] =	dma.local [hbm:s2], $0x1  }
0x93: {  	_ =	swait.eq [sflag:s15], $0x1  }
0x94: {  	[sflag:s15] =	ssyncset.done $0x0  }
0x95: {  	[sflag:s15] =	ssyncadd.s32 $0xFFFFFFFF  }
0x96: {  	s16 =	sld [smem:$0x13];
	(tm) =	ssettm $0x1  }
0x97: {  	s17 =	sld [smem:$0x3FFB];
	_ =	sdelay $0x3  }
0x98: {  	_ =	strace s17  }
0x99: {  	s3 =	sld [smem:$0x3FFC];
	_ =	sdelay $0x3  }
0x9a: {  	_ =	strace s3  }
0x9b: {  	s3 =	sld [smem:$0x3FFD];
	_ =	sdelay $0x3  }
0x9c: {  	_ =	strace s3  }
0x9d: {  	_ =	strace $0x8FFFFFFF  }
0x9e: {  	s18 =	sld [smem:$0x3FDB];
	_ =	sdelay $0x1  }
0x9f: {  	s19 =	simm.s32 $_scs_section_size  }
0xa0: {  	s5 =	simm.s32 $_size__tile_overlayer_lowered;
	s6 =	simm.s32 $_tile_overlayer_lowered  }
0xa1: {  	s22 =	simm.s32 $0x1BFF;
	s21 =	sshll.u32 s6, $0x1;
	s3 =	sadd.s32 s19, s18  }
0xa2: {  	s7 =	simm.s32 $0x0;
	s20 =	sshll.u32 s5, $0x1;
	s5 =	sadd.s32 s21, s3  }
0xa3: {  	[timem:s7], [sflag:s22] =	dma.local [hbm:s5], s20  }
0xa4: {  	_ =	swait.ge [sflag:s22], s20  }
0xa5: {  	s4 =	ssub.s32 $0x0, s20;
	[sflag:s22] =	ssyncset.done $0x0  }
0xa6: {  	[sflag:s22] =	ssyncadd.s32 s4;
	_ =	sdelay $0x1  }
0xa7: {  	s23 =	simm.s32 $0x1B8B  }
0xa8: {  	_ =	swait.ge [sflag:s23], $0x1  }
0xa9: {  	[sflag:s23] =	ssyncset.done $0x0  }
0xaa: {  	s25 =	simm.s32 $0x1B8E;
	s24 =	sld [smem:$0x3FFE];
	[sflag:s23] =	ssyncadd.s32 $0xFFFFFFFF  }
0xab: {  	s26 =	simm.s32 $execute0_lowered;
	[smem:$0x3FD2] =	sst s25  }
0xac: {  	s5 =	sshll.u32 s26, $0x1;
	_ =	strace $0x8000004F;
	[dreg:$0x1] =	wrdreg $0xFFFFFFFF  }
0xad: {  	s28 =	simm.s32 $_size_execute0_lowered;
	s3 =	sadd.s32 s3, s5;
	[dreg:$0x0] =	wrdreg $0x0  }
0xae: {  	s5 =	sshll.u32 s28, $0x1;
	[dreg:$0x2] =	wrdreg s3  }
0xaf: {  	[dreg:$0x3] =	wrdreg s5  }
0xb0: {  	[dreg:$0x4] =	wrdreg $0xC0  }
0xb1: {  	_ =	task [dreg:s7], $0x5FFFF  }
0xb2: {  	[dreg:$0x1] =	wrdreg $0xFFFFFFFF  }
0xb3: {  	[dreg:$0x0] =	wrdreg $0x60  }
0xb4: {  	[dreg:$0x2] =	wrdreg s16  }
0xb5: {  	[dreg:$0x3] =	wrdreg s24  }
0xb6: {  	[dreg:$0x4] =	wrdreg $0x9  }
0xb7: {  	_ =	task.clear_ibuf [dreg:s7], $0x5FFFF;
	_ =	strace $0x9000004F  }
0xb8: {  	s29 =	simm.s32 $0x9;
	_ =	strace $0x80000051  }
0xb9: {  	_ =	swait.ge [sflag:s29], $0x1  }
0xba: {  	[sflag:s29] =	ssyncadd.s32 $0xFFFFFFFF  }
0xbb: {  	_ =	strace $0x90000051  }
0xbc: {  	_ =	sfence  }
0xbd: {  	s30 =	sld [smem:$0x0];
	_ =	sdelay $0x2  }
0xbe: {  	s31 =	sshll.u32 s1, $0xD;
	s1 =	sshrl.u32 s1, $0x2  }
0xbf: {  	s3 =	sand.u32 $0x4000, s31;
	s1 =	sadd.s32 s1, s30  }
0xc0: {  	s0 =	sor.u32 s3, s0;
	s1 =	sshll.u32 s1, $0x11  }
0xc1: {  	s0 =	sor.u32 s1, s0  }
0xc2: {  	s0 =	sadd.s32 $0x8F2B, s0  }
0xc3: {  	[sflag:s0] =	ssyncadd.remote.s32 $0x1  }
0xc4: {  	_ =	sfence.sel $0xFFFF  }
0xc5: {  	[dreg:$0x0] =	wrdreg $0xFFFFFFFF;
	(pc) =	sbr.abs _section_cstart, $3  }
0xc6: {  	[dreg:$0x1] =	wrdreg $0xFFFFFFFF  }
0xc7: {  	_ =	task.clear_ibuf [dreg:s7], $0x2FFFF;
	_ =	strace $0x9FFFFFFF  }
0xc8: {  	(tm) =	ssettm $0x7FFFFFFF  }
0xc9: {  	_ =	shalt  }
tec
execute0_lowered:
.L_overlay_start_1:
0x0: {  	(tag) =	ssettag $0x1  }
0x1: {  	s2 =	rddreg [dreg:$0x0]  }
0x2: {  	s0 =	srdreg.scid;
	s4 =	rddreg [dreg:$0x1]  }
0x3: {  	s1 =	stileid.u32;
	s3 =	simm.s32 $0x0;
	s13 =	simm.s32 $0x190  }
0x4: {  	s14 =	simm.s32 $0x4E20;
	s15 =	simm.s32 $0x8020;
	s16 =	simm.s32 $0x1  }
0x5: {  	s17 =	simm.s32 $0xB220;
	s18 =	simm.s32 $0xE420;
	s6 =	sand.u32 $0x1, s0  }
0x6: {  	s19 =	simm.s32 $0x2;
	s20 =	simm.s32 $0x0;
	s5 =	sshll.u32 s6, $0x4  }
0x7: {  	s0 =	rddreg [dreg:$0x2];
	s12 =	smul.u32 $0x9C40, s1;
	s5 =	sor.u32 s1, s5  }
0x8: {  	[smem:$0x7FF] =	sst s3;
	s9 =	sadd.s32 $0x2C400, s4;
	s7 =	smul.u32 $0x4E2, s5  }
0x9: {  	s10 =	sadd.s32 $0x164C00, s4;
	s8 =	ssub.s32 $0x2, s6;
	s5 =	smul.u32 $0x4E200, s5  }
0xa: {  	_ =	strace $0x80000050;
	s31 =	smul.u32 $0x9C400, s6;
	s29 =	sshrl.u32 s8, $0x1  }
0xb: {  	s8 =	ssub.s32 s8, s29;
	s7 =	sadd.s32 s7, s4;
	s11 =	sshrl.u32 s5, $0x3  }
0xc: {  	s8 =	smax.u32 s8, $0x1;
	s4 =	sadd.s32 $0x22600, s7;
	s30 =	sadd.s32 $0x9600, s11  }
0xd: {  	s5 =	sadd.s32 $0x18800, s7;
	s11 =	simm.s32 $0x3;
	s6 =	sadd.s32 s9, s30  }
0xe: {  	s7 =	sadd.s32 s10, s30;
	s9 =	sadd.s32 s31, s9;
	s10 =	sadd.s32 s31, s10  }
0xf: {  	s9 =	sadd.s32 s12, s9;
	s10 =	sadd.s32 s12, s10;
	s12 =	simm.s32 $0x2710  }
.LBB2_1:
0x10: {  	[tilespmem:s3], [sflag:$0x3] =	stream.linear.gather [hbm4b:s4+s3], $0x2710, $0x38;
	[tilespmem:$0x11620] =	vst v63  }
0x11: {  	_ =	swait.ge [sflag:s11], $0x2710  }
0x12: {  	[sflag:s11] =	ssyncset.done $0x0  }
0x13: {  	[sflag:s11] =	ssyncadd.s32 $0xFFFFD8F0  }
0x14: {  	[tilespmem:s12], [sflag:$0x3] =	stream.linear.gather [hbm4b:s5+s3], $0x2710, $0x38;
	[tilespmem:$0x11620] =	vst v63  }
0x15: {  	_ =	swait.ge [sflag:s11], $0x2710  }
0x16: {  	[sflag:s11] =	ssyncset.done $0x0  }
0x17: {  	[sflag:s11] =	ssyncadd.s32 $0xFFFFD8F0  }
0x18: {  	[tilespmem:s14], [sflag:$0x1] =	stream.indirect.gather [hbm4b:s2+s13], $0x20, s3, s13, $0xb8;
	[tilespmem:$0x11620] =	vst v63  }
0x19: {  	_ = 	snop  }
0x1a: {  	[tilespmem:s15], [sflag:$0x1] =	stream.indirect.gather [hbm4b:s2+s13], $0x20, s12, s13, $0xb8;
	[tilespmem:$0x11620] =	vst v63  }
0x1b: {  	_ =	swait.ge [sflag:s16], $0x3200  }
0x1c: {  	[sflag:s16] =	ssyncset.done $0x0  }
0x1d: {  	[sflag:s16] =	ssyncadd.s32 $0xFFFFCE00  }
0x1e: {  	_ =	swait.ge [sflag:s16], $0x3200  }
0x1f: {  	[sflag:s16] =	ssyncset.done $0x0  }
0x20: {  	s21 =	simm.s32 $0x190;
	[sflag:s16] =	ssyncadd.s32 $0xFFFFCE00  }
0x21: {  	[tilespmem:s17], [sflag:$0x2] =	stream.indirect.gather [hbm4b:s2+s13], $0x20, s21, s13, $0xb8;
	[tilespmem:$0x11620] =	vst v63  }
0x22: {  	s28 =	simm.s32 $0x28A0  }
0x23: {  	[tilespmem:s18], [sflag:$0x2] =	stream.indirect.gather [hbm4b:s2+s13], $0x20, s28, s13, $0xb8;
	[tilespmem:$0x11620] =	vst v63  }
0x24: {  	s29 =	sadd.s32 $0x0, s9  }
0x25: {  	[hbm4b:s29+s3] =	stream.linear.scatter [tilespmem:s14], [sflag:$0x3], $0x3200, $0x38;
	[tilespmem:$0x11620] =	vst v63  }
0x26: {  	_ =	swait.ge [sflag:s11], $0x3200  }
0x27: {  	[sflag:s11] =	ssyncset.done $0x0  }
0x28: {  	s22 =	sadd.s32 $0x0, s10;
	[sflag:s11] =	ssyncadd.s32 $0xFFFFCE00  }
0x29: {  	[hbm4b:s22+s3] =	stream.linear.scatter [tilespmem:s15], [sflag:$0x3], $0x3200, $0x38;
	[tilespmem:$0x11620] =	vst v63  }
0x2a: {  	_ =	swait.ge [sflag:s11], $0x3200  }
0x2b: {  	[sflag:s11] =	ssyncset.done $0x0  }
0x2c: {  	s23 =	simm.s32 $0x320;
	[sflag:s11] =	ssyncadd.s32 $0xFFFFCE00  }
0x2d: {  	[tilespmem:s14], [sflag:$0x1] =	stream.indirect.gather [hbm4b:s2+s13], $0x20, s23, s13, $0xb8;
	[tilespmem:$0x11620] =	vst v63  }
0x2e: {  	s30 =	simm.s32 $0x2A30  }
0x2f: {  	[tilespmem:s15], [sflag:$0x1] =	stream.indirect.gather [hbm4b:s2+s13], $0x20, s30, s13, $0xb8;
	[tilespmem:$0x11620] =	vst v63  }
0x30: {  	_ =	swait.ge [sflag:s19], $0x3200  }
0x31: {  	[sflag:s19] =	ssyncset.done $0x0  }
0x32: {  	[sflag:s19] =	ssyncadd.s32 $0xFFFFCE00  }
0x33: {  	_ =	swait.ge [sflag:s19], $0x3200  }
0x34: {  	[sflag:s19] =	ssyncset.done $0x0  }
0x35: {  	s21 =	sadd.s32 $0x640, s29;
	[sflag:s19] =	ssyncadd.s32 $0xFFFFCE00  }
0x36: {  	[hbm4b:s21+s3] =	stream.linear.scatter [tilespmem:s17], [sflag:$0x3], $0x3200, $0x38;
	[tilespmem:$0x11620] =	vst v63  }
0x37: {  	_ =	swait.ge [sflag:s11], $0x3200  }
0x38: {  	[sflag:s11] =	ssyncset.done $0x0  }
0x39: {  	s31 =	sadd.s32 $0x640, s22;
	[sflag:s11] =	ssyncadd.s32 $0xFFFFCE00  }
0x3a: {  	[hbm4b:s31+s3] =	stream.linear.scatter [tilespmem:s18], [sflag:$0x3], $0x3200, $0x38;
	[tilespmem:$0x11620] =	vst v63  }
0x3b: {  	_ =	swait.ge [sflag:s11], $0x3200  }
0x3c: {  	[sflag:s11] =	ssyncset.done $0x0  }
0x3d: {  	[sflag:s11] =	ssyncadd.s32 $0xFFFFCE00  }
0x3e: {  	_ =	swait.ge [sflag:s16], $0x3200  }
0x3f: {  	[sflag:s16] =	ssyncset.done $0x0  }
0x40: {  	[sflag:s16] =	ssyncadd.s32 $0xFFFFCE00  }
0x41: {  	s24 =	simm.s32 $0x1900;
	_ =	swait.ge [sflag:s16], $0x3200  }
0x42: {  	s23 =	simm.s32 $0x320;
	s21 =	simm.s32 $0xC80;
	[sflag:s16] =	ssyncset.done $0x0  }
.LBB2_2:
0x43: {  	s25 =	sadd.s32 $0x190, s23  }
0x44: {  	[sflag:s16] =	ssyncadd.s32 $0xFFFFCE00;
	s26 =	smov.u32 s24;
	s22 =	sadd.s32 $0xC80, s24  }
0x45: {  	[tilespmem:s17], [sflag:$0x2] =	stream.indirect.gather [hbm4b:s2+s13], $0x20, s25, s13, $0xb8;
	[tilespmem:$0x11620] =	vst v63  }
0x46: {  	p0 =	sne.s32 s24, $0x8980;
	s24 =	sadd.s32 $0x28A0, s23  }
0x47: {  	[tilespmem:s18], [sflag:$0x2] =	stream.indirect.gather [hbm4b:s2+s13], $0x20, s24, s13, $0xb8;
	[tilespmem:$0x11620] =	vst v63  }
0x48: {  	s24 =	sadd.s32 s21, s9  }
0x49: {  	[hbm4b:s24+s3] =	stream.linear.scatter [tilespmem:s14], [sflag:$0x3], $0x3200, $0x38;
	[tilespmem:$0x11620] =	vst v63  }
0x4a: {  	_ =	swait.ge [sflag:s11], $0x3200  }
0x4b: {  	[sflag:s11] =	ssyncset.done $0x0  }
0x4c: {  	s25 =	sadd.s32 s21, s10;
	s21 =	smov.u32 s26;
	[sflag:s11] =	ssyncadd.s32 $0xFFFFCE00  }
0x4d: {  	[hbm4b:s25+s3] =	stream.linear.scatter [tilespmem:s15], [sflag:$0x3], $0x3200, $0x38;
	[tilespmem:$0x11620] =	vst v63  }
0x4e: {  	_ =	swait.ge [sflag:s11], $0x3200  }
0x4f: {  	[sflag:s11] =	ssyncset.done $0x0  }
0x50: {  	s26 =	sadd.s32 $0x320, s23;
	[sflag:s11] =	ssyncadd.s32 $0xFFFFCE00  }
0x51: {  	[tilespmem:s14], [sflag:$0x1] =	stream.indirect.gather [hbm4b:s2+s13], $0x20, s26, s13, $0xb8;
	[tilespmem:$0x11620] =	vst v63  }
0x52: {  	s23 =	sadd.s32 $0x2A30, s23  }
0x53: {  	[tilespmem:s15], [sflag:$0x1] =	stream.indirect.gather [hbm4b:s2+s13], $0x20, s23, s13, $0xb8;
	[tilespmem:$0x11620] =	vst v63  }
0x54: {  	_ =	swait.ge [sflag:s19], $0x3200  }
0x55: {  	[sflag:s19] =	ssyncset.done $0x0  }
0x56: {  	[sflag:s19] =	ssyncadd.s32 $0xFFFFCE00  }
0x57: {  	_ =	swait.ge [sflag:s19], $0x3200  }
0x58: {  	[sflag:s19] =	ssyncset.done $0x0  }
0x59: {  	s23 =	sadd.s32 $0x640, s24;
	[sflag:s19] =	ssyncadd.s32 $0xFFFFCE00  }
0x5a: {  	[hbm4b:s23+s3] =	stream.linear.scatter [tilespmem:s17], [sflag:$0x3], $0x3200, $0x38;
	[tilespmem:$0x11620] =	vst v63  }
0x5b: {  	_ =	swait.ge [sflag:s11], $0x3200  }
0x5c: {  	[sflag:s11] =	ssyncset.done $0x0  }
0x5d: {  	s23 =	sadd.s32 $0x640, s25;
	[sflag:s11] =	ssyncadd.s32 $0xFFFFCE00  }
0x5e: {  	[hbm4b:s23+s3] =	stream.linear.scatter [tilespmem:s18], [sflag:$0x3], $0x3200, $0x38;
	[tilespmem:$0x11620] =	vst v63  }
0x5f: {  	_ =	swait.ge [sflag:s11], $0x3200  }
0x60: {  	[sflag:s11] =	ssyncset.done $0x0  }
0x61: {  	[sflag:s11] =	ssyncadd.s32 $0xFFFFCE00  }
.Ltmp0:
0x62: {  	_ =	swait.ge [sflag:s16], $0x3200;
	(pc) =	sbr.rel @p0 .LBB2_2-.Ltmp0, $4  }
0x63: {  	[sflag:s16] =	ssyncset.done $0x0  }
0x64: {  	[sflag:s16] =	ssyncadd.s32 $0xFFFFCE00  }
0x65: {  	_ =	swait.ge [sflag:s16], $0x3200  }
0x66: {  	s24 =	smov.u32 s22;
	s23 =	sshra.s32 s21, $0x2;
	[sflag:s16] =	ssyncset.done $0x0  }
0x67: {  	s22 =	sadd.s32 $0x190, s23;
	[sflag:s16] =	ssyncadd.s32 $0xFFFFCE00  }
0x68: {  	[tilespmem:s17], [sflag:$0x2] =	stream.indirect.gather [hbm4b:s2+s13], $0x20, s22, s13, $0xb8;
	[tilespmem:$0x11620] =	vst v63  }
0x69: {  	s28 =	sadd.s32 $0x28A0, s23  }
0x6a: {  	[tilespmem:s18], [sflag:$0x2] =	stream.indirect.gather [hbm4b:s2+s13], $0x20, s28, s13, $0xb8;
	[tilespmem:$0x11620] =	vst v63  }
0x6b: {  	s29 =	sadd.s32 s21, s9  }
0x6c: {  	[hbm4b:s29+s3] =	stream.linear.scatter [tilespmem:s14], [sflag:$0x3], $0x3200, $0x38;
	[tilespmem:$0x11620] =	vst v63  }
0x6d: {  	_ =	swait.ge [sflag:s11], $0x3200  }
0x6e: {  	[sflag:s11] =	ssyncset.done $0x0  }
0x6f: {  	s30 =	sadd.s32 s21, s10;
	[sflag:s11] =	ssyncadd.s32 $0xFFFFCE00  }
0x70: {  	[hbm4b:s30+s3] =	stream.linear.scatter [tilespmem:s15], [sflag:$0x3], $0x3200, $0x38;
	[tilespmem:$0x11620] =	vst v63  }
0x71: {  	_ =	swait.ge [sflag:s11], $0x3200  }
0x72: {  	[sflag:s11] =	ssyncset.done $0x0  }
0x73: {  	s24 =	sadd.s32 $0x320, s23;
	[sflag:s11] =	ssyncadd.s32 $0xFFFFCE00  }
0x74: {  	[tilespmem:s14], [sflag:$0x1] =	stream.indirect.gather [hbm4b:s2+s13], $0x20, s24, s13, $0xb8;
	[tilespmem:$0x11620] =	vst v63  }
0x75: {  	s31 =	sadd.s32 $0x2A30, s23  }
0x76: {  	[tilespmem:s15], [sflag:$0x1] =	stream.indirect.gather [hbm4b:s2+s13], $0x20, s31, s13, $0xb8;
	[tilespmem:$0x11620] =	vst v63  }
0x77: {  	_ =	swait.ge [sflag:s19], $0x3200  }
0x78: {  	[sflag:s19] =	ssyncset.done $0x0  }
0x79: {  	[sflag:s19] =	ssyncadd.s32 $0xFFFFCE00  }
0x7a: {  	_ =	swait.ge [sflag:s19], $0x3200  }
0x7b: {  	[sflag:s19] =	ssyncset.done $0x0  }
0x7c: {  	s22 =	sadd.s32 $0x640, s29;
	[sflag:s19] =	ssyncadd.s32 $0xFFFFCE00  }
0x7d: {  	[hbm4b:s22+s3] =	stream.linear.scatter [tilespmem:s17], [sflag:$0x3], $0x3200, $0x38;
	[tilespmem:$0x11620] =	vst v63  }
0x7e: {  	_ =	swait.ge [sflag:s11], $0x3200  }
0x7f: {  	[sflag:s11] =	ssyncset.done $0x0  }
0x80: {  	s21 =	sadd.s32 $0x640, s30;
	[sflag:s11] =	ssyncadd.s32 $0xFFFFCE00  }
0x81: {  	[hbm4b:s21+s3] =	stream.linear.scatter [tilespmem:s18], [sflag:$0x3], $0x3200, $0x38;
	[tilespmem:$0x11620] =	vst v63  }
0x82: {  	_ =	swait.ge [sflag:s11], $0x3200  }
0x83: {  	[sflag:s11] =	ssyncset.done $0x0  }
0x84: {  	[sflag:s11] =	ssyncadd.s32 $0xFFFFCE00  }
0x85: {  	_ =	swait.ge [sflag:s16], $0x3200  }
0x86: {  	[sflag:s16] =	ssyncset.done $0x0  }
0x87: {  	[sflag:s16] =	ssyncadd.s32 $0xFFFFCE00  }
0x88: {  	_ =	swait.ge [sflag:s16], $0x3200  }
0x89: {  	[sflag:s16] =	ssyncset.done $0x0  }
0x8a: {  	[sflag:s16] =	ssyncadd.s32 $0xFFFFCE00  }
0x8b: {  	[hbm4b:s6+s3] =	stream.linear.scatter [tilespmem:s14], [sflag:$0x3], $0x3200, $0x38;
	[tilespmem:$0x11620] =	vst v63  }
0x8c: {  	s20 =	sadd.s32 $0x1, s20;
	_ =	swait.ge [sflag:s11], $0x3200  }
0x8d: {  	p0 =	sne.s32 s20, s8;
	[sflag:s11] =	ssyncset.done $0x0  }
.Ltmp1:
0x8e: {  	[sflag:s11] =	ssyncadd.s32 $0xFFFFCE00;
	(pc) =	sbr.rel @p0 .LBB2_1-.Ltmp1, $4  }
0x8f: {  	[hbm4b:s7+s3] =	stream.linear.scatter [tilespmem:s15], [sflag:$0x3], $0x3200, $0x38;
	[tilespmem:$0x11620] =	vst v63  }
0x90: {  	_ =	swait.ge [sflag:s11], $0x3200  }
0x91: {  	[sflag:s11] =	ssyncset.done $0x0  }
0x92: {  	[sflag:s11] =	ssyncadd.s32 $0xFFFFCE00  }
0x93: {  	_ =	sfence.sel $0x180000  }
0x94: {  	[bflag:$0x0] =	sbarrier.arrive $0xFFFF  }
0x95: {  	p0 =	sne.s32 s1, $0x0;
	_ =	strace $0x90000050  }
0x96: {  	s0 =	sadd.s32 @!p0 $0x100000, s0;
	[bflag:$0x2] =	sbarrier.arrive $0xFFFF  }
0x97: {  	[sflag:s0] =	ssyncadd.tile.s32 @!p0 $0x1;
	_ =	shalt  }
.Lfunc_end2:
_tile_overlayer_lowered:
.L_overlay_start_2:
0x98: {  	(tag) =	ssettag $0x2  }
0x99: {  	s0 =	rddreg [dreg:$0x0];
	s2 =	stileid.u32  }
0x9a: {  	s1 =	rddreg [dreg:$0x1];
	p0 =	sne.s32 s2, $0x0  }
0x9b: {  	s3 =	rddreg [dreg:$0x2];
	[bflag:$0x3] =	sbarrier.arrive $0xFFFF;
	s2 =	simm.s32 @!p0 $0x1C03  }
0x9c: {  	[timem:s3], [sflag:s2] =	dma.local @!p0 [hbm:s0], s1  }
0x9d: {  	s0 =	simm.s32 @!p0 $0x3  }
0x9e: {  	_ =	swait.ge @!p0 [sflag:s0], s1  }
0x9f: {  	s1 =	ssub.s32 @!p0 $0x0, s1;
	[sflag:s0] =	ssyncset.done @!p0 $0x0  }
0xa0: {  	[sflag:s0] =	ssyncadd.s32 @!p0 s1  }
0xa1: {  	[bflag:$0x3] =	sbarrier.arrive $0xFFFF  }
0xa2: {  	_ =	shalt  }

</sc_bundles>
